<compile_context>
chip_gen: v7x
topology: tpu7x:2x2x1
jax: 0.10.2.dev20260603
libtpu: 0.0.44.dev20260713+nightly
codegen_flags: <defaults>
</compile_context>

<pallas_src>
import functools

import jax
import jax.numpy as jnp
from jax import lax
from jax.experimental import pallas as pl
from jax.experimental.pallas import tpu as pltpu
from jax.experimental.pallas import tpu_sc as plsc

N = 10000
E = 320000
H = 128
G = 64
C = 10

NC = 2
NS = 16
NW = NC * NS
EPT = E // NW
CH = 128
NFULL = EPT // CH
REM = EPT - NFULL * CH
RPT = 624
TAIL = N - NS * RPT

ROWS = 1000
NBLK = N // ROWS


def _sc_agg_body(x_hbm, src_hbm, dst_hbm, zeros_hbm, out_hbm,
                 si0, di0, rows0, si1, di1, rows1,
                 si2, di2, rows2, acc, gsem0, gsem1, sem):
    c = lax.axis_index("c")
    s = lax.axis_index("s")
    wid = s * NC + c
    si = (si0, si1)
    di = (di0, di1)
    rows = (rows0, rows1)
    gsem = (gsem0, gsem1)

    pltpu.sync_copy(zeros_hbm.at[pl.ds(0, RPT)], acc.at[pl.ds(s * RPT, RPT)])

    @pl.when(s == NS - 1)
    def _zero_tail():
        pltpu.sync_copy(zeros_hbm.at[pl.ds(0, TAIL)],
                        acc.at[pl.ds(NS * RPT, TAIL)])

    plsc.subcore_barrier()

    base0 = wid * EPT

    for j in range(2):
        b = pl.multiple_of(base0 + j * CH, 8)
        pltpu.sync_copy(src_hbm.at[pl.ds(b, CH)], si[j])
        pltpu.sync_copy(dst_hbm.at[pl.ds(b, CH)], di[j])
        pltpu.async_copy(x_hbm.at[si[j]], rows[j], gsem[j])

    def body(i, carry):
        for j in range(2):
            k = 2 * i + j
            pltpu.make_async_copy(x_hbm.at[si[j]], rows[j], gsem[j]).wait()
            pltpu.sync_copy(rows[j], acc.at[di[j]], add=True)

            @pl.when(k + 2 < NFULL)
            def _refill():
                b = pl.multiple_of(base0 + (k + 2) * CH, 8)
                pltpu.sync_copy(src_hbm.at[pl.ds(b, CH)], si[j])
                pltpu.sync_copy(dst_hbm.at[pl.ds(b, CH)], di[j])
                pltpu.async_copy(x_hbm.at[si[j]], rows[j], gsem[j])

        return carry

    lax.fori_loop(0, NFULL // 2, body, 0)

    b = pl.multiple_of(base0 + NFULL * CH, 8)
    pltpu.sync_copy(src_hbm.at[pl.ds(b, REM)], si2)
    pltpu.sync_copy(dst_hbm.at[pl.ds(b, REM)], di2)
    pltpu.async_copy(x_hbm.at[si2], rows2, sem).wait()
    pltpu.sync_copy(rows2, acc.at[di2], add=True)

    plsc.subcore_barrier()
    pltpu.sync_copy(acc.at[pl.ds(s * RPT, RPT)],
                    out_hbm.at[c, pl.ds(s * RPT, RPT)])

    @pl.when(s == NS - 1)
    def _write_tail():
        pltpu.sync_copy(acc.at[pl.ds(NS * RPT, TAIL)],
                        out_hbm.at[c, pl.ds(NS * RPT, TAIL)])


@functools.cache
def _sc_agg_kernel():
    return functools.partial(
        pl.kernel,
        out_type=jax.ShapeDtypeStruct((NC, N, H), jnp.float32),
        mesh=plsc.VectorSubcoreMesh(
            core_axis_name="c", subcore_axis_name="s",
            num_cores=NC, num_subcores=NS),
        scratch_types=[
            pltpu.VMEM((CH,), jnp.int32),
            pltpu.VMEM((CH,), jnp.int32),
            pltpu.VMEM((CH, H), jnp.float32),
            pltpu.VMEM((CH,), jnp.int32),
            pltpu.VMEM((CH,), jnp.int32),
            pltpu.VMEM((CH, H), jnp.float32),
            pltpu.VMEM((REM,), jnp.int32),
            pltpu.VMEM((REM,), jnp.int32),
            pltpu.VMEM((REM, H), jnp.float32),
            pltpu.VMEM_SHARED((N, H), jnp.float32),
            pltpu.SemaphoreType.DMA,
            pltpu.SemaphoreType.DMA,
            pltpu.SemaphoreType.DMA,
        ],
    )(_sc_agg_body)


def _sc_agg(h_in, src, dst, zeros):
    return _sc_agg_kernel()(h_in, src, dst, zeros)


def _conv_body(a0_ref, a1_ref, x_ref, wr_ref, wo_ref, b_ref,
               brow_ref, bcol_ref, lo_ref, hi_ref,
               h_ref, gmax_ref, gsum_ref, cnt_ref):
    step = pl.program_id(0)

    @pl.when(step == 0)
    def _init():
        gmax_ref[...] = jnp.zeros_like(gmax_ref)
        gsum_ref[...] = jnp.zeros_like(gsum_ref)
        cnt_ref[...] = jnp.zeros_like(cnt_ref)

    agg = a0_ref[0] + a1_ref[0]
    h = jnp.dot(agg, wr_ref[...], preferred_element_type=jnp.float32)
    h += jnp.dot(x_ref[...], wo_ref[...], preferred_element_type=jnp.float32)
    h = jnp.maximum(h + b_ref[0:1, :], 0.0)
    h_ref[...] = h

    brow = brow_ref[0]
    giota = lax.broadcasted_iota(jnp.int32, (G, ROWS), 0)
    maskT = (giota == brow).astype(jnp.float32)
    gsum_ref[...] += jnp.dot(maskT, h, preferred_element_type=jnp.float32)
    cnt_ref[...] += jnp.dot(maskT, jnp.ones((ROWS, H), jnp.float32),
                            preferred_element_type=jnp.float32)

    bcol = bcol_ref[0]
    lo = lo_ref[step, 0]
    hi = hi_ref[step, 0]

    def gbody(g, carry):
        sel = jnp.where(bcol == g, h, 0.0)
        m = jnp.max(sel, axis=0, keepdims=True)
        cur = gmax_ref[pl.ds(g, 1), :]
        gmax_ref[pl.ds(g, 1), :] = jnp.maximum(cur, m)
        return carry

    lax.fori_loop(lo, hi + 1, gbody, 0)


def _conv_call(a2, x, w_rel, b8, w_root, brow3, bcol3, lo2, hi2):
    return pl.pallas_call(
        _conv_body,
        grid=(NBLK,),
        in_specs=[
            pl.BlockSpec((1, ROWS, H), lambda i: (0, i, 0)),
            pl.BlockSpec((1, ROWS, H), lambda i: (1, i, 0)),
            pl.BlockSpec((ROWS, H), lambda i: (i, 0)),
            pl.BlockSpec((H, H), lambda i: (0, 0)),
            pl.BlockSpec((H, H), lambda i: (0, 0)),
            pl.BlockSpec((8, H), lambda i: (0, 0)),
            pl.BlockSpec((1, 1, ROWS), lambda i: (i, 0, 0)),
            pl.BlockSpec((1, ROWS, 1), lambda i: (i, 0, 0)),
            pl.BlockSpec(memory_space=pltpu.SMEM),
            pl.BlockSpec(memory_space=pltpu.SMEM),
        ],
        out_specs=[
            pl.BlockSpec((ROWS, H), lambda i: (i, 0)),
            pl.BlockSpec((G, H), lambda i: (0, 0)),
            pl.BlockSpec((G, H), lambda i: (0, 0)),
            pl.BlockSpec((G, H), lambda i: (0, 0)),
        ],
        out_shape=[
            jax.ShapeDtypeStruct((N, H), jnp.float32),
            jax.ShapeDtypeStruct((G, H), jnp.float32),
            jax.ShapeDtypeStruct((G, H), jnp.float32),
            jax.ShapeDtypeStruct((G, H), jnp.float32),
        ],
    )(a2, a2, x, w_rel, w_root, b8, brow3, bcol3, lo2, hi2)


def _head_body(gm1, gs1, c1, gm2, gs2, c2, gm3, gs3, c3,
               a1, a2, a3, a4, a5, a6, b1_ref, w2_ref, b2_ref,
               w3_ref, b3_ref, out_ref):
    def mean(gs, cn):
        return gs[...] / jnp.maximum(cn[...], 1.0)

    f32 = jnp.float32
    t = jnp.dot(gm1[...], a1[...], preferred_element_type=f32)
    t += jnp.dot(mean(gs1, c1), a2[...], preferred_element_type=f32)
    t += jnp.dot(gm2[...], a3[...], preferred_element_type=f32)
    t += jnp.dot(mean(gs2, c2), a4[...], preferred_element_type=f32)
    t += jnp.dot(gm3[...], a5[...], preferred_element_type=f32)
    t += jnp.dot(mean(gs3, c3), a6[...], preferred_element_type=f32)
    t = jnp.maximum(t + b1_ref[0:1, :], 0.0)
    u = jnp.dot(t, w2_ref[...], preferred_element_type=f32)
    u = jnp.maximum(u + b2_ref[0:1, :], 0.0)
    v = jnp.dot(u, w3_ref[...], preferred_element_type=f32) + b3_ref[0:1, :]
    m = jnp.max(v, axis=1, keepdims=True)
    lse = jnp.log(jnp.sum(jnp.exp(v - m), axis=1, keepdims=True)) + m
    out_ref[...] = v - lse


def _head_call(args):
    return pl.pallas_call(
        _head_body,
        out_shape=jax.ShapeDtypeStruct((G, C), jnp.float32),
    )(*args)


def kernel(x, edge_index, batch, W1_rel, b1, W1_root, W2_rel, b2, W2_root,
           W3_rel, b3, W3_root, Wl1, bl1, Wl2, bl2, Wl3, bl3):
    src = edge_index[0].astype(jnp.int32)
    dst = edge_index[1].astype(jnp.int32)
    batch_i = batch.astype(jnp.int32)
    zeros = jnp.zeros((RPT, H), jnp.float32)

    brow3 = batch_i.reshape(NBLK, 1, ROWS)
    bcol3 = batch_i.reshape(NBLK, ROWS, 1)
    b2d = batch_i.reshape(NBLK, ROWS)
    lo2 = b2d[:, :1]
    hi2 = b2d[:, -1:]

    def conv(h_in, w_rel, bvec, w_root):
        acc2 = _sc_agg(h_in, src, dst, zeros)
        b8 = jnp.broadcast_to(bvec.reshape(1, H), (8, H))
        return _conv_call(acc2, h_in, w_rel, b8, w_root,
                          brow3, bcol3, lo2, hi2)

    h1, gmax1, gsum1, cnt1 = conv(x, W1_rel, b1, W1_root)
    h2, gmax2, gsum2, cnt2 = conv(h1, W2_rel, b2, W2_root)
    _, gmax3, gsum3, cnt3 = conv(h2, W3_rel, b3, W3_root)

    a_slices = [Wl1[i * H:(i + 1) * H, :] for i in range(6)]
    b1_8 = jnp.broadcast_to(bl1.reshape(1, H), (8, H))
    b2_8 = jnp.broadcast_to(bl2.reshape(1, H // 2), (8, H // 2))
    b3_8 = jnp.broadcast_to(bl3.reshape(1, C), (8, C))
    return _head_call([gmax1, gsum1, cnt1, gmax2, gsum2, cnt2,
                       gmax3, gsum3, cnt3, *a_slices,
                       b1_8, Wl2, b2_8, Wl3, b3_8])

# --- scband reference (transcript-rebuilt; emitter-appended) ---
"""Pipeline reference for scband-net-80092550136076 (READ-ONLY COPY).

The authoritative reference and input builder live on the scoring server;
editing this copy changes nothing except your own understanding.
"""

import jax, jax.numpy as jnp
import numpy as np

N = 10000
E = 320000
F_IN = 128
H = 128
C = 10
G = 64


def graph_conv(x, src, dst, W_rel, b_rel, W_root, num_nodes):
    # PyG GraphConv (aggr='add'): out = lin_rel(sum_j x_j) + lin_root(x)
    agg = jax.ops.segment_sum(x[src], dst, num_segments=num_nodes)
    return agg @ W_rel + b_rel + x @ W_root


def readout(x, batch, num_graphs):
    # cat([global_max_pool, global_mean_pool], dim=1)
    gmax = jax.ops.segment_max(x, batch, num_segments=num_graphs)
    gmax = jnp.where(jnp.isfinite(gmax), gmax, 0.0)
    gsum = jax.ops.segment_sum(x, batch, num_segments=num_graphs)
    cnt = jax.ops.segment_sum(jnp.ones((x.shape[0], 1), dtype=x.dtype), batch, num_segments=num_graphs)
    gmean = gsum / jnp.maximum(cnt, 1.0)
    return jnp.concatenate([gmax, gmean], axis=1)


def setup_inputs(seed: int = 0) -> dict:
    key = jax.random.key(seed)
    ks = jax.random.split(key, 16)
    x = jax.random.normal(ks[0], (N, F_IN), dtype=jnp.float32)
    edge_index = jax.random.randint(ks[1], (2, E), 0, N, dtype=jnp.int64)
    batch = jnp.sort(jax.random.randint(ks[2], (N,), 0, G, dtype=jnp.int64))
    s = 0.05
    params = {
        'W1_rel': jax.random.normal(ks[3], (F_IN, H), dtype=jnp.float32) * s,
        'b1': jnp.zeros((H,), dtype=jnp.float32),
        'W1_root': jax.random.normal(ks[4], (F_IN, H), dtype=jnp.float32) * s,
        'W2_rel': jax.random.normal(ks[5], (H, H), dtype=jnp.float32) * s,
        'b2': jnp.zeros((H,), dtype=jnp.float32),
        'W2_root': jax.random.normal(ks[6], (H, H), dtype=jnp.float32) * s,
        'W3_rel': jax.random.normal(ks[7], (H, H), dtype=jnp.float32) * s,
        'b3': jnp.zeros((H,), dtype=jnp.float32),
        'W3_root': jax.random.normal(ks[8], (H, H), dtype=jnp.float32) * s,
        'Wl1': jax.random.normal(ks[9], (H * 2 * 3, H), dtype=jnp.float32) * s,
        'bl1': jnp.zeros((H,), dtype=jnp.float32),
        'Wl2': jax.random.normal(ks[10], (H, H // 2), dtype=jnp.float32) * s,
        'bl2': jnp.zeros((H // 2,), dtype=jnp.float32),
        'Wl3': jax.random.normal(ks[11], (H // 2, C), dtype=jnp.float32) * s,
        'bl3': jnp.zeros((C,), dtype=jnp.float32),
    }
    return {'x': x, 'edge_index': edge_index, 'batch': batch, **params}


def reference(x, edge_index, batch, W1_rel, b1, W1_root, W2_rel, b2, W2_root, W3_rel, b3, W3_root, Wl1, bl1, Wl2, bl2, Wl3, bl3):
    src = edge_index[0]
    dst = edge_index[1]
    h = jax.nn.relu(graph_conv(x, src, dst, W1_rel, b1, W1_root, N))
    x1 = readout(h, batch, G)
    h = jax.nn.relu(graph_conv(h, src, dst, W2_rel, b2, W2_root, N))
    x2 = readout(h, batch, G)
    h = jax.nn.relu(graph_conv(h, src, dst, W3_rel, b3, W3_root, N))
    x3 = readout(h, batch, G)
    z = jnp.concatenate([x1, x2, x3], axis=1)
    z = jax.nn.relu(z @ Wl1 + bl1)
    # dropout is identity in eval mode
    z = jax.nn.relu(z @ Wl2 + bl2)
    out = jax.nn.log_softmax(z @ Wl3 + bl3, axis=-1)
    return out

if __name__ == "__main__":
    import jax
    _d = setup_inputs()
    print(jax.jit(kernel)(*tuple(_d.values())))

</pallas_src>

<mosaic_0001>
#map = affine_map<(d0, d1) -> (0, 0)>
#map1 = affine_map<(d0, d1) -> (0)>
#map2 = affine_map<(d0, d1) -> (0, 0, 0)>
module attributes {stable_mosaic.version = 14 : i64} {
  func.func @_sc_agg_body(%arg0: i32, %arg1: i32, %arg2: memref<10000x128xf32, #tpu.memory_space<hbm>>, %arg3: memref<320000xi32, #tpu.memory_space<hbm>>, %arg4: memref<320000xi32, #tpu.memory_space<hbm>>, %arg5: memref<624x128xf32, #tpu.memory_space<hbm>>, %arg6: memref<2x10000x128xf32, #tpu.memory_space<hbm>>, %arg7: memref<128xi32, #tpu.memory_space<vmem>>, %arg8: memref<128xi32, #tpu.memory_space<vmem>>, %arg9: memref<128x128xf32, #tpu.memory_space<vmem>>, %arg10: memref<128xi32, #tpu.memory_space<vmem>>, %arg11: memref<128xi32, #tpu.memory_space<vmem>>, %arg12: memref<128x128xf32, #tpu.memory_space<vmem>>, %arg13: memref<16xi32, #tpu.memory_space<vmem>>, %arg14: memref<16xi32, #tpu.memory_space<vmem>>, %arg15: memref<16x128xf32, #tpu.memory_space<vmem>>, %arg16: memref<10000x128xf32, #tpu.memory_space<vmem_shared>>, %arg17: memref<!tpu.dma_semaphore, #tpu.memory_space<semaphore_mem>>, %arg18: memref<!tpu.dma_semaphore, #tpu.memory_space<semaphore_mem>>, %arg19: memref<!tpu.dma_semaphore, #tpu.memory_space<semaphore_mem>>) attributes {dimension_semantics = [#tpu.dimension_semantics<core_parallel>, #tpu.dimension_semantics<subcore_parallel>], iteration_bounds = array<i64: 2, 16>, scalar_prefetch = 0 : i64, scratch_operands = 13 : i64, tpu.core_type = #tpu.core_type<sc_vector_subcore>, window_params = [{transform_indices = #map}, {transform_indices = #map1}, {transform_indices = #map1}, {transform_indices = #map}, {transform_indices = #map2}]} {
    %mul3A = arith.constant 2 : i32
    %mul3A_0 = arith.muli %arg1, %mul3A : i32
    %add3A = arith.addi %mul3A_0, %arg0 : i32
    %mul3A_1 = arith.constant 624 : i32
    %mul3A_2 = arith.muli %arg1, %mul3A_1 : i32
    "tpu.region"() ({
      %run_scoped3A = tpu.sem_alloc : memref<!tpu.dma_semaphore, #tpu.memory_space<semaphore_mem>>
      %dma_start3A_40 = arith.constant 0 : i32
      %dma_start3A_41 = tpu.memref_slice %arg16[%mul3A_2, %dma_start3A_40] : memref<10000x128xf32, #tpu.memory_space<vmem_shared>> -> memref<624x128xf32, #tpu.memory_space<vmem_shared>>
      %dma_start3A_42 = arith.constant 0 : i32
      %dma_start3A_43 = arith.constant 0 : i32
      %dma_start3A_44 = tpu.memref_slice %arg5[%dma_start3A_42, %dma_start3A_43] : memref<624x128xf32, #tpu.memory_space<hbm>> -> memref<624x128xf32, #tpu.memory_space<hbm>>
      tpu.enqueue_dma source(%dma_start3A_44 : memref<624x128xf32, #tpu.memory_space<hbm>>) target(%dma_start3A_41 : memref<624x128xf32, #tpu.memory_space<vmem_shared>>) target_semaphore(%run_scoped3A : memref<!tpu.dma_semaphore, #tpu.memory_space<semaphore_mem>>)
      %dma_wait3A_45 = arith.constant 0 : i32
      %dma_wait3A_46 = tpu.memref_slice %arg16[%mul3A_2, %dma_wait3A_45] : memref<10000x128xf32, #tpu.memory_space<vmem_shared>> -> memref<624x128xf32, #tpu.memory_space<vmem_shared>>
      %dma_wait3A_47 = arith.constant 0 : i32
      %dma_wait3A_48 = arith.constant 0 : i32
      %dma_wait3A_49 = tpu.memref_slice %arg5[%dma_wait3A_47, %dma_wait3A_48] : memref<624x128xf32, #tpu.memory_space<hbm>> -> memref<624x128xf32, #tpu.memory_space<hbm>>
      tpu.wait_dma2 semaphore(%run_scoped3A : memref<!tpu.dma_semaphore, #tpu.memory_space<semaphore_mem>>) src(%dma_wait3A_49 : memref<624x128xf32, #tpu.memory_space<hbm>>) dst(%dma_wait3A_46 : memref<624x128xf32, #tpu.memory_space<vmem_shared>>)
      tpu.yield
    }) : () -> ()
    %eq3A = arith.constant 15 : i32
    %eq3A_3 = arith.cmpi eq, %arg1, %eq3A : i32
    %convert_element_type3A = arith.extui %eq3A_3 : i1 to i32
    %cond3A = arith.constant 0 : i32
    %cond3A_4 = arith.cmpi ne, %convert_element_type3A, %cond3A : i32
    scf.if %cond3A_4 {
      "tpu.region"() ({
        %run_scoped3A = tpu.sem_alloc : memref<!tpu.dma_semaphore, #tpu.memory_space<semaphore_mem>>
        %dma_start3A_40 = arith.constant 9984 : i32
        %dma_start3A_41 = arith.constant 0 : i32
        %dma_start3A_42 = tpu.memref_slice %arg16[%dma_start3A_40, %dma_start3A_41] : memref<10000x128xf32, #tpu.memory_space<vmem_shared>> -> memref<16x128xf32, #tpu.memory_space<vmem_shared>>
        %dma_start3A_43 = arith.constant 0 : i32
        %dma_start3A_44 = arith.constant 0 : i32
        %dma_start3A_45 = tpu.memref_slice %arg5[%dma_start3A_43, %dma_start3A_44] : memref<624x128xf32, #tpu.memory_space<hbm>> -> memref<16x128xf32, #tpu.memory_space<hbm>>
        tpu.enqueue_dma source(%dma_start3A_45 : memref<16x128xf32, #tpu.memory_space<hbm>>) target(%dma_start3A_42 : memref<16x128xf32, #tpu.memory_space<vmem_shared>>) target_semaphore(%run_scoped3A : memref<!tpu.dma_semaphore, #tpu.memory_space<semaphore_mem>>)
        %dma_wait3A_46 = arith.constant 9984 : i32
        %dma_wait3A_47 = arith.constant 0 : i32
        %dma_wait3A_48 = tpu.memref_slice %arg16[%dma_wait3A_46, %dma_wait3A_47] : memref<10000x128xf32, #tpu.memory_space<vmem_shared>> -> memref<16x128xf32, #tpu.memory_space<vmem_shared>>
        %dma_wait3A_49 = arith.constant 0 : i32
        %dma_wait3A_50 = arith.constant 0 : i32
        %dma_wait3A_51 = tpu.memref_slice %arg5[%dma_wait3A_49, %dma_wait3A_50] : memref<624x128xf32, #tpu.memory_space<hbm>> -> memref<16x128xf32, #tpu.memory_space<hbm>>
        tpu.wait_dma2 semaphore(%run_scoped3A : memref<!tpu.dma_semaphore, #tpu.memory_space<semaphore_mem>>) src(%dma_wait3A_51 : memref<16x128xf32, #tpu.memory_space<hbm>>) dst(%dma_wait3A_48 : memref<16x128xf32, #tpu.memory_space<vmem_shared>>)
        tpu.yield
      }) : () -> ()
    } else {
    }
    %barrier3A = arith.constant 0 : index
    tpu.barrier barrier_id(%barrier3A)
    %mul3A_5 = arith.constant 10000 : i32
    %mul3A_6 = arith.muli %add3A, %mul3A_5 : i32
    %add3A_7 = arith.constant 0 : i32
    %add3A_8 = arith.addi %mul3A_6, %add3A_7 : i32
    %multiple_of3A = tpu.assume_multiple %add3A_8, 8 : i32
    "tpu.region"() ({
      %run_scoped3A = tpu.sem_alloc : memref<!tpu.dma_semaphore, #tpu.memory_space<semaphore_mem>>
      %dma_start3A_40 = tpu.memref_slice %arg3[%multiple_of3A] : memref<320000xi32, #tpu.memory_space<hbm>> -> memref<128xi32, #tpu.memory_space<hbm>>
      %dma_start3A_41 = tpu.memref_slice %arg3[%multiple_of3A] : memref<320000xi32, #tpu.memory_space<hbm>> -> memref<128xi32, #tpu.memory_space<hbm>>
      tpu.enqueue_dma source(%dma_start3A_41 : memref<128xi32, #tpu.memory_space<hbm>>) target(%arg7 : memref<128xi32, #tpu.memory_space<vmem>>) target_semaphore(%run_scoped3A : memref<!tpu.dma_semaphore, #tpu.memory_space<semaphore_mem>>)
      %dma_wait3A_42 = tpu.memref_slice %arg3[%multiple_of3A] : memref<320000xi32, #tpu.memory_space<hbm>> -> memref<128xi32, #tpu.memory_space<hbm>>
      %dma_wait3A_43 = tpu.memref_slice %arg3[%multiple_of3A] : memref<320000xi32, #tpu.memory_space<hbm>> -> memref<128xi32, #tpu.memory_space<hbm>>
      tpu.wait_dma2 semaphore(%run_scoped3A : memref<!tpu.dma_semaphore, #tpu.memory_space<semaphore_mem>>) src(%dma_wait3A_43 : memref<128xi32, #tpu.memory_space<hbm>>) dst(%arg7 : memref<128xi32, #tpu.memory_space<vmem>>)
      tpu.yield
    }) : () -> ()
    "tpu.region"() ({
      %run_scoped3A = tpu.sem_alloc : memref<!tpu.dma_semaphore, #tpu.memory_space<semaphore_mem>>
      %dma_start3A_40 = tpu.memref_slice %arg4[%multiple_of3A] : memref<320000xi32, #tpu.memory_space<hbm>> -> memref<128xi32, #tpu.memory_space<hbm>>
      %dma_start3A_41 = tpu.memref_slice %arg4[%multiple_of3A] : memref<320000xi32, #tpu.memory_space<hbm>> -> memref<128xi32, #tpu.memory_space<hbm>>
      tpu.enqueue_dma source(%dma_start3A_41 : memref<128xi32, #tpu.memory_space<hbm>>) target(%arg8 : memref<128xi32, #tpu.memory_space<vmem>>) target_semaphore(%run_scoped3A : memref<!tpu.dma_semaphore, #tpu.memory_space<semaphore_mem>>)
      %dma_wait3A_42 = tpu.memref_slice %arg4[%multiple_of3A] : memref<320000xi32, #tpu.memory_space<hbm>> -> memref<128xi32, #tpu.memory_space<hbm>>
      %dma_wait3A_43 = tpu.memref_slice %arg4[%multiple_of3A] : memref<320000xi32, #tpu.memory_space<hbm>> -> memref<128xi32, #tpu.memory_space<hbm>>
      tpu.wait_dma2 semaphore(%run_scoped3A : memref<!tpu.dma_semaphore, #tpu.memory_space<semaphore_mem>>) src(%dma_wait3A_43 : memref<128xi32, #tpu.memory_space<hbm>>) dst(%arg8 : memref<128xi32, #tpu.memory_space<vmem>>)
      tpu.yield
    }) : () -> ()
    %dma_start3A = arith.constant 0 : i32
    %dma_start3A_9 = arith.constant 0 : i32
    %dma_start3A_10 = tpu.memref_slice %arg2[%dma_start3A, %dma_start3A_9] : memref<10000x128xf32, #tpu.memory_space<hbm>> -> memref<10000x128xf32, #tpu.memory_space<hbm>>
    tpu.enqueue_indirect_dma source(%dma_start3A_10 : memref<10000x128xf32, #tpu.memory_space<hbm>>) target(%arg9 : memref<128x128xf32, #tpu.memory_space<vmem>>) offsets(%arg7 : memref<128xi32, #tpu.memory_space<vmem>>) semaphore(%arg17 : memref<!tpu.dma_semaphore, #tpu.memory_space<semaphore_mem>>)
    %add3A_11 = arith.constant 128 : i32
    %add3A_12 = arith.addi %mul3A_6, %add3A_11 : i32
    %multiple_of3A_13 = tpu.assume_multiple %add3A_12, 8 : i32
    "tpu.region"() ({
      %run_scoped3A = tpu.sem_alloc : memref<!tpu.dma_semaphore, #tpu.memory_space<semaphore_mem>>
      %dma_start3A_40 = tpu.memref_slice %arg3[%multiple_of3A_13] : memref<320000xi32, #tpu.memory_space<hbm>> -> memref<128xi32, #tpu.memory_space<hbm>>
      %dma_start3A_41 = tpu.memref_slice %arg3[%multiple_of3A_13] : memref<320000xi32, #tpu.memory_space<hbm>> -> memref<128xi32, #tpu.memory_space<hbm>>
      tpu.enqueue_dma source(%dma_start3A_41 : memref<128xi32, #tpu.memory_space<hbm>>) target(%arg10 : memref<128xi32, #tpu.memory_space<vmem>>) target_semaphore(%run_scoped3A : memref<!tpu.dma_semaphore, #tpu.memory_space<semaphore_mem>>)
      %dma_wait3A_42 = tpu.memref_slice %arg3[%multiple_of3A_13] : memref<320000xi32, #tpu.memory_space<hbm>> -> memref<128xi32, #tpu.memory_space<hbm>>
      %dma_wait3A_43 = tpu.memref_slice %arg3[%multiple_of3A_13] : memref<320000xi32, #tpu.memory_space<hbm>> -> memref<128xi32, #tpu.memory_space<hbm>>
      tpu.wait_dma2 semaphore(%run_scoped3A : memref<!tpu.dma_semaphore, #tpu.memory_space<semaphore_mem>>) src(%dma_wait3A_43 : memref<128xi32, #tpu.memory_space<hbm>>) dst(%arg10 : memref<128xi32, #tpu.memory_space<vmem>>)
      tpu.yield
    }) : () -> ()
    "tpu.region"() ({
      %run_scoped3A = tpu.sem_alloc : memref<!tpu.dma_semaphore, #tpu.memory_space<semaphore_mem>>
      %dma_start3A_40 = tpu.memref_slice %arg4[%multiple_of3A_13] : memref<320000xi32, #tpu.memory_space<hbm>> -> memref<128xi32, #tpu.memory_space<hbm>>
      %dma_start3A_41 = tpu.memref_slice %arg4[%multiple_of3A_13] : memref<320000xi32, #tpu.memory_space<hbm>> -> memref<128xi32, #tpu.memory_space<hbm>>
      tpu.enqueue_dma source(%dma_start3A_41 : memref<128xi32, #tpu.memory_space<hbm>>) target(%arg11 : memref<128xi32, #tpu.memory_space<vmem>>) target_semaphore(%run_scoped3A : memref<!tpu.dma_semaphore, #tpu.memory_space<semaphore_mem>>)
      %dma_wait3A_42 = tpu.memref_slice %arg4[%multiple_of3A_13] : memref<320000xi32, #tpu.memory_space<hbm>> -> memref<128xi32, #tpu.memory_space<hbm>>
      %dma_wait3A_43 = tpu.memref_slice %arg4[%multiple_of3A_13] : memref<320000xi32, #tpu.memory_space<hbm>> -> memref<128xi32, #tpu.memory_space<hbm>>
      tpu.wait_dma2 semaphore(%run_scoped3A : memref<!tpu.dma_semaphore, #tpu.memory_space<semaphore_mem>>) src(%dma_wait3A_43 : memref<128xi32, #tpu.memory_space<hbm>>) dst(%arg11 : memref<128xi32, #tpu.memory_space<vmem>>)
      tpu.yield
    }) : () -> ()
    %dma_start3A_14 = arith.constant 0 : i32
    %dma_start3A_15 = arith.constant 0 : i32
    %dma_start3A_16 = tpu.memref_slice %arg2[%dma_start3A_14, %dma_start3A_15] : memref<10000x128xf32, #tpu.memory_space<hbm>> -> memref<10000x128xf32, #tpu.memory_space<hbm>>
    tpu.enqueue_indirect_dma source(%dma_start3A_16 : memref<10000x128xf32, #tpu.memory_space<hbm>>) target(%arg12 : memref<128x128xf32, #tpu.memory_space<vmem>>) offsets(%arg10 : memref<128xi32, #tpu.memory_space<vmem>>) semaphore(%arg18 : memref<!tpu.dma_semaphore, #tpu.memory_space<semaphore_mem>>)
    %scan3A = arith.constant 0 : i32
    %scan3A_17 = arith.constant 0 : i32
    %scan3A_18 = arith.constant 39 : i32
    %scan3A_19 = arith.addi %scan3A_17, %scan3A_18 : i32
    %scan3A_20 = arith.constant 1 : i32
    scf.for %scan3A_40 = %scan3A_17 to %scan3A_19 step %scan3A_20  : i32 {
      %mul3A_41 = arith.constant 2 : i32
      %mul3A_42 = arith.muli %mul3A_41, %scan3A_40 : i32
      %add3A_43 = arith.constant 0 : i32
      %add3A_44 = arith.addi %mul3A_42, %add3A_43 : i32
      %dma_wait3A_45 = arith.constant 0 : i32
      %dma_wait3A_46 = arith.constant 0 : i32
      %dma_wait3A_47 = tpu.memref_slice %arg2[%dma_wait3A_45, %dma_wait3A_46] : memref<10000x128xf32, #tpu.memory_space<hbm>> -> memref<10000x128xf32, #tpu.memory_space<hbm>>
      tpu.wait_indirect_dma semaphore(%arg17 : memref<!tpu.dma_semaphore, #tpu.memory_space<semaphore_mem>>) src(%dma_wait3A_47 : memref<10000x128xf32, #tpu.memory_space<hbm>>) dst(%arg9 : memref<128x128xf32, #tpu.memory_space<vmem>>)
      "tpu.region"() ({
        %run_scoped3A = tpu.sem_alloc : memref<!tpu.dma_semaphore, #tpu.memory_space<semaphore_mem>>
        %dma_start3A_68 = arith.constant 0 : i32
        %dma_start3A_69 = arith.constant 0 : i32
        %dma_start3A_70 = tpu.memref_slice %arg16[%dma_start3A_68, %dma_start3A_69] : memref<10000x128xf32, #tpu.memory_space<vmem_shared>> -> memref<10000x128xf32, #tpu.memory_space<vmem_shared>>
        tpu.enqueue_indirect_dma source(%arg9 : memref<128x128xf32, #tpu.memory_space<vmem>>) target(%dma_start3A_70 : memref<10000x128xf32, #tpu.memory_space<vmem_shared>>) offsets(%arg8 : memref<128xi32, #tpu.memory_space<vmem>>) semaphore(%run_scoped3A : memref<!tpu.dma_semaphore, #tpu.memory_space<semaphore_mem>>) {add = true}
        %dma_wait3A_71 = arith.constant 0 : i32
        %dma_wait3A_72 = arith.constant 0 : i32
        %dma_wait3A_73 = tpu.memref_slice %arg16[%dma_wait3A_71, %dma_wait3A_72] : memref<10000x128xf32, #tpu.memory_space<vmem_shared>> -> memref<10000x128xf32, #tpu.memory_space<vmem_shared>>
        tpu.wait_indirect_dma semaphore(%run_scoped3A : memref<!tpu.dma_semaphore, #tpu.memory_space<semaphore_mem>>) src(%arg9 : memref<128x128xf32, #tpu.memory_space<vmem>>) dst(%dma_wait3A_73 : memref<10000x128xf32, #tpu.memory_space<vmem_shared>>)
        tpu.yield
      }) : () -> ()
      %add3A_48 = arith.constant 2 : i32
      %add3A_49 = arith.addi %add3A_44, %add3A_48 : i32
      %lt3A = arith.constant 78 : i32
      %lt3A_50 = arith.cmpi slt, %add3A_49, %lt3A : i32
      %convert_element_type3A_51 = arith.extui %lt3A_50 : i1 to i32
      %cond3A_52 = arith.constant 0 : i32
      %cond3A_53 = arith.cmpi ne, %convert_element_type3A_51, %cond3A_52 : i32
      scf.if %cond3A_53 {
        %add3A_68 = arith.constant 2 : i32
        %add3A_69 = arith.addi %add3A_44, %add3A_68 : i32
        %mul3A_70 = arith.constant 128 : i32
        %mul3A_71 = arith.muli %add3A_69, %mul3A_70 : i32
        %add3A_72 = arith.addi %mul3A_6, %mul3A_71 : i32
        %multiple_of3A_73 = tpu.assume_multiple %add3A_72, 8 : i32
        "tpu.region"() ({
          %run_scoped3A = tpu.sem_alloc : memref<!tpu.dma_semaphore, #tpu.memory_space<semaphore_mem>>
          %dma_start3A_77 = tpu.memref_slice %arg3[%multiple_of3A_73] : memref<320000xi32, #tpu.memory_space<hbm>> -> memref<128xi32, #tpu.memory_space<hbm>>
          %dma_start3A_78 = tpu.memref_slice %arg3[%multiple_of3A_73] : memref<320000xi32, #tpu.memory_space<hbm>> -> memref<128xi32, #tpu.memory_space<hbm>>
          tpu.enqueue_dma source(%dma_start3A_78 : memref<128xi32, #tpu.memory_space<hbm>>) target(%arg7 : memref<128xi32, #tpu.memory_space<vmem>>) target_semaphore(%run_scoped3A : memref<!tpu.dma_semaphore, #tpu.memory_space<semaphore_mem>>)
          %dma_wait3A_79 = tpu.memref_slice %arg3[%multiple_of3A_73] : memref<320000xi32, #tpu.memory_space<hbm>> -> memref<128xi32, #tpu.memory_space<hbm>>
          %dma_wait3A_80 = tpu.memref_slice %arg3[%multiple_of3A_73] : memref<320000xi32, #tpu.memory_space<hbm>> -> memref<128xi32, #tpu.memory_space<hbm>>
          tpu.wait_dma2 semaphore(%run_scoped3A : memref<!tpu.dma_semaphore, #tpu.memory_space<semaphore_mem>>) src(%dma_wait3A_80 : memref<128xi32, #tpu.memory_space<hbm>>) dst(%arg7 : memref<128xi32, #tpu.memory_space<vmem>>)
          tpu.yield
        }) : () -> ()
        "tpu.region"() ({
          %run_scoped3A = tpu.sem_alloc : memref<!tpu.dma_semaphore, #tpu.memory_space<semaphore_mem>>
          %dma_start3A_77 = tpu.memref_slice %arg4[%multiple_of3A_73] : memref<320000xi32, #tpu.memory_space<hbm>> -> memref<128xi32, #tpu.memory_space<hbm>>
          %dma_start3A_78 = tpu.memref_slice %arg4[%multiple_of3A_73] : memref<320000xi32, #tpu.memory_space<hbm>> -> memref<128xi32, #tpu.memory_space<hbm>>
          tpu.enqueue_dma source(%dma_start3A_78 : memref<128xi32, #tpu.memory_space<hbm>>) target(%arg8 : memref<128xi32, #tpu.memory_space<vmem>>) target_semaphore(%run_scoped3A : memref<!tpu.dma_semaphore, #tpu.memory_space<semaphore_mem>>)
          %dma_wait3A_79 = tpu.memref_slice %arg4[%multiple_of3A_73] : memref<320000xi32, #tpu.memory_space<hbm>> -> memref<128xi32, #tpu.memory_space<hbm>>
          %dma_wait3A_80 = tpu.memref_slice %arg4[%multiple_of3A_73] : memref<320000xi32, #tpu.memory_space<hbm>> -> memref<128xi32, #tpu.memory_space<hbm>>
          tpu.wait_dma2 semaphore(%run_scoped3A : memref<!tpu.dma_semaphore, #tpu.memory_space<semaphore_mem>>) src(%dma_wait3A_80 : memref<128xi32, #tpu.memory_space<hbm>>) dst(%arg8 : memref<128xi32, #tpu.memory_space<vmem>>)
          tpu.yield
        }) : () -> ()
        %dma_start3A_74 = arith.constant 0 : i32
        %dma_start3A_75 = arith.constant 0 : i32
        %dma_start3A_76 = tpu.memref_slice %arg2[%dma_start3A_74, %dma_start3A_75] : memref<10000x128xf32, #tpu.memory_space<hbm>> -> memref<10000x128xf32, #tpu.memory_space<hbm>>
        tpu.enqueue_indirect_dma source(%dma_start3A_76 : memref<10000x128xf32, #tpu.memory_space<hbm>>) target(%arg9 : memref<128x128xf32, #tpu.memory_space<vmem>>) offsets(%arg7 : memref<128xi32, #tpu.memory_space<vmem>>) semaphore(%arg17 : memref<!tpu.dma_semaphore, #tpu.memory_space<semaphore_mem>>)
      } else {
      }
      %mul3A_54 = arith.constant 2 : i32
      %mul3A_55 = arith.muli %mul3A_54, %scan3A_40 : i32
      %add3A_56 = arith.constant 1 : i32
      %add3A_57 = arith.addi %mul3A_55, %add3A_56 : i32
      %dma_wait3A_58 = arith.constant 0 : i32
      %dma_wait3A_59 = arith.constant 0 : i32
      %dma_wait3A_60 = tpu.memref_slice %arg2[%dma_wait3A_58, %dma_wait3A_59] : memref<10000x128xf32, #tpu.memory_space<hbm>> -> memref<10000x128xf32, #tpu.memory_space<hbm>>
      tpu.wait_indirect_dma semaphore(%arg18 : memref<!tpu.dma_semaphore, #tpu.memory_space<semaphore_mem>>) src(%dma_wait3A_60 : memref<10000x128xf32, #tpu.memory_space<hbm>>) dst(%arg12 : memref<128x128xf32, #tpu.memory_space<vmem>>)
      "tpu.region"() ({
        %run_scoped3A = tpu.sem_alloc : memref<!tpu.dma_semaphore, #tpu.memory_space<semaphore_mem>>
        %dma_start3A_68 = arith.constant 0 : i32
        %dma_start3A_69 = arith.constant 0 : i32
        %dma_start3A_70 = tpu.memref_slice %arg16[%dma_start3A_68, %dma_start3A_69] : memref<10000x128xf32, #tpu.memory_space<vmem_shared>> -> memref<10000x128xf32, #tpu.memory_space<vmem_shared>>
        tpu.enqueue_indirect_dma source(%arg12 : memref<128x128xf32, #tpu.memory_space<vmem>>) target(%dma_start3A_70 : memref<10000x128xf32, #tpu.memory_space<vmem_shared>>) offsets(%arg11 : memref<128xi32, #tpu.memory_space<vmem>>) semaphore(%run_scoped3A : memref<!tpu.dma_semaphore, #tpu.memory_space<semaphore_mem>>) {add = true}
        %dma_wait3A_71 = arith.constant 0 : i32
        %dma_wait3A_72 = arith.constant 0 : i32
        %dma_wait3A_73 = tpu.memref_slice %arg16[%dma_wait3A_71, %dma_wait3A_72] : memref<10000x128xf32, #tpu.memory_space<vmem_shared>> -> memref<10000x128xf32, #tpu.memory_space<vmem_shared>>
        tpu.wait_indirect_dma semaphore(%run_scoped3A : memref<!tpu.dma_semaphore, #tpu.memory_space<semaphore_mem>>) src(%arg12 : memref<128x128xf32, #tpu.memory_space<vmem>>) dst(%dma_wait3A_73 : memref<10000x128xf32, #tpu.memory_space<vmem_shared>>)
        tpu.yield
      }) : () -> ()
      %add3A_61 = arith.constant 2 : i32
      %add3A_62 = arith.addi %add3A_57, %add3A_61 : i32
      %lt3A_63 = arith.constant 78 : i32
      %lt3A_64 = arith.cmpi slt, %add3A_62, %lt3A_63 : i32
      %convert_element_type3A_65 = arith.extui %lt3A_64 : i1 to i32
      %cond3A_66 = arith.constant 0 : i32
      %cond3A_67 = arith.cmpi ne, %convert_element_type3A_65, %cond3A_66 : i32
      scf.if %cond3A_67 {
        %add3A_68 = arith.constant 2 : i32
        %add3A_69 = arith.addi %add3A_57, %add3A_68 : i32
        %mul3A_70 = arith.constant 128 : i32
        %mul3A_71 = arith.muli %add3A_69, %mul3A_70 : i32
        %add3A_72 = arith.addi %mul3A_6, %mul3A_71 : i32
        %multiple_of3A_73 = tpu.assume_multiple %add3A_72, 8 : i32
        "tpu.region"() ({
          %run_scoped3A = tpu.sem_alloc : memref<!tpu.dma_semaphore, #tpu.memory_space<semaphore_mem>>
          %dma_start3A_77 = tpu.memref_slice %arg3[%multiple_of3A_73] : memref<320000xi32, #tpu.memory_space<hbm>> -> memref<128xi32, #tpu.memory_space<hbm>>
          %dma_start3A_78 = tpu.memref_slice %arg3[%multiple_of3A_73] : memref<320000xi32, #tpu.memory_space<hbm>> -> memref<128xi32, #tpu.memory_space<hbm>>
          tpu.enqueue_dma source(%dma_start3A_78 : memref<128xi32, #tpu.memory_space<hbm>>) target(%arg10 : memref<128xi32, #tpu.memory_space<vmem>>) target_semaphore(%run_scoped3A : memref<!tpu.dma_semaphore, #tpu.memory_space<semaphore_mem>>)
          %dma_wait3A_79 = tpu.memref_slice %arg3[%multiple_of3A_73] : memref<320000xi32, #tpu.memory_space<hbm>> -> memref<128xi32, #tpu.memory_space<hbm>>
          %dma_wait3A_80 = tpu.memref_slice %arg3[%multiple_of3A_73] : memref<320000xi32, #tpu.memory_space<hbm>> -> memref<128xi32, #tpu.memory_space<hbm>>
          tpu.wait_dma2 semaphore(%run_scoped3A : memref<!tpu.dma_semaphore, #tpu.memory_space<semaphore_mem>>) src(%dma_wait3A_80 : memref<128xi32, #tpu.memory_space<hbm>>) dst(%arg10 : memref<128xi32, #tpu.memory_space<vmem>>)
          tpu.yield
        }) : () -> ()
        "tpu.region"() ({
          %run_scoped3A = tpu.sem_alloc : memref<!tpu.dma_semaphore, #tpu.memory_space<semaphore_mem>>
          %dma_start3A_77 = tpu.memref_slice %arg4[%multiple_of3A_73] : memref<320000xi32, #tpu.memory_space<hbm>> -> memref<128xi32, #tpu.memory_space<hbm>>
          %dma_start3A_78 = tpu.memref_slice %arg4[%multiple_of3A_73] : memref<320000xi32, #tpu.memory_space<hbm>> -> memref<128xi32, #tpu.memory_space<hbm>>
          tpu.enqueue_dma source(%dma_start3A_78 : memref<128xi32, #tpu.memory_space<hbm>>) target(%arg11 : memref<128xi32, #tpu.memory_space<vmem>>) target_semaphore(%run_scoped3A : memref<!tpu.dma_semaphore, #tpu.memory_space<semaphore_mem>>)
          %dma_wait3A_79 = tpu.memref_slice %arg4[%multiple_of3A_73] : memref<320000xi32, #tpu.memory_space<hbm>> -> memref<128xi32, #tpu.memory_space<hbm>>
          %dma_wait3A_80 = tpu.memref_slice %arg4[%multiple_of3A_73] : memref<320000xi32, #tpu.memory_space<hbm>> -> memref<128xi32, #tpu.memory_space<hbm>>
          tpu.wait_dma2 semaphore(%run_scoped3A : memref<!tpu.dma_semaphore, #tpu.memory_space<semaphore_mem>>) src(%dma_wait3A_80 : memref<128xi32, #tpu.memory_space<hbm>>) dst(%arg11 : memref<128xi32, #tpu.memory_space<vmem>>)
          tpu.yield
        }) : () -> ()
        %dma_start3A_74 = arith.constant 0 : i32
        %dma_start3A_75 = arith.constant 0 : i32
        %dma_start3A_76 = tpu.memref_slice %arg2[%dma_start3A_74, %dma_start3A_75] : memref<10000x128xf32, #tpu.memory_space<hbm>> -> memref<10000x128xf32, #tpu.memory_space<hbm>>
        tpu.enqueue_indirect_dma source(%dma_start3A_76 : memref<10000x128xf32, #tpu.memory_space<hbm>>) target(%arg12 : memref<128x128xf32, #tpu.memory_space<vmem>>) offsets(%arg10 : memref<128xi32, #tpu.memory_space<vmem>>) semaphore(%arg18 : memref<!tpu.dma_semaphore, #tpu.memory_space<semaphore_mem>>)
      } else {
      }
    }
    %scan3A_21 = arith.constant 39 : i32
    %add3A_22 = arith.constant 9984 : i32
    %add3A_23 = arith.addi %mul3A_6, %add3A_22 : i32
    %multiple_of3A_24 = tpu.assume_multiple %add3A_23, 8 : i32
    "tpu.region"() ({
      %run_scoped3A = tpu.sem_alloc : memref<!tpu.dma_semaphore, #tpu.memory_space<semaphore_mem>>
      %dma_start3A_40 = tpu.memref_slice %arg3[%multiple_of3A_24] : memref<320000xi32, #tpu.memory_space<hbm>> -> memref<16xi32, #tpu.memory_space<hbm>>
      %dma_start3A_41 = tpu.memref_slice %arg3[%multiple_of3A_24] : memref<320000xi32, #tpu.memory_space<hbm>> -> memref<16xi32, #tpu.memory_space<hbm>>
      tpu.enqueue_dma source(%dma_start3A_41 : memref<16xi32, #tpu.memory_space<hbm>>) target(%arg13 : memref<16xi32, #tpu.memory_space<vmem>>) target_semaphore(%run_scoped3A : memref<!tpu.dma_semaphore, #tpu.memory_space<semaphore_mem>>)
      %dma_wait3A_42 = tpu.memref_slice %arg3[%multiple_of3A_24] : memref<320000xi32, #tpu.memory_space<hbm>> -> memref<16xi32, #tpu.memory_space<hbm>>
      %dma_wait3A_43 = tpu.memref_slice %arg3[%multiple_of3A_24] : memref<320000xi32, #tpu.memory_space<hbm>> -> memref<16xi32, #tpu.memory_space<hbm>>
      tpu.wait_dma2 semaphore(%run_scoped3A : memref<!tpu.dma_semaphore, #tpu.memory_space<semaphore_mem>>) src(%dma_wait3A_43 : memref<16xi32, #tpu.memory_space<hbm>>) dst(%arg13 : memref<16xi32, #tpu.memory_space<vmem>>)
      tpu.yield
    }) : () -> ()
    "tpu.region"() ({
      %run_scoped3A = tpu.sem_alloc : memref<!tpu.dma_semaphore, #tpu.memory_space<semaphore_mem>>
      %dma_start3A_40 = tpu.memref_slice %arg4[%multiple_of3A_24] : memref<320000xi32, #tpu.memory_space<hbm>> -> memref<16xi32, #tpu.memory_space<hbm>>
      %dma_start3A_41 = tpu.memref_slice %arg4[%multiple_of3A_24] : memref<320000xi32, #tpu.memory_space<hbm>> -> memref<16xi32, #tpu.memory_space<hbm>>
      tpu.enqueue_dma source(%dma_start3A_41 : memref<16xi32, #tpu.memory_space<hbm>>) target(%arg14 : memref<16xi32, #tpu.memory_space<vmem>>) target_semaphore(%run_scoped3A : memref<!tpu.dma_semaphore, #tpu.memory_space<semaphore_mem>>)
      %dma_wait3A_42 = tpu.memref_slice %arg4[%multiple_of3A_24] : memref<320000xi32, #tpu.memory_space<hbm>> -> memref<16xi32, #tpu.memory_space<hbm>>
      %dma_wait3A_43 = tpu.memref_slice %arg4[%multiple_of3A_24] : memref<320000xi32, #tpu.memory_space<hbm>> -> memref<16xi32, #tpu.memory_space<hbm>>
      tpu.wait_dma2 semaphore(%run_scoped3A : memref<!tpu.dma_semaphore, #tpu.memory_space<semaphore_mem>>) src(%dma_wait3A_43 : memref<16xi32, #tpu.memory_space<hbm>>) dst(%arg14 : memref<16xi32, #tpu.memory_space<vmem>>)
      tpu.yield
    }) : () -> ()
    %dma_start3A_25 = arith.constant 0 : i32
    %dma_start3A_26 = arith.constant 0 : i32
    %dma_start3A_27 = tpu.memref_slice %arg2[%dma_start3A_25, %dma_start3A_26] : memref<10000x128xf32, #tpu.memory_space<hbm>> -> memref<10000x128xf32, #tpu.memory_space<hbm>>
    tpu.enqueue_indirect_dma source(%dma_start3A_27 : memref<10000x128xf32, #tpu.memory_space<hbm>>) target(%arg15 : memref<16x128xf32, #tpu.memory_space<vmem>>) offsets(%arg13 : memref<16xi32, #tpu.memory_space<vmem>>) semaphore(%arg19 : memref<!tpu.dma_semaphore, #tpu.memory_space<semaphore_mem>>)
    %dma_wait3A = arith.constant 0 : i32
    %dma_wait3A_28 = arith.constant 0 : i32
    %dma_wait3A_29 = tpu.memref_slice %arg2[%dma_wait3A, %dma_wait3A_28] : memref<10000x128xf32, #tpu.memory_space<hbm>> -> memref<10000x128xf32, #tpu.memory_space<hbm>>
    tpu.wait_indirect_dma semaphore(%arg19 : memref<!tpu.dma_semaphore, #tpu.memory_space<semaphore_mem>>) src(%dma_wait3A_29 : memref<10000x128xf32, #tpu.memory_space<hbm>>) dst(%arg15 : memref<16x128xf32, #tpu.memory_space<vmem>>)
    "tpu.region"() ({
      %run_scoped3A = tpu.sem_alloc : memref<!tpu.dma_semaphore, #tpu.memory_space<semaphore_mem>>
      %dma_start3A_40 = arith.constant 0 : i32
      %dma_start3A_41 = arith.constant 0 : i32
      %dma_start3A_42 = tpu.memref_slice %arg16[%dma_start3A_40, %dma_start3A_41] : memref<10000x128xf32, #tpu.memory_space<vmem_shared>> -> memref<10000x128xf32, #tpu.memory_space<vmem_shared>>
      tpu.enqueue_indirect_dma source(%arg15 : memref<16x128xf32, #tpu.memory_space<vmem>>) target(%dma_start3A_42 : memref<10000x128xf32, #tpu.memory_space<vmem_shared>>) offsets(%arg14 : memref<16xi32, #tpu.memory_space<vmem>>) semaphore(%run_scoped3A : memref<!tpu.dma_semaphore, #tpu.memory_space<semaphore_mem>>) {add = true}
      %dma_wait3A_43 = arith.constant 0 : i32
      %dma_wait3A_44 = arith.constant 0 : i32
      %dma_wait3A_45 = tpu.memref_slice %arg16[%dma_wait3A_43, %dma_wait3A_44] : memref<10000x128xf32, #tpu.memory_space<vmem_shared>> -> memref<10000x128xf32, #tpu.memory_space<vmem_shared>>
      tpu.wait_indirect_dma semaphore(%run_scoped3A : memref<!tpu.dma_semaphore, #tpu.memory_space<semaphore_mem>>) src(%arg15 : memref<16x128xf32, #tpu.memory_space<vmem>>) dst(%dma_wait3A_45 : memref<10000x128xf32, #tpu.memory_space<vmem_shared>>)
      tpu.yield
    }) : () -> ()
    %barrier3A_30 = arith.constant 0 : index
    tpu.barrier barrier_id(%barrier3A_30)
    %mul3A_31 = arith.constant 624 : i32
    %mul3A_32 = arith.muli %arg1, %mul3A_31 : i32
    %mul3A_33 = arith.constant 624 : i32
    %mul3A_34 = arith.muli %arg1, %mul3A_33 : i32
    "tpu.region"() ({
      %run_scoped3A = tpu.sem_alloc : memref<!tpu.dma_semaphore, #tpu.memory_space<semaphore_mem>>
      %dma_start3A_40 = arith.constant 0 : i32
      %dma_start3A_41 = tpu.memref_slice %arg6[%arg0, %mul3A_34, %dma_start3A_40] : memref<2x10000x128xf32, #tpu.memory_space<hbm>> -> memref<1x624x128xf32, #tpu.memory_space<hbm>>
      %dma_start3A_42 = tpu.memref_squeeze %dma_start3A_41 : memref<1x624x128xf32, #tpu.memory_space<hbm>> -> memref<624x128xf32, #tpu.memory_space<hbm>>
      %dma_start3A_43 = arith.constant 0 : i32
      %dma_start3A_44 = tpu.memref_slice %arg16[%mul3A_32, %dma_start3A_43] : memref<10000x128xf32, #tpu.memory_space<vmem_shared>> -> memref<624x128xf32, #tpu.memory_space<vmem_shared>>
      tpu.enqueue_dma source(%dma_start3A_44 : memref<624x128xf32, #tpu.memory_space<vmem_shared>>) target(%dma_start3A_42 : memref<624x128xf32, #tpu.memory_space<hbm>>) target_semaphore(%run_scoped3A : memref<!tpu.dma_semaphore, #tpu.memory_space<semaphore_mem>>)
      %dma_wait3A_45 = arith.constant 0 : i32
      %dma_wait3A_46 = tpu.memref_slice %arg6[%arg0, %mul3A_34, %dma_wait3A_45] : memref<2x10000x128xf32, #tpu.memory_space<hbm>> -> memref<1x624x128xf32, #tpu.memory_space<hbm>>
      %dma_wait3A_47 = tpu.memref_squeeze %dma_wait3A_46 : memref<1x624x128xf32, #tpu.memory_space<hbm>> -> memref<624x128xf32, #tpu.memory_space<hbm>>
      %dma_wait3A_48 = arith.constant 0 : i32
      %dma_wait3A_49 = tpu.memref_slice %arg16[%mul3A_32, %dma_wait3A_48] : memref<10000x128xf32, #tpu.memory_space<vmem_shared>> -> memref<624x128xf32, #tpu.memory_space<vmem_shared>>
      tpu.wait_dma2 semaphore(%run_scoped3A : memref<!tpu.dma_semaphore, #tpu.memory_space<semaphore_mem>>) src(%dma_wait3A_49 : memref<624x128xf32, #tpu.memory_space<vmem_shared>>) dst(%dma_wait3A_47 : memref<624x128xf32, #tpu.memory_space<hbm>>)
      tpu.yield
    }) : () -> ()
    %eq3A_35 = arith.constant 15 : i32
    %eq3A_36 = arith.cmpi eq, %arg1, %eq3A_35 : i32
    %convert_element_type3A_37 = arith.extui %eq3A_36 : i1 to i32
    %cond3A_38 = arith.constant 0 : i32
    %cond3A_39 = arith.cmpi ne, %convert_element_type3A_37, %cond3A_38 : i32
    scf.if %cond3A_39 {
      "tpu.region"() ({
        %run_scoped3A = tpu.sem_alloc : memref<!tpu.dma_semaphore, #tpu.memory_space<semaphore_mem>>
        %dma_start3A_40 = arith.constant 9984 : i32
        %dma_start3A_41 = arith.constant 0 : i32
        %dma_start3A_42 = tpu.memref_slice %arg6[%arg0, %dma_start3A_40, %dma_start3A_41] : memref<2x10000x128xf32, #tpu.memory_space<hbm>> -> memref<1x16x128xf32, #tpu.memory_space<hbm>>
        %dma_start3A_43 = tpu.memref_squeeze %dma_start3A_42 : memref<1x16x128xf32, #tpu.memory_space<hbm>> -> memref<16x128xf32, #tpu.memory_space<hbm>>
        %dma_start3A_44 = arith.constant 9984 : i32
        %dma_start3A_45 = arith.constant 0 : i32
        %dma_start3A_46 = tpu.memref_slice %arg16[%dma_start3A_44, %dma_start3A_45] : memref<10000x128xf32, #tpu.memory_space<vmem_shared>> -> memref<16x128xf32, #tpu.memory_space<vmem_shared>>
        tpu.enqueue_dma source(%dma_start3A_46 : memref<16x128xf32, #tpu.memory_space<vmem_shared>>) target(%dma_start3A_43 : memref<16x128xf32, #tpu.memory_space<hbm>>) target_semaphore(%run_scoped3A : memref<!tpu.dma_semaphore, #tpu.memory_space<semaphore_mem>>)
        %dma_wait3A_47 = arith.constant 9984 : i32
        %dma_wait3A_48 = arith.constant 0 : i32
        %dma_wait3A_49 = tpu.memref_slice %arg6[%arg0, %dma_wait3A_47, %dma_wait3A_48] : memref<2x10000x128xf32, #tpu.memory_space<hbm>> -> memref<1x16x128xf32, #tpu.memory_space<hbm>>
        %dma_wait3A_50 = tpu.memref_squeeze %dma_wait3A_49 : memref<1x16x128xf32, #tpu.memory_space<hbm>> -> memref<16x128xf32, #tpu.memory_space<hbm>>
        %dma_wait3A_51 = arith.constant 9984 : i32
        %dma_wait3A_52 = arith.constant 0 : i32
        %dma_wait3A_53 = tpu.memref_slice %arg16[%dma_wait3A_51, %dma_wait3A_52] : memref<10000x128xf32, #tpu.memory_space<vmem_shared>> -> memref<16x128xf32, #tpu.memory_space<vmem_shared>>
        tpu.wait_dma2 semaphore(%run_scoped3A : memref<!tpu.dma_semaphore, #tpu.memory_space<semaphore_mem>>) src(%dma_wait3A_53 : memref<16x128xf32, #tpu.memory_space<vmem_shared>>) dst(%dma_wait3A_50 : memref<16x128xf32, #tpu.memory_space<hbm>>)
        tpu.yield
      }) : () -> ()
    } else {
    }
    return
  }
}

#map = affine_map<(d0, d1) -> (0, 0)>
#map1 = affine_map<(d0, d1) -> (0)>
#map2 = affine_map<(d0, d1) -> (0, 0, 0)>
module attributes {stable_mosaic.version = 14 : i64} {
  func.func @_sc_agg_body(%arg0: i32, %arg1: i32, %arg2: memref<10000x128xf32, #tpu.memory_space<hbm>>, %arg3: memref<320000xi32, #tpu.memory_space<hbm>>, %arg4: memref<320000xi32, #tpu.memory_space<hbm>>, %arg5: memref<624x128xf32, #tpu.memory_space<hbm>>, %arg6: memref<2x10000x128xf32, #tpu.memory_space<hbm>>, %arg7: memref<128xi32, #tpu.memory_space<vmem>>, %arg8: memref<128xi32, #tpu.memory_space<vmem>>, %arg9: memref<128x128xf32, #tpu.memory_space<vmem>>, %arg10: memref<128xi32, #tpu.memory_space<vmem>>, %arg11: memref<128xi32, #tpu.memory_space<vmem>>, %arg12: memref<128x128xf32, #tpu.memory_space<vmem>>, %arg13: memref<16xi32, #tpu.memory_space<vmem>>, %arg14: memref<16xi32, #tpu.memory_space<vmem>>, %arg15: memref<16x128xf32, #tpu.memory_space<vmem>>, %arg16: memref<10000x128xf32, #tpu.memory_space<vmem_shared>>, %arg17: memref<!tpu.dma_semaphore, #tpu.memory_space<semaphore_mem>>, %arg18: memref<!tpu.dma_semaphore, #tpu.memory_space<semaphore_mem>>, %arg19: memref<!tpu.dma_semaphore, #tpu.memory_space<semaphore_mem>>) attributes {dimension_semantics = [#tpu.dimension_semantics<core_parallel>, #tpu.dimension_semantics<subcore_parallel>], iteration_bounds = array<i64: 2, 16>, scalar_prefetch = 0 : i64, scratch_operands = 13 : i64, tpu.core_type = #tpu.core_type<sc_vector_subcore>, window_params = [{transform_indices = #map}, {transform_indices = #map1}, {transform_indices = #map1}, {transform_indices = #map}, {transform_indices = #map2}]} {
    %mul3A = arith.constant 2 : i32
    %mul3A_0 = arith.muli %arg1, %mul3A : i32
    %add3A = arith.addi %mul3A_0, %arg0 : i32
    %mul3A_1 = arith.constant 624 : i32
    %mul3A_2 = arith.muli %arg1, %mul3A_1 : i32
    "tpu.region"() ({
      %run_scoped3A = tpu.sem_alloc : memref<!tpu.dma_semaphore, #tpu.memory_space<semaphore_mem>>
      %dma_start3A_40 = arith.constant 0 : i32
      %dma_start3A_41 = tpu.memref_slice %arg16[%mul3A_2, %dma_start3A_40] : memref<10000x128xf32, #tpu.memory_space<vmem_shared>> -> memref<624x128xf32, #tpu.memory_space<vmem_shared>>
      %dma_start3A_42 = arith.constant 0 : i32
      %dma_start3A_43 = arith.constant 0 : i32
      %dma_start3A_44 = tpu.memref_slice %arg5[%dma_start3A_42, %dma_start3A_43] : memref<624x128xf32, #tpu.memory_space<hbm>> -> memref<624x128xf32, #tpu.memory_space<hbm>>
      tpu.enqueue_dma source(%dma_start3A_44 : memref<624x128xf32, #tpu.memory_space<hbm>>) target(%dma_start3A_41 : memref<624x128xf32, #tpu.memory_space<vmem_shared>>) target_semaphore(%run_scoped3A : memref<!tpu.dma_semaphore, #tpu.memory_space<semaphore_mem>>)
      %dma_wait3A_45 = arith.constant 0 : i32
      %dma_wait3A_46 = tpu.memref_slice %arg16[%mul3A_2, %dma_wait3A_45] : memref<10000x128xf32, #tpu.memory_space<vmem_shared>> -> memref<624x128xf32, #tpu.memory_space<vmem_shared>>
      %dma_wait3A_47 = arith.constant 0 : i32
      %dma_wait3A_48 = arith.constant 0 : i32
      %dma_wait3A_49 = tpu.memref_slice %arg5[%dma_wait3A_47, %dma_wait3A_48] : memref<624x128xf32, #tpu.memory_space<hbm>> -> memref<624x128xf32, #tpu.memory_space<hbm>>
      tpu.wait_dma2 semaphore(%run_scoped3A : memref<!tpu.dma_semaphore, #tpu.memory_space<semaphore_mem>>) src(%dma_wait3A_49 : memref<624x128xf32, #tpu.memory_space<hbm>>) dst(%dma_wait3A_46 : memref<624x128xf32, #tpu.memory_space<vmem_shared>>)
      tpu.yield
    }) : () -> ()
    %eq3A = arith.constant 15 : i32
    %eq3A_3 = arith.cmpi eq, %arg1, %eq3A : i32
    %convert_element_type3A = arith.extui %eq3A_3 : i1 to i32
    %cond3A = arith.constant 0 : i32
    %cond3A_4 = arith.cmpi ne, %convert_element_type3A, %cond3A : i32
    scf.if %cond3A_4 {
      "tpu.region"() ({
        %run_scoped3A = tpu.sem_alloc : memref<!tpu.dma_semaphore, #tpu.memory_space<semaphore_mem>>
        %dma_start3A_40 = arith.constant 9984 : i32
        %dma_start3A_41 = arith.constant 0 : i32
        %dma_start3A_42 = tpu.memref_slice %arg16[%dma_start3A_40, %dma_start3A_41] : memref<10000x128xf32, #tpu.memory_space<vmem_shared>> -> memref<16x128xf32, #tpu.memory_space<vmem_shared>>
        %dma_start3A_43 = arith.constant 0 : i32
        %dma_start3A_44 = arith.constant 0 : i32
        %dma_start3A_45 = tpu.memref_slice %arg5[%dma_start3A_43, %dma_start3A_44] : memref<624x128xf32, #tpu.memory_space<hbm>> -> memref<16x128xf32, #tpu.memory_space<hbm>>
        tpu.enqueue_dma source(%dma_start3A_45 : memref<16x128xf32, #tpu.memory_space<hbm>>) target(%dma_start3A_42 : memref<16x128xf32, #tpu.memory_space<vmem_shared>>) target_semaphore(%run_scoped3A : memref<!tpu.dma_semaphore, #tpu.memory_space<semaphore_mem>>)
        %dma_wait3A_46 = arith.constant 9984 : i32
        %dma_wait3A_47 = arith.constant 0 : i32
        %dma_wait3A_48 = tpu.memref_slice %arg16[%dma_wait3A_46, %dma_wait3A_47] : memref<10000x128xf32, #tpu.memory_space<vmem_shared>> -> memref<16x128xf32, #tpu.memory_space<vmem_shared>>
        %dma_wait3A_49 = arith.constant 0 : i32
        %dma_wait3A_50 = arith.constant 0 : i32
        %dma_wait3A_51 = tpu.memref_slice %arg5[%dma_wait3A_49, %dma_wait3A_50] : memref<624x128xf32, #tpu.memory_space<hbm>> -> memref<16x128xf32, #tpu.memory_space<hbm>>
        tpu.wait_dma2 semaphore(%run_scoped3A : memref<!tpu.dma_semaphore, #tpu.memory_space<semaphore_mem>>) src(%dma_wait3A_51 : memref<16x128xf32, #tpu.memory_space<hbm>>) dst(%dma_wait3A_48 : memref<16x128xf32, #tpu.memory_space<vmem_shared>>)
        tpu.yield
      }) : () -> ()
    } else {
    }
    %barrier3A = arith.constant 0 : index
    tpu.barrier barrier_id(%barrier3A)
    %mul3A_5 = arith.constant 10000 : i32
    %mul3A_6 = arith.muli %add3A, %mul3A_5 : i32
    %add3A_7 = arith.constant 0 : i32
    %add3A_8 = arith.addi %mul3A_6, %add3A_7 : i32
    %multiple_of3A = tpu.assume_multiple %add3A_8, 8 : i32
    "tpu.region"() ({
      %run_scoped3A = tpu.sem_alloc : memref<!tpu.dma_semaphore, #tpu.memory_space<semaphore_mem>>
      %dma_start3A_40 = tpu.memref_slice %arg3[%multiple_of3A] : memref<320000xi32, #tpu.memory_space<hbm>> -> memref<128xi32, #tpu.memory_space<hbm>>
      %dma_start3A_41 = tpu.memref_slice %arg3[%multiple_of3A] : memref<320000xi32, #tpu.memory_space<hbm>> -> memref<128xi32, #tpu.memory_space<hbm>>
      tpu.enqueue_dma source(%dma_start3A_41 : memref<128xi32, #tpu.memory_space<hbm>>) target(%arg7 : memref<128xi32, #tpu.memory_space<vmem>>) target_semaphore(%run_scoped3A : memref<!tpu.dma_semaphore, #tpu.memory_space<semaphore_mem>>)
      %dma_wait3A_42 = tpu.memref_slice %arg3[%multiple_of3A] : memref<320000xi32, #tpu.memory_space<hbm>> -> memref<128xi32, #tpu.memory_space<hbm>>
      %dma_wait3A_43 = tpu.memref_slice %arg3[%multiple_of3A] : memref<320000xi32, #tpu.memory_space<hbm>> -> memref<128xi32, #tpu.memory_space<hbm>>
      tpu.wait_dma2 semaphore(%run_scoped3A : memref<!tpu.dma_semaphore, #tpu.memory_space<semaphore_mem>>) src(%dma_wait3A_43 : memref<128xi32, #tpu.memory_space<hbm>>) dst(%arg7 : memref<128xi32, #tpu.memory_space<vmem>>)
      tpu.yield
    }) : () -> ()
    "tpu.region"() ({
      %run_scoped3A = tpu.sem_alloc : memref<!tpu.dma_semaphore, #tpu.memory_space<semaphore_mem>>
      %dma_start3A_40 = tpu.memref_slice %arg4[%multiple_of3A] : memref<320000xi32, #tpu.memory_space<hbm>> -> memref<128xi32, #tpu.memory_space<hbm>>
      %dma_start3A_41 = tpu.memref_slice %arg4[%multiple_of3A] : memref<320000xi32, #tpu.memory_space<hbm>> -> memref<128xi32, #tpu.memory_space<hbm>>
      tpu.enqueue_dma source(%dma_start3A_41 : memref<128xi32, #tpu.memory_space<hbm>>) target(%arg8 : memref<128xi32, #tpu.memory_space<vmem>>) target_semaphore(%run_scoped3A : memref<!tpu.dma_semaphore, #tpu.memory_space<semaphore_mem>>)
      %dma_wait3A_42 = tpu.memref_slice %arg4[%multiple_of3A] : memref<320000xi32, #tpu.memory_space<hbm>> -> memref<128xi32, #tpu.memory_space<hbm>>
      %dma_wait3A_43 = tpu.memref_slice %arg4[%multiple_of3A] : memref<320000xi32, #tpu.memory_space<hbm>> -> memref<128xi32, #tpu.memory_space<hbm>>
      tpu.wait_dma2 semaphore(%run_scoped3A : memref<!tpu.dma_semaphore, #tpu.memory_space<semaphore_mem>>) src(%dma_wait3A_43 : memref<128xi32, #tpu.memory_space<hbm>>) dst(%arg8 : memref<128xi32, #tpu.memory_space<vmem>>)
      tpu.yield
    }) : () -> ()
    %dma_start3A = arith.constant 0 : i32
    %dma_start3A_9 = arith.constant 0 : i32
    %dma_start3A_10 = tpu.memref_slice %arg2[%dma_start3A, %dma_start3A_9] : memref<10000x128xf32, #tpu.memory_space<hbm>> -> memref<10000x128xf32, #tpu.memory_space<hbm>>
    tpu.enqueue_indirect_dma source(%dma_start3A_10 : memref<10000x128xf32, #tpu.memory_space<hbm>>) target(%arg9 : memref<128x128xf32, #tpu.memory_space<vmem>>) offsets(%arg7 : memref<128xi32, #tpu.memory_space<vmem>>) semaphore(%arg17 : memref<!tpu.dma_semaphore, #tpu.memory_space<semaphore_mem>>)
    %add3A_11 = arith.constant 128 : i32
    %add3A_12 = arith.addi %mul3A_6, %add3A_11 : i32
    %multiple_of3A_13 = tpu.assume_multiple %add3A_12, 8 : i32
    "tpu.region"() ({
      %run_scoped3A = tpu.sem_alloc : memref<!tpu.dma_semaphore, #tpu.memory_space<semaphore_mem>>
      %dma_start3A_40 = tpu.memref_slice %arg3[%multiple_of3A_13] : memref<320000xi32, #tpu.memory_space<hbm>> -> memref<128xi32, #tpu.memory_space<hbm>>
      %dma_start3A_41 = tpu.memref_slice %arg3[%multiple_of3A_13] : memref<320000xi32, #tpu.memory_space<hbm>> -> memref<128xi32, #tpu.memory_space<hbm>>
      tpu.enqueue_dma source(%dma_start3A_41 : memref<128xi32, #tpu.memory_space<hbm>>) target(%arg10 : memref<128xi32, #tpu.memory_space<vmem>>) target_semaphore(%run_scoped3A : memref<!tpu.dma_semaphore, #tpu.memory_space<semaphore_mem>>)
      %dma_wait3A_42 = tpu.memref_slice %arg3[%multiple_of3A_13] : memref<320000xi32, #tpu.memory_space<hbm>> -> memref<128xi32, #tpu.memory_space<hbm>>
      %dma_wait3A_43 = tpu.memref_slice %arg3[%multiple_of3A_13] : memref<320000xi32, #tpu.memory_space<hbm>> -> memref<128xi32, #tpu.memory_space<hbm>>
      tpu.wait_dma2 semaphore(%run_scoped3A : memref<!tpu.dma_semaphore, #tpu.memory_space<semaphore_mem>>) src(%dma_wait3A_43 : memref<128xi32, #tpu.memory_space<hbm>>) dst(%arg10 : memref<128xi32, #tpu.memory_space<vmem>>)
      tpu.yield
    }) : () -> ()
    "tpu.region"() ({
      %run_scoped3A = tpu.sem_alloc : memref<!tpu.dma_semaphore, #tpu.memory_space<semaphore_mem>>
      %dma_start3A_40 = tpu.memref_slice %arg4[%multiple_of3A_13] : memref<320000xi32, #tpu.memory_space<hbm>> -> memref<128xi32, #tpu.memory_space<hbm>>
      %dma_start3A_41 = tpu.memref_slice %arg4[%multiple_of3A_13] : memref<320000xi32, #tpu.memory_space<hbm>> -> memref<128xi32, #tpu.memory_space<hbm>>
      tpu.enqueue_dma source(%dma_start3A_41 : memref<128xi32, #tpu.memory_space<hbm>>) target(%arg11 : memref<128xi32, #tpu.memory_space<vmem>>) target_semaphore(%run_scoped3A : memref<!tpu.dma_semaphore, #tpu.memory_space<semaphore_mem>>)
      %dma_wait3A_42 = tpu.memref_slice %arg4[%multiple_of3A_13] : memref<320000xi32, #tpu.memory_space<hbm>> -> memref<128xi32, #tpu.memory_space<hbm>>
      %dma_wait3A_43 = tpu.memref_slice %arg4[%multiple_of3A_13] : memref<320000xi32, #tpu.memory_space<hbm>> -> memref<128xi32, #tpu.memory_space<hbm>>
      tpu.wait_dma2 semaphore(%run_scoped3A : memref<!tpu.dma_semaphore, #tpu.memory_space<semaphore_mem>>) src(%dma_wait3A_43 : memref<128xi32, #tpu.memory_space<hbm>>) dst(%arg11 : memref<128xi32, #tpu.memory_space<vmem>>)
      tpu.yield
    }) : () -> ()
    %dma_start3A_14 = arith.constant 0 : i32
    %dma_start3A_15 = arith.constant 0 : i32
    %dma_start3A_16 = tpu.memref_slice %arg2[%dma_start3A_14, %dma_start3A_15] : memref<10000x128xf32, #tpu.memory_space<hbm>> -> memref<10000x128xf32, #tpu.memory_space<hbm>>
    tpu.enqueue_indirect_dma source(%dma_start3A_16 : memref<10000x128xf32, #tpu.memory_space<hbm>>) target(%arg12 : memref<128x128xf32, #tpu.memory_space<vmem>>) offsets(%arg10 : memref<128xi32, #tpu.memory_space<vmem>>) semaphore(%arg18 : memref<!tpu.dma_semaphore, #tpu.memory_space<semaphore_mem>>)
    %scan3A = arith.constant 0 : i32
    %scan3A_17 = arith.constant 0 : i32
    %scan3A_18 = arith.constant 39 : i32
    %scan3A_19 = arith.addi %scan3A_17, %scan3A_18 : i32
    %scan3A_20 = arith.constant 1 : i32
    scf.for %scan3A_40 = %scan3A_17 to %scan3A_19 step %scan3A_20  : i32 {
      %mul3A_41 = arith.constant 2 : i32
      %mul3A_42 = arith.muli %mul3A_41, %scan3A_40 : i32
      %add3A_43 = arith.constant 0 : i32
      %add3A_44 = arith.addi %mul3A_42, %add3A_43 : i32
      %dma_wait3A_45 = arith.constant 0 : i32
      %dma_wait3A_46 = arith.constant 0 : i32
      %dma_wait3A_47 = tpu.memref_slice %arg2[%dma_wait3A_45, %dma_wait3A_46] : memref<10000x128xf32, #tpu.memory_space<hbm>> -> memref<10000x128xf32, #tpu.memory_space<hbm>>
      tpu.wait_indirect_dma semaphore(%arg17 : memref<!tpu.dma_semaphore, #tpu.memory_space<semaphore_mem>>) src(%dma_wait3A_47 : memref<10000x128xf32, #tpu.memory_space<hbm>>) dst(%arg9 : memref<128x128xf32, #tpu.memory_space<vmem>>)
      "tpu.region"() ({
        %run_scoped3A = tpu.sem_alloc : memref<!tpu.dma_semaphore, #tpu.memory_space<semaphore_mem>>
        %dma_start3A_68 = arith.constant 0 : i32
        %dma_start3A_69 = arith.constant 0 : i32
        %dma_start3A_70 = tpu.memref_slice %arg16[%dma_start3A_68, %dma_start3A_69] : memref<10000x128xf32, #tpu.memory_space<vmem_shared>> -> memref<10000x128xf32, #tpu.memory_space<vmem_shared>>
        tpu.enqueue_indirect_dma source(%arg9 : memref<128x128xf32, #tpu.memory_space<vmem>>) target(%dma_start3A_70 : memref<10000x128xf32, #tpu.memory_space<vmem_shared>>) offsets(%arg8 : memref<128xi32, #tpu.memory_space<vmem>>) semaphore(%run_scoped3A : memref<!tpu.dma_semaphore, #tpu.memory_space<semaphore_mem>>) {add = true}
        %dma_wait3A_71 = arith.constant 0 : i32
        %dma_wait3A_72 = arith.constant 0 : i32
        %dma_wait3A_73 = tpu.memref_slice %arg16[%dma_wait3A_71, %dma_wait3A_72] : memref<10000x128xf32, #tpu.memory_space<vmem_shared>> -> memref<10000x128xf32, #tpu.memory_space<vmem_shared>>
        tpu.wait_indirect_dma semaphore(%run_scoped3A : memref<!tpu.dma_semaphore, #tpu.memory_space<semaphore_mem>>) src(%arg9 : memref<128x128xf32, #tpu.memory_space<vmem>>) dst(%dma_wait3A_73 : memref<10000x128xf32, #tpu.memory_space<vmem_shared>>)
        tpu.yield
      }) : () -> ()
      %add3A_48 = arith.constant 2 : i32
      %add3A_49 = arith.addi %add3A_44, %add3A_48 : i32
      %lt3A = arith.constant 78 : i32
      %lt3A_50 = arith.cmpi slt, %add3A_49, %lt3A : i32
      %convert_element_type3A_51 = arith.extui %lt3A_50 : i1 to i32
      %cond3A_52 = arith.constant 0 : i32
      %cond3A_53 = arith.cmpi ne, %convert_element_type3A_51, %cond3A_52 : i32
      scf.if %cond3A_53 {
        %add3A_68 = arith.constant 2 : i32
        %add3A_69 = arith.addi %add3A_44, %add3A_68 : i32
        %mul3A_70 = arith.constant 128 : i32
        %mul3A_71 = arith.muli %add3A_69, %mul3A_70 : i32
        %add3A_72 = arith.addi %mul3A_6, %mul3A_71 : i32
        %multiple_of3A_73 = tpu.assume_multiple %add3A_72, 8 : i32
        "tpu.region"() ({
          %run_scoped3A = tpu.sem_alloc : memref<!tpu.dma_semaphore, #tpu.memory_space<semaphore_mem>>
          %dma_start3A_77 = tpu.memref_slice %arg3[%multiple_of3A_73] : memref<320000xi32, #tpu.memory_space<hbm>> -> memref<128xi32, #tpu.memory_space<hbm>>
          %dma_start3A_78 = tpu.memref_slice %arg3[%multiple_of3A_73] : memref<320000xi32, #tpu.memory_space<hbm>> -> memref<128xi32, #tpu.memory_space<hbm>>
          tpu.enqueue_dma source(%dma_start3A_78 : memref<128xi32, #tpu.memory_space<hbm>>) target(%arg7 : memref<128xi32, #tpu.memory_space<vmem>>) target_semaphore(%run_scoped3A : memref<!tpu.dma_semaphore, #tpu.memory_space<semaphore_mem>>)
          %dma_wait3A_79 = tpu.memref_slice %arg3[%multiple_of3A_73] : memref<320000xi32, #tpu.memory_space<hbm>> -> memref<128xi32, #tpu.memory_space<hbm>>
          %dma_wait3A_80 = tpu.memref_slice %arg3[%multiple_of3A_73] : memref<320000xi32, #tpu.memory_space<hbm>> -> memref<128xi32, #tpu.memory_space<hbm>>
          tpu.wait_dma2 semaphore(%run_scoped3A : memref<!tpu.dma_semaphore, #tpu.memory_space<semaphore_mem>>) src(%dma_wait3A_80 : memref<128xi32, #tpu.memory_space<hbm>>) dst(%arg7 : memref<128xi32, #tpu.memory_space<vmem>>)
          tpu.yield
        }) : () -> ()
        "tpu.region"() ({
          %run_scoped3A = tpu.sem_alloc : memref<!tpu.dma_semaphore, #tpu.memory_space<semaphore_mem>>
          %dma_start3A_77 = tpu.memref_slice %arg4[%multiple_of3A_73] : memref<320000xi32, #tpu.memory_space<hbm>> -> memref<128xi32, #tpu.memory_space<hbm>>
          %dma_start3A_78 = tpu.memref_slice %arg4[%multiple_of3A_73] : memref<320000xi32, #tpu.memory_space<hbm>> -> memref<128xi32, #tpu.memory_space<hbm>>
          tpu.enqueue_dma source(%dma_start3A_78 : memref<128xi32, #tpu.memory_space<hbm>>) target(%arg8 : memref<128xi32, #tpu.memory_space<vmem>>) target_semaphore(%run_scoped3A : memref<!tpu.dma_semaphore, #tpu.memory_space<semaphore_mem>>)
          %dma_wait3A_79 = tpu.memref_slice %arg4[%multiple_of3A_73] : memref<320000xi32, #tpu.memory_space<hbm>> -> memref<128xi32, #tpu.memory_space<hbm>>
          %dma_wait3A_80 = tpu.memref_slice %arg4[%multiple_of3A_73] : memref<320000xi32, #tpu.memory_space<hbm>> -> memref<128xi32, #tpu.memory_space<hbm>>
          tpu.wait_dma2 semaphore(%run_scoped3A : memref<!tpu.dma_semaphore, #tpu.memory_space<semaphore_mem>>) src(%dma_wait3A_80 : memref<128xi32, #tpu.memory_space<hbm>>) dst(%arg8 : memref<128xi32, #tpu.memory_space<vmem>>)
          tpu.yield
        }) : () -> ()
        %dma_start3A_74 = arith.constant 0 : i32
        %dma_start3A_75 = arith.constant 0 : i32
        %dma_start3A_76 = tpu.memref_slice %arg2[%dma_start3A_74, %dma_start3A_75] : memref<10000x128xf32, #tpu.memory_space<hbm>> -> memref<10000x128xf32, #tpu.memory_space<hbm>>
        tpu.enqueue_indirect_dma source(%dma_start3A_76 : memref<10000x128xf32, #tpu.memory_space<hbm>>) target(%arg9 : memref<128x128xf32, #tpu.memory_space<vmem>>) offsets(%arg7 : memref<128xi32, #tpu.memory_space<vmem>>) semaphore(%arg17 : memref<!tpu.dma_semaphore, #tpu.memory_space<semaphore_mem>>)
      } else {
      }
      %mul3A_54 = arith.constant 2 : i32
      %mul3A_55 = arith.muli %mul3A_54, %scan3A_40 : i32
      %add3A_56 = arith.constant 1 : i32
      %add3A_57 = arith.addi %mul3A_55, %add3A_56 : i32
      %dma_wait3A_58 = arith.constant 0 : i32
      %dma_wait3A_59 = arith.constant 0 : i32
      %dma_wait3A_60 = tpu.memref_slice %arg2[%dma_wait3A_58, %dma_wait3A_59] : memref<10000x128xf32, #tpu.memory_space<hbm>> -> memref<10000x128xf32, #tpu.memory_space<hbm>>
      tpu.wait_indirect_dma semaphore(%arg18 : memref<!tpu.dma_semaphore, #tpu.memory_space<semaphore_mem>>) src(%dma_wait3A_60 : memref<10000x128xf32, #tpu.memory_space<hbm>>) dst(%arg12 : memref<128x128xf32, #tpu.memory_space<vmem>>)
      "tpu.region"() ({
        %run_scoped3A = tpu.sem_alloc : memref<!tpu.dma_semaphore, #tpu.memory_space<semaphore_mem>>
        %dma_start3A_68 = arith.constant 0 : i32
        %dma_start3A_69 = arith.constant 0 : i32
        %dma_start3A_70 = tpu.memref_slice %arg16[%dma_start3A_68, %dma_start3A_69] : memref<10000x128xf32, #tpu.memory_space<vmem_shared>> -> memref<10000x128xf32, #tpu.memory_space<vmem_shared>>
        tpu.enqueue_indirect_dma source(%arg12 : memref<128x128xf32, #tpu.memory_space<vmem>>) target(%dma_start3A_70 : memref<10000x128xf32, #tpu.memory_space<vmem_shared>>) offsets(%arg11 : memref<128xi32, #tpu.memory_space<vmem>>) semaphore(%run_scoped3A : memref<!tpu.dma_semaphore, #tpu.memory_space<semaphore_mem>>) {add = true}
        %dma_wait3A_71 = arith.constant 0 : i32
        %dma_wait3A_72 = arith.constant 0 : i32
        %dma_wait3A_73 = tpu.memref_slice %arg16[%dma_wait3A_71, %dma_wait3A_72] : memref<10000x128xf32, #tpu.memory_space<vmem_shared>> -> memref<10000x128xf32, #tpu.memory_space<vmem_shared>>
        tpu.wait_indirect_dma semaphore(%run_scoped3A : memref<!tpu.dma_semaphore, #tpu.memory_space<semaphore_mem>>) src(%arg12 : memref<128x128xf32, #tpu.memory_space<vmem>>) dst(%dma_wait3A_73 : memref<10000x128xf32, #tpu.memory_space<vmem_shared>>)
        tpu.yield
      }) : () -> ()
      %add3A_61 = arith.constant 2 : i32
      %add3A_62 = arith.addi %add3A_57, %add3A_61 : i32
      %lt3A_63 = arith.constant 78 : i32
      %lt3A_64 = arith.cmpi slt, %add3A_62, %lt3A_63 : i32
      %convert_element_type3A_65 = arith.extui %lt3A_64 : i1 to i32
      %cond3A_66 = arith.constant 0 : i32
      %cond3A_67 = arith.cmpi ne, %convert_element_type3A_65, %cond3A_66 : i32
      scf.if %cond3A_67 {
        %add3A_68 = arith.constant 2 : i32
        %add3A_69 = arith.addi %add3A_57, %add3A_68 : i32
        %mul3A_70 = arith.constant 128 : i32
        %mul3A_71 = arith.muli %add3A_69, %mul3A_70 : i32
        %add3A_72 = arith.addi %mul3A_6, %mul3A_71 : i32
        %multiple_of3A_73 = tpu.assume_multiple %add3A_72, 8 : i32
        "tpu.region"() ({
          %run_scoped3A = tpu.sem_alloc : memref<!tpu.dma_semaphore, #tpu.memory_space<semaphore_mem>>
          %dma_start3A_77 = tpu.memref_slice %arg3[%multiple_of3A_73] : memref<320000xi32, #tpu.memory_space<hbm>> -> memref<128xi32, #tpu.memory_space<hbm>>
          %dma_start3A_78 = tpu.memref_slice %arg3[%multiple_of3A_73] : memref<320000xi32, #tpu.memory_space<hbm>> -> memref<128xi32, #tpu.memory_space<hbm>>
          tpu.enqueue_dma source(%dma_start3A_78 : memref<128xi32, #tpu.memory_space<hbm>>) target(%arg10 : memref<128xi32, #tpu.memory_space<vmem>>) target_semaphore(%run_scoped3A : memref<!tpu.dma_semaphore, #tpu.memory_space<semaphore_mem>>)
          %dma_wait3A_79 = tpu.memref_slice %arg3[%multiple_of3A_73] : memref<320000xi32, #tpu.memory_space<hbm>> -> memref<128xi32, #tpu.memory_space<hbm>>
          %dma_wait3A_80 = tpu.memref_slice %arg3[%multiple_of3A_73] : memref<320000xi32, #tpu.memory_space<hbm>> -> memref<128xi32, #tpu.memory_space<hbm>>
          tpu.wait_dma2 semaphore(%run_scoped3A : memref<!tpu.dma_semaphore, #tpu.memory_space<semaphore_mem>>) src(%dma_wait3A_80 : memref<128xi32, #tpu.memory_space<hbm>>) dst(%arg10 : memref<128xi32, #tpu.memory_space<vmem>>)
          tpu.yield
        }) : () -> ()
        "tpu.region"() ({
          %run_scoped3A = tpu.sem_alloc : memref<!tpu.dma_semaphore, #tpu.memory_space<semaphore_mem>>
          %dma_start3A_77 = tpu.memref_slice %arg4[%multiple_of3A_73] : memref<320000xi32, #tpu.memory_space<hbm>> -> memref<128xi32, #tpu.memory_space<hbm>>
          %dma_start3A_78 = tpu.memref_slice %arg4[%multiple_of3A_73] : memref<320000xi32, #tpu.memory_space<hbm>> -> memref<128xi32, #tpu.memory_space<hbm>>
          tpu.enqueue_dma source(%dma_start3A_78 : memref<128xi32, #tpu.memory_space<hbm>>) target(%arg11 : memref<128xi32, #tpu.memory_space<vmem>>) target_semaphore(%run_scoped3A : memref<!tpu.dma_semaphore, #tpu.memory_space<semaphore_mem>>)
          %dma_wait3A_79 = tpu.memref_slice %arg4[%multiple_of3A_73] : memref<320000xi32, #tpu.memory_space<hbm>> -> memref<128xi32, #tpu.memory_space<hbm>>
          %dma_wait3A_80 = tpu.memref_slice %arg4[%multiple_of3A_73] : memref<320000xi32, #tpu.memory_space<hbm>> -> memref<128xi32, #tpu.memory_space<hbm>>
          tpu.wait_dma2 semaphore(%run_scoped3A : memref<!tpu.dma_semaphore, #tpu.memory_space<semaphore_mem>>) src(%dma_wait3A_80 : memref<128xi32, #tpu.memory_space<hbm>>) dst(%arg11 : memref<128xi32, #tpu.memory_space<vmem>>)
          tpu.yield
        }) : () -> ()
        %dma_start3A_74 = arith.constant 0 : i32
        %dma_start3A_75 = arith.constant 0 : i32
        %dma_start3A_76 = tpu.memref_slice %arg2[%dma_start3A_74, %dma_start3A_75] : memref<10000x128xf32, #tpu.memory_space<hbm>> -> memref<10000x128xf32, #tpu.memory_space<hbm>>
        tpu.enqueue_indirect_dma source(%dma_start3A_76 : memref<10000x128xf32, #tpu.memory_space<hbm>>) target(%arg12 : memref<128x128xf32, #tpu.memory_space<vmem>>) offsets(%arg10 : memref<128xi32, #tpu.memory_space<vmem>>) semaphore(%arg18 : memref<!tpu.dma_semaphore, #tpu.memory_space<semaphore_mem>>)
      } else {
      }
    }
    %scan3A_21 = arith.constant 39 : i32
    %add3A_22 = arith.constant 9984 : i32
    %add3A_23 = arith.addi %mul3A_6, %add3A_22 : i32
    %multiple_of3A_24 = tpu.assume_multiple %add3A_23, 8 : i32
    "tpu.region"() ({
      %run_scoped3A = tpu.sem_alloc : memref<!tpu.dma_semaphore, #tpu.memory_space<semaphore_mem>>
      %dma_start3A_40 = tpu.memref_slice %arg3[%multiple_of3A_24] : memref<320000xi32, #tpu.memory_space<hbm>> -> memref<16xi32, #tpu.memory_space<hbm>>
      %dma_start3A_41 = tpu.memref_slice %arg3[%multiple_of3A_24] : memref<320000xi32, #tpu.memory_space<hbm>> -> memref<16xi32, #tpu.memory_space<hbm>>
      tpu.enqueue_dma source(%dma_start3A_41 : memref<16xi32, #tpu.memory_space<hbm>>) target(%arg13 : memref<16xi32, #tpu.memory_space<vmem>>) target_semaphore(%run_scoped3A : memref<!tpu.dma_semaphore, #tpu.memory_space<semaphore_mem>>)
      %dma_wait3A_42 = tpu.memref_slice %arg3[%multiple_of3A_24] : memref<320000xi32, #tpu.memory_space<hbm>> -> memref<16xi32, #tpu.memory_space<hbm>>
      %dma_wait3A_43 = tpu.memref_slice %arg3[%multiple_of3A_24] : memref<320000xi32, #tpu.memory_space<hbm>> -> memref<16xi32, #tpu.memory_space<hbm>>
      tpu.wait_dma2 semaphore(%run_scoped3A : memref<!tpu.dma_semaphore, #tpu.memory_space<semaphore_mem>>) src(%dma_wait3A_43 : memref<16xi32, #tpu.memory_space<hbm>>) dst(%arg13 : memref<16xi32, #tpu.memory_space<vmem>>)
      tpu.yield
    }) : () -> ()
    "tpu.region"() ({
      %run_scoped3A = tpu.sem_alloc : memref<!tpu.dma_semaphore, #tpu.memory_space<semaphore_mem>>
      %dma_start3A_40 = tpu.memref_slice %arg4[%multiple_of3A_24] : memref<320000xi32, #tpu.memory_space<hbm>> -> memref<16xi32, #tpu.memory_space<hbm>>
      %dma_start3A_41 = tpu.memref_slice %arg4[%multiple_of3A_24] : memref<320000xi32, #tpu.memory_space<hbm>> -> memref<16xi32, #tpu.memory_space<hbm>>
      tpu.enqueue_dma source(%dma_start3A_41 : memref<16xi32, #tpu.memory_space<hbm>>) target(%arg14 : memref<16xi32, #tpu.memory_space<vmem>>) target_semaphore(%run_scoped3A : memref<!tpu.dma_semaphore, #tpu.memory_space<semaphore_mem>>)
      %dma_wait3A_42 = tpu.memref_slice %arg4[%multiple_of3A_24] : memref<320000xi32, #tpu.memory_space<hbm>> -> memref<16xi32, #tpu.memory_space<hbm>>
      %dma_wait3A_43 = tpu.memref_slice %arg4[%multiple_of3A_24] : memref<320000xi32, #tpu.memory_space<hbm>> -> memref<16xi32, #tpu.memory_space<hbm>>
      tpu.wait_dma2 semaphore(%run_scoped3A : memref<!tpu.dma_semaphore, #tpu.memory_space<semaphore_mem>>) src(%dma_wait3A_43 : memref<16xi32, #tpu.memory_space<hbm>>) dst(%arg14 : memref<16xi32, #tpu.memory_space<vmem>>)
      tpu.yield
    }) : () -> ()
    %dma_start3A_25 = arith.constant 0 : i32
    %dma_start3A_26 = arith.constant 0 : i32
    %dma_start3A_27 = tpu.memref_slice %arg2[%dma_start3A_25, %dma_start3A_26] : memref<10000x128xf32, #tpu.memory_space<hbm>> -> memref<10000x128xf32, #tpu.memory_space<hbm>>
    tpu.enqueue_indirect_dma source(%dma_start3A_27 : memref<10000x128xf32, #tpu.memory_space<hbm>>) target(%arg15 : memref<16x128xf32, #tpu.memory_space<vmem>>) offsets(%arg13 : memref<16xi32, #tpu.memory_space<vmem>>) semaphore(%arg19 : memref<!tpu.dma_semaphore, #tpu.memory_space<semaphore_mem>>)
    %dma_wait3A = arith.constant 0 : i32
    %dma_wait3A_28 = arith.constant 0 : i32
    %dma_wait3A_29 = tpu.memref_slice %arg2[%dma_wait3A, %dma_wait3A_28] : memref<10000x128xf32, #tpu.memory_space<hbm>> -> memref<10000x128xf32, #tpu.memory_space<hbm>>
    tpu.wait_indirect_dma semaphore(%arg19 : memref<!tpu.dma_semaphore, #tpu.memory_space<semaphore_mem>>) src(%dma_wait3A_29 : memref<10000x128xf32, #tpu.memory_space<hbm>>) dst(%arg15 : memref<16x128xf32, #tpu.memory_space<vmem>>)
    "tpu.region"() ({
      %run_scoped3A = tpu.sem_alloc : memref<!tpu.dma_semaphore, #tpu.memory_space<semaphore_mem>>
      %dma_start3A_40 = arith.constant 0 : i32
      %dma_start3A_41 = arith.constant 0 : i32
      %dma_start3A_42 = tpu.memref_slice %arg16[%dma_start3A_40, %dma_start3A_41] : memref<10000x128xf32, #tpu.memory_space<vmem_shared>> -> memref<10000x128xf32, #tpu.memory_space<vmem_shared>>
      tpu.enqueue_indirect_dma source(%arg15 : memref<16x128xf32, #tpu.memory_space<vmem>>) target(%dma_start3A_42 : memref<10000x128xf32, #tpu.memory_space<vmem_shared>>) offsets(%arg14 : memref<16xi32, #tpu.memory_space<vmem>>) semaphore(%run_scoped3A : memref<!tpu.dma_semaphore, #tpu.memory_space<semaphore_mem>>) {add = true}
      %dma_wait3A_43 = arith.constant 0 : i32
      %dma_wait3A_44 = arith.constant 0 : i32
      %dma_wait3A_45 = tpu.memref_slice %arg16[%dma_wait3A_43, %dma_wait3A_44] : memref<10000x128xf32, #tpu.memory_space<vmem_shared>> -> memref<10000x128xf32, #tpu.memory_space<vmem_shared>>
      tpu.wait_indirect_dma semaphore(%run_scoped3A : memref<!tpu.dma_semaphore, #tpu.memory_space<semaphore_mem>>) src(%arg15 : memref<16x128xf32, #tpu.memory_space<vmem>>) dst(%dma_wait3A_45 : memref<10000x128xf32, #tpu.memory_space<vmem_shared>>)
      tpu.yield
    }) : () -> ()
    %barrier3A_30 = arith.constant 0 : index
    tpu.barrier barrier_id(%barrier3A_30)
    %mul3A_31 = arith.constant 624 : i32
    %mul3A_32 = arith.muli %arg1, %mul3A_31 : i32
    %mul3A_33 = arith.constant 624 : i32
    %mul3A_34 = arith.muli %arg1, %mul3A_33 : i32
    "tpu.region"() ({
      %run_scoped3A = tpu.sem_alloc : memref<!tpu.dma_semaphore, #tpu.memory_space<semaphore_mem>>
      %dma_start3A_40 = arith.constant 0 : i32
      %dma_start3A_41 = tpu.memref_slice %arg6[%arg0, %mul3A_34, %dma_start3A_40] : memref<2x10000x128xf32, #tpu.memory_space<hbm>> -> memref<1x624x128xf32, #tpu.memory_space<hbm>>
      %dma_start3A_42 = tpu.memref_squeeze %dma_start3A_41 : memref<1x624x128xf32, #tpu.memory_space<hbm>> -> memref<624x128xf32, #tpu.memory_space<hbm>>
      %dma_start3A_43 = arith.constant 0 : i32
      %dma_start3A_44 = tpu.memref_slice %arg16[%mul3A_32, %dma_start3A_43] : memref<10000x128xf32, #tpu.memory_space<vmem_shared>> -> memref<624x128xf32, #tpu.memory_space<vmem_shared>>
      tpu.enqueue_dma source(%dma_start3A_44 : memref<624x128xf32, #tpu.memory_space<vmem_shared>>) target(%dma_start3A_42 : memref<624x128xf32, #tpu.memory_space<hbm>>) target_semaphore(%run_scoped3A : memref<!tpu.dma_semaphore, #tpu.memory_space<semaphore_mem>>)
      %dma_wait3A_45 = arith.constant 0 : i32
      %dma_wait3A_46 = tpu.memref_slice %arg6[%arg0, %mul3A_34, %dma_wait3A_45] : memref<2x10000x128xf32, #tpu.memory_space<hbm>> -> memref<1x624x128xf32, #tpu.memory_space<hbm>>
      %dma_wait3A_47 = tpu.memref_squeeze %dma_wait3A_46 : memref<1x624x128xf32, #tpu.memory_space<hbm>> -> memref<624x128xf32, #tpu.memory_space<hbm>>
      %dma_wait3A_48 = arith.constant 0 : i32
      %dma_wait3A_49 = tpu.memref_slice %arg16[%mul3A_32, %dma_wait3A_48] : memref<10000x128xf32, #tpu.memory_space<vmem_shared>> -> memref<624x128xf32, #tpu.memory_space<vmem_shared>>
      tpu.wait_dma2 semaphore(%run_scoped3A : memref<!tpu.dma_semaphore, #tpu.memory_space<semaphore_mem>>) src(%dma_wait3A_49 : memref<624x128xf32, #tpu.memory_space<vmem_shared>>) dst(%dma_wait3A_47 : memref<624x128xf32, #tpu.memory_space<hbm>>)
      tpu.yield
    }) : () -> ()
    %eq3A_35 = arith.constant 15 : i32
    %eq3A_36 = arith.cmpi eq, %arg1, %eq3A_35 : i32
    %convert_element_type3A_37 = arith.extui %eq3A_36 : i1 to i32
    %cond3A_38 = arith.constant 0 : i32
    %cond3A_39 = arith.cmpi ne, %convert_element_type3A_37, %cond3A_38 : i32
    scf.if %cond3A_39 {
      "tpu.region"() ({
        %run_scoped3A = tpu.sem_alloc : memref<!tpu.dma_semaphore, #tpu.memory_space<semaphore_mem>>
        %dma_start3A_40 = arith.constant 9984 : i32
        %dma_start3A_41 = arith.constant 0 : i32
        %dma_start3A_42 = tpu.memref_slice %arg6[%arg0, %dma_start3A_40, %dma_start3A_41] : memref<2x10000x128xf32, #tpu.memory_space<hbm>> -> memref<1x16x128xf32, #tpu.memory_space<hbm>>
        %dma_start3A_43 = tpu.memref_squeeze %dma_start3A_42 : memref<1x16x128xf32, #tpu.memory_space<hbm>> -> memref<16x128xf32, #tpu.memory_space<hbm>>
        %dma_start3A_44 = arith.constant 9984 : i32
        %dma_start3A_45 = arith.constant 0 : i32
        %dma_start3A_46 = tpu.memref_slice %arg16[%dma_start3A_44, %dma_start3A_45] : memref<10000x128xf32, #tpu.memory_space<vmem_shared>> -> memref<16x128xf32, #tpu.memory_space<vmem_shared>>
        tpu.enqueue_dma source(%dma_start3A_46 : memref<16x128xf32, #tpu.memory_space<vmem_shared>>) target(%dma_start3A_43 : memref<16x128xf32, #tpu.memory_space<hbm>>) target_semaphore(%run_scoped3A : memref<!tpu.dma_semaphore, #tpu.memory_space<semaphore_mem>>)
        %dma_wait3A_47 = arith.constant 9984 : i32
        %dma_wait3A_48 = arith.constant 0 : i32
        %dma_wait3A_49 = tpu.memref_slice %arg6[%arg0, %dma_wait3A_47, %dma_wait3A_48] : memref<2x10000x128xf32, #tpu.memory_space<hbm>> -> memref<1x16x128xf32, #tpu.memory_space<hbm>>
        %dma_wait3A_50 = tpu.memref_squeeze %dma_wait3A_49 : memref<1x16x128xf32, #tpu.memory_space<hbm>> -> memref<16x128xf32, #tpu.memory_space<hbm>>
        %dma_wait3A_51 = arith.constant 9984 : i32
        %dma_wait3A_52 = arith.constant 0 : i32
        %dma_wait3A_53 = tpu.memref_slice %arg16[%dma_wait3A_51, %dma_wait3A_52] : memref<10000x128xf32, #tpu.memory_space<vmem_shared>> -> memref<16x128xf32, #tpu.memory_space<vmem_shared>>
        tpu.wait_dma2 semaphore(%run_scoped3A : memref<!tpu.dma_semaphore, #tpu.memory_space<semaphore_mem>>) src(%dma_wait3A_53 : memref<16x128xf32, #tpu.memory_space<vmem_shared>>) dst(%dma_wait3A_50 : memref<16x128xf32, #tpu.memory_space<hbm>>)
        tpu.yield
      }) : () -> ()
    } else {
    }
    return
  }
}

#map = affine_map<(d0, d1) -> (0, 0)>
#map1 = affine_map<(d0, d1) -> (0)>
#map2 = affine_map<(d0, d1) -> (0, 0, 0)>
module attributes {stable_mosaic.version = 14 : i64} {
  func.func @_sc_agg_body(%arg0: i32, %arg1: i32, %arg2: memref<10000x128xf32, #tpu.memory_space<hbm>>, %arg3: memref<320000xi32, #tpu.memory_space<hbm>>, %arg4: memref<320000xi32, #tpu.memory_space<hbm>>, %arg5: memref<624x128xf32, #tpu.memory_space<hbm>>, %arg6: memref<2x10000x128xf32, #tpu.memory_space<hbm>>, %arg7: memref<128xi32, #tpu.memory_space<vmem>>, %arg8: memref<128xi32, #tpu.memory_space<vmem>>, %arg9: memref<128x128xf32, #tpu.memory_space<vmem>>, %arg10: memref<128xi32, #tpu.memory_space<vmem>>, %arg11: memref<128xi32, #tpu.memory_space<vmem>>, %arg12: memref<128x128xf32, #tpu.memory_space<vmem>>, %arg13: memref<16xi32, #tpu.memory_space<vmem>>, %arg14: memref<16xi32, #tpu.memory_space<vmem>>, %arg15: memref<16x128xf32, #tpu.memory_space<vmem>>, %arg16: memref<10000x128xf32, #tpu.memory_space<vmem_shared>>, %arg17: memref<!tpu.dma_semaphore, #tpu.memory_space<semaphore_mem>>, %arg18: memref<!tpu.dma_semaphore, #tpu.memory_space<semaphore_mem>>, %arg19: memref<!tpu.dma_semaphore, #tpu.memory_space<semaphore_mem>>) attributes {dimension_semantics = [#tpu.dimension_semantics<core_parallel>, #tpu.dimension_semantics<subcore_parallel>], iteration_bounds = array<i64: 2, 16>, scalar_prefetch = 0 : i64, scratch_operands = 13 : i64, tpu.core_type = #tpu.core_type<sc_vector_subcore>, window_params = [{transform_indices = #map}, {transform_indices = #map1}, {transform_indices = #map1}, {transform_indices = #map}, {transform_indices = #map2}]} {
    %mul3A = arith.constant 2 : i32
    %mul3A_0 = arith.muli %arg1, %mul3A : i32
    %add3A = arith.addi %mul3A_0, %arg0 : i32
    %mul3A_1 = arith.constant 624 : i32
    %mul3A_2 = arith.muli %arg1, %mul3A_1 : i32
    "tpu.region"() ({
      %run_scoped3A = tpu.sem_alloc : memref<!tpu.dma_semaphore, #tpu.memory_space<semaphore_mem>>
      %dma_start3A_40 = arith.constant 0 : i32
      %dma_start3A_41 = tpu.memref_slice %arg16[%mul3A_2, %dma_start3A_40] : memref<10000x128xf32, #tpu.memory_space<vmem_shared>> -> memref<624x128xf32, #tpu.memory_space<vmem_shared>>
      %dma_start3A_42 = arith.constant 0 : i32
      %dma_start3A_43 = arith.constant 0 : i32
      %dma_start3A_44 = tpu.memref_slice %arg5[%dma_start3A_42, %dma_start3A_43] : memref<624x128xf32, #tpu.memory_space<hbm>> -> memref<624x128xf32, #tpu.memory_space<hbm>>
      tpu.enqueue_dma source(%dma_start3A_44 : memref<624x128xf32, #tpu.memory_space<hbm>>) target(%dma_start3A_41 : memref<624x128xf32, #tpu.memory_space<vmem_shared>>) target_semaphore(%run_scoped3A : memref<!tpu.dma_semaphore, #tpu.memory_space<semaphore_mem>>)
      %dma_wait3A_45 = arith.constant 0 : i32
      %dma_wait3A_46 = tpu.memref_slice %arg16[%mul3A_2, %dma_wait3A_45] : memref<10000x128xf32, #tpu.memory_space<vmem_shared>> -> memref<624x128xf32, #tpu.memory_space<vmem_shared>>
      %dma_wait3A_47 = arith.constant 0 : i32
      %dma_wait3A_48 = arith.constant 0 : i32
      %dma_wait3A_49 = tpu.memref_slice %arg5[%dma_wait3A_47, %dma_wait3A_48] : memref<624x128xf32, #tpu.memory_space<hbm>> -> memref<624x128xf32, #tpu.memory_space<hbm>>
      tpu.wait_dma2 semaphore(%run_scoped3A : memref<!tpu.dma_semaphore, #tpu.memory_space<semaphore_mem>>) src(%dma_wait3A_49 : memref<624x128xf32, #tpu.memory_space<hbm>>) dst(%dma_wait3A_46 : memref<624x128xf32, #tpu.memory_space<vmem_shared>>)
      tpu.yield
    }) : () -> ()
    %eq3A = arith.constant 15 : i32
    %eq3A_3 = arith.cmpi eq, %arg1, %eq3A : i32
    %convert_element_type3A = arith.extui %eq3A_3 : i1 to i32
    %cond3A = arith.constant 0 : i32
    %cond3A_4 = arith.cmpi ne, %convert_element_type3A, %cond3A : i32
    scf.if %cond3A_4 {
      "tpu.region"() ({
        %run_scoped3A = tpu.sem_alloc : memref<!tpu.dma_semaphore, #tpu.memory_space<semaphore_mem>>
        %dma_start3A_40 = arith.constant 9984 : i32
        %dma_start3A_41 = arith.constant 0 : i32
        %dma_start3A_42 = tpu.memref_slice %arg16[%dma_start3A_40, %dma_start3A_41] : memref<10000x128xf32, #tpu.memory_space<vmem_shared>> -> memref<16x128xf32, #tpu.memory_space<vmem_shared>>
        %dma_start3A_43 = arith.constant 0 : i32
        %dma_start3A_44 = arith.constant 0 : i32
        %dma_start3A_45 = tpu.memref_slice %arg5[%dma_start3A_43, %dma_start3A_44] : memref<624x128xf32, #tpu.memory_space<hbm>> -> memref<16x128xf32, #tpu.memory_space<hbm>>
        tpu.enqueue_dma source(%dma_start3A_45 : memref<16x128xf32, #tpu.memory_space<hbm>>) target(%dma_start3A_42 : memref<16x128xf32, #tpu.memory_space<vmem_shared>>) target_semaphore(%run_scoped3A : memref<!tpu.dma_semaphore, #tpu.memory_space<semaphore_mem>>)
        %dma_wait3A_46 = arith.constant 9984 : i32
        %dma_wait3A_47 = arith.constant 0 : i32
        %dma_wait3A_48 = tpu.memref_slice %arg16[%dma_wait3A_46, %dma_wait3A_47] : memref<10000x128xf32, #tpu.memory_space<vmem_shared>> -> memref<16x128xf32, #tpu.memory_space<vmem_shared>>
        %dma_wait3A_49 = arith.constant 0 : i32
        %dma_wait3A_50 = arith.constant 0 : i32
        %dma_wait3A_51 = tpu.memref_slice %arg5[%dma_wait3A_49, %dma_wait3A_50] : memref<624x128xf32, #tpu.memory_space<hbm>> -> memref<16x128xf32, #tpu.memory_space<hbm>>
        tpu.wait_dma2 semaphore(%run_scoped3A : memref<!tpu.dma_semaphore, #tpu.memory_space<semaphore_mem>>) src(%dma_wait3A_51 : memref<16x128xf32, #tpu.memory_space<hbm>>) dst(%dma_wait3A_48 : memref<16x128xf32, #tpu.memory_space<vmem_shared>>)
        tpu.yield
      }) : () -> ()
    } else {
    }
    %barrier3A = arith.constant 0 : index
    tpu.barrier barrier_id(%barrier3A)
    %mul3A_5 = arith.constant 10000 : i32
    %mul3A_6 = arith.muli %add3A, %mul3A_5 : i32
    %add3A_7 = arith.constant 0 : i32
    %add3A_8 = arith.addi %mul3A_6, %add3A_7 : i32
    %multiple_of3A = tpu.assume_multiple %add3A_8, 8 : i32
    "tpu.region"() ({
      %run_scoped3A = tpu.sem_alloc : memref<!tpu.dma_semaphore, #tpu.memory_space<semaphore_mem>>
      %dma_start3A_40 = tpu.memref_slice %arg3[%multiple_of3A] : memref<320000xi32, #tpu.memory_space<hbm>> -> memref<128xi32, #tpu.memory_space<hbm>>
      %dma_start3A_41 = tpu.memref_slice %arg3[%multiple_of3A] : memref<320000xi32, #tpu.memory_space<hbm>> -> memref<128xi32, #tpu.memory_space<hbm>>
      tpu.enqueue_dma source(%dma_start3A_41 : memref<128xi32, #tpu.memory_space<hbm>>) target(%arg7 : memref<128xi32, #tpu.memory_space<vmem>>) target_semaphore(%run_scoped3A : memref<!tpu.dma_semaphore, #tpu.memory_space<semaphore_mem>>)
      %dma_wait3A_42 = tpu.memref_slice %arg3[%multiple_of3A] : memref<320000xi32, #tpu.memory_space<hbm>> -> memref<128xi32, #tpu.memory_space<hbm>>
      %dma_wait3A_43 = tpu.memref_slice %arg3[%multiple_of3A] : memref<320000xi32, #tpu.memory_space<hbm>> -> memref<128xi32, #tpu.memory_space<hbm>>
      tpu.wait_dma2 semaphore(%run_scoped3A : memref<!tpu.dma_semaphore, #tpu.memory_space<semaphore_mem>>) src(%dma_wait3A_43 : memref<128xi32, #tpu.memory_space<hbm>>) dst(%arg7 : memref<128xi32, #tpu.memory_space<vmem>>)
      tpu.yield
    }) : () -> ()
    "tpu.region"() ({
      %run_scoped3A = tpu.sem_alloc : memref<!tpu.dma_semaphore, #tpu.memory_space<semaphore_mem>>
      %dma_start3A_40 = tpu.memref_slice %arg4[%multiple_of3A] : memref<320000xi32, #tpu.memory_space<hbm>> -> memref<128xi32, #tpu.memory_space<hbm>>
      %dma_start3A_41 = tpu.memref_slice %arg4[%multiple_of3A] : memref<320000xi32, #tpu.memory_space<hbm>> -> memref<128xi32, #tpu.memory_space<hbm>>
      tpu.enqueue_dma source(%dma_start3A_41 : memref<128xi32, #tpu.memory_space<hbm>>) target(%arg8 : memref<128xi32, #tpu.memory_space<vmem>>) target_semaphore(%run_scoped3A : memref<!tpu.dma_semaphore, #tpu.memory_space<semaphore_mem>>)
      %dma_wait3A_42 = tpu.memref_slice %arg4[%multiple_of3A] : memref<320000xi32, #tpu.memory_space<hbm>> -> memref<128xi32, #tpu.memory_space<hbm>>
      %dma_wait3A_43 = tpu.memref_slice %arg4[%multiple_of3A] : memref<320000xi32, #tpu.memory_space<hbm>> -> memref<128xi32, #tpu.memory_space<hbm>>
      tpu.wait_dma2 semaphore(%run_scoped3A : memref<!tpu.dma_semaphore, #tpu.memory_space<semaphore_mem>>) src(%dma_wait3A_43 : memref<128xi32, #tpu.memory_space<hbm>>) dst(%arg8 : memref<128xi32, #tpu.memory_space<vmem>>)
      tpu.yield
    }) : () -> ()
    %dma_start3A = arith.constant 0 : i32
    %dma_start3A_9 = arith.constant 0 : i32
    %dma_start3A_10 = tpu.memref_slice %arg2[%dma_start3A, %dma_start3A_9] : memref<10000x128xf32, #tpu.memory_space<hbm>> -> memref<10000x128xf32, #tpu.memory_space<hbm>>
    tpu.enqueue_indirect_dma source(%dma_start3A_10 : memref<10000x128xf32, #tpu.memory_space<hbm>>) target(%arg9 : memref<128x128xf32, #tpu.memory_space<vmem>>) offsets(%arg7 : memref<128xi32, #tpu.memory_space<vmem>>) semaphore(%arg17 : memref<!tpu.dma_semaphore, #tpu.memory_space<semaphore_mem>>)
    %add3A_11 = arith.constant 128 : i32
    %add3A_12 = arith.addi %mul3A_6, %add3A_11 : i32
    %multiple_of3A_13 = tpu.assume_multiple %add3A_12, 8 : i32
    "tpu.region"() ({
      %run_scoped3A = tpu.sem_alloc : memref<!tpu.dma_semaphore, #tpu.memory_space<semaphore_mem>>
      %dma_start3A_40 = tpu.memref_slice %arg3[%multiple_of3A_13] : memref<320000xi32, #tpu.memory_space<hbm>> -> memref<128xi32, #tpu.memory_space<hbm>>
      %dma_start3A_41 = tpu.memref_slice %arg3[%multiple_of3A_13] : memref<320000xi32, #tpu.memory_space<hbm>> -> memref<128xi32, #tpu.memory_space<hbm>>
      tpu.enqueue_dma source(%dma_start3A_41 : memref<128xi32, #tpu.memory_space<hbm>>) target(%arg10 : memref<128xi32, #tpu.memory_space<vmem>>) target_semaphore(%run_scoped3A : memref<!tpu.dma_semaphore, #tpu.memory_space<semaphore_mem>>)
      %dma_wait3A_42 = tpu.memref_slice %arg3[%multiple_of3A_13] : memref<320000xi32, #tpu.memory_space<hbm>> -> memref<128xi32, #tpu.memory_space<hbm>>
      %dma_wait3A_43 = tpu.memref_slice %arg3[%multiple_of3A_13] : memref<320000xi32, #tpu.memory_space<hbm>> -> memref<128xi32, #tpu.memory_space<hbm>>
      tpu.wait_dma2 semaphore(%run_scoped3A : memref<!tpu.dma_semaphore, #tpu.memory_space<semaphore_mem>>) src(%dma_wait3A_43 : memref<128xi32, #tpu.memory_space<hbm>>) dst(%arg10 : memref<128xi32, #tpu.memory_space<vmem>>)
      tpu.yield
    }) : () -> ()
    "tpu.region"() ({
      %run_scoped3A = tpu.sem_alloc : memref<!tpu.dma_semaphore, #tpu.memory_space<semaphore_mem>>
      %dma_start3A_40 = tpu.memref_slice %arg4[%multiple_of3A_13] : memref<320000xi32, #tpu.memory_space<hbm>> -> memref<128xi32, #tpu.memory_space<hbm>>
      %dma_start3A_41 = tpu.memref_slice %arg4[%multiple_of3A_13] : memref<320000xi32, #tpu.memory_space<hbm>> -> memref<128xi32, #tpu.memory_space<hbm>>
      tpu.enqueue_dma source(%dma_start3A_41 : memref<128xi32, #tpu.memory_space<hbm>>) target(%arg11 : memref<128xi32, #tpu.memory_space<vmem>>) target_semaphore(%run_scoped3A : memref<!tpu.dma_semaphore, #tpu.memory_space<semaphore_mem>>)
      %dma_wait3A_42 = tpu.memref_slice %arg4[%multiple_of3A_13] : memref<320000xi32, #tpu.memory_space<hbm>> -> memref<128xi32, #tpu.memory_space<hbm>>
      %dma_wait3A_43 = tpu.memref_slice %arg4[%multiple_of3A_13] : memref<320000xi32, #tpu.memory_space<hbm>> -> memref<128xi32, #tpu.memory_space<hbm>>
      tpu.wait_dma2 semaphore(%run_scoped3A : memref<!tpu.dma_semaphore, #tpu.memory_space<semaphore_mem>>) src(%dma_wait3A_43 : memref<128xi32, #tpu.memory_space<hbm>>) dst(%arg11 : memref<128xi32, #tpu.memory_space<vmem>>)
      tpu.yield
    }) : () -> ()
    %dma_start3A_14 = arith.constant 0 : i32
    %dma_start3A_15 = arith.constant 0 : i32
    %dma_start3A_16 = tpu.memref_slice %arg2[%dma_start3A_14, %dma_start3A_15] : memref<10000x128xf32, #tpu.memory_space<hbm>> -> memref<10000x128xf32, #tpu.memory_space<hbm>>
    tpu.enqueue_indirect_dma source(%dma_start3A_16 : memref<10000x128xf32, #tpu.memory_space<hbm>>) target(%arg12 : memref<128x128xf32, #tpu.memory_space<vmem>>) offsets(%arg10 : memref<128xi32, #tpu.memory_space<vmem>>) semaphore(%arg18 : memref<!tpu.dma_semaphore, #tpu.memory_space<semaphore_mem>>)
    %scan3A = arith.constant 0 : i32
    %scan3A_17 = arith.constant 0 : i32
    %scan3A_18 = arith.constant 39 : i32
    %scan3A_19 = arith.addi %scan3A_17, %scan3A_18 : i32
    %scan3A_20 = arith.constant 1 : i32
    scf.for %scan3A_40 = %scan3A_17 to %scan3A_19 step %scan3A_20  : i32 {
      %mul3A_41 = arith.constant 2 : i32
      %mul3A_42 = arith.muli %mul3A_41, %scan3A_40 : i32
      %add3A_43 = arith.constant 0 : i32
      %add3A_44 = arith.addi %mul3A_42, %add3A_43 : i32
      %dma_wait3A_45 = arith.constant 0 : i32
      %dma_wait3A_46 = arith.constant 0 : i32
      %dma_wait3A_47 = tpu.memref_slice %arg2[%dma_wait3A_45, %dma_wait3A_46] : memref<10000x128xf32, #tpu.memory_space<hbm>> -> memref<10000x128xf32, #tpu.memory_space<hbm>>
      tpu.wait_indirect_dma semaphore(%arg17 : memref<!tpu.dma_semaphore, #tpu.memory_space<semaphore_mem>>) src(%dma_wait3A_47 : memref<10000x128xf32, #tpu.memory_space<hbm>>) dst(%arg9 : memref<128x128xf32, #tpu.memory_space<vmem>>)
      "tpu.region"() ({
        %run_scoped3A = tpu.sem_alloc : memref<!tpu.dma_semaphore, #tpu.memory_space<semaphore_mem>>
        %dma_start3A_68 = arith.constant 0 : i32
        %dma_start3A_69 = arith.constant 0 : i32
        %dma_start3A_70 = tpu.memref_slice %arg16[%dma_start3A_68, %dma_start3A_69] : memref<10000x128xf32, #tpu.memory_space<vmem_shared>> -> memref<10000x128xf32, #tpu.memory_space<vmem_shared>>
        tpu.enqueue_indirect_dma source(%arg9 : memref<128x128xf32, #tpu.memory_space<vmem>>) target(%dma_start3A_70 : memref<10000x128xf32, #tpu.memory_space<vmem_shared>>) offsets(%arg8 : memref<128xi32, #tpu.memory_space<vmem>>) semaphore(%run_scoped3A : memref<!tpu.dma_semaphore, #tpu.memory_space<semaphore_mem>>) {add = true}
        %dma_wait3A_71 = arith.constant 0 : i32
        %dma_wait3A_72 = arith.constant 0 : i32
        %dma_wait3A_73 = tpu.memref_slice %arg16[%dma_wait3A_71, %dma_wait3A_72] : memref<10000x128xf32, #tpu.memory_space<vmem_shared>> -> memref<10000x128xf32, #tpu.memory_space<vmem_shared>>
        tpu.wait_indirect_dma semaphore(%run_scoped3A : memref<!tpu.dma_semaphore, #tpu.memory_space<semaphore_mem>>) src(%arg9 : memref<128x128xf32, #tpu.memory_space<vmem>>) dst(%dma_wait3A_73 : memref<10000x128xf32, #tpu.memory_space<vmem_shared>>)
        tpu.yield
      }) : () -> ()
      %add3A_48 = arith.constant 2 : i32
      %add3A_49 = arith.addi %add3A_44, %add3A_48 : i32
      %lt3A = arith.constant 78 : i32
      %lt3A_50 = arith.cmpi slt, %add3A_49, %lt3A : i32
      %convert_element_type3A_51 = arith.extui %lt3A_50 : i1 to i32
      %cond3A_52 = arith.constant 0 : i32
      %cond3A_53 = arith.cmpi ne, %convert_element_type3A_51, %cond3A_52 : i32
      scf.if %cond3A_53 {
        %add3A_68 = arith.constant 2 : i32
        %add3A_69 = arith.addi %add3A_44, %add3A_68 : i32
        %mul3A_70 = arith.constant 128 : i32
        %mul3A_71 = arith.muli %add3A_69, %mul3A_70 : i32
        %add3A_72 = arith.addi %mul3A_6, %mul3A_71 : i32
        %multiple_of3A_73 = tpu.assume_multiple %add3A_72, 8 : i32
        "tpu.region"() ({
          %run_scoped3A = tpu.sem_alloc : memref<!tpu.dma_semaphore, #tpu.memory_space<semaphore_mem>>
          %dma_start3A_77 = tpu.memref_slice %arg3[%multiple_of3A_73] : memref<320000xi32, #tpu.memory_space<hbm>> -> memref<128xi32, #tpu.memory_space<hbm>>
          %dma_start3A_78 = tpu.memref_slice %arg3[%multiple_of3A_73] : memref<320000xi32, #tpu.memory_space<hbm>> -> memref<128xi32, #tpu.memory_space<hbm>>
          tpu.enqueue_dma source(%dma_start3A_78 : memref<128xi32, #tpu.memory_space<hbm>>) target(%arg7 : memref<128xi32, #tpu.memory_space<vmem>>) target_semaphore(%run_scoped3A : memref<!tpu.dma_semaphore, #tpu.memory_space<semaphore_mem>>)
          %dma_wait3A_79 = tpu.memref_slice %arg3[%multiple_of3A_73] : memref<320000xi32, #tpu.memory_space<hbm>> -> memref<128xi32, #tpu.memory_space<hbm>>
          %dma_wait3A_80 = tpu.memref_slice %arg3[%multiple_of3A_73] : memref<320000xi32, #tpu.memory_space<hbm>> -> memref<128xi32, #tpu.memory_space<hbm>>
          tpu.wait_dma2 semaphore(%run_scoped3A : memref<!tpu.dma_semaphore, #tpu.memory_space<semaphore_mem>>) src(%dma_wait3A_80 : memref<128xi32, #tpu.memory_space<hbm>>) dst(%arg7 : memref<128xi32, #tpu.memory_space<vmem>>)
          tpu.yield
        }) : () -> ()
        "tpu.region"() ({
          %run_scoped3A = tpu.sem_alloc : memref<!tpu.dma_semaphore, #tpu.memory_space<semaphore_mem>>
          %dma_start3A_77 = tpu.memref_slice %arg4[%multiple_of3A_73] : memref<320000xi32, #tpu.memory_space<hbm>> -> memref<128xi32, #tpu.memory_space<hbm>>
          %dma_start3A_78 = tpu.memref_slice %arg4[%multiple_of3A_73] : memref<320000xi32, #tpu.memory_space<hbm>> -> memref<128xi32, #tpu.memory_space<hbm>>
          tpu.enqueue_dma source(%dma_start3A_78 : memref<128xi32, #tpu.memory_space<hbm>>) target(%arg8 : memref<128xi32, #tpu.memory_space<vmem>>) target_semaphore(%run_scoped3A : memref<!tpu.dma_semaphore, #tpu.memory_space<semaphore_mem>>)
          %dma_wait3A_79 = tpu.memref_slice %arg4[%multiple_of3A_73] : memref<320000xi32, #tpu.memory_space<hbm>> -> memref<128xi32, #tpu.memory_space<hbm>>
          %dma_wait3A_80 = tpu.memref_slice %arg4[%multiple_of3A_73] : memref<320000xi32, #tpu.memory_space<hbm>> -> memref<128xi32, #tpu.memory_space<hbm>>
          tpu.wait_dma2 semaphore(%run_scoped3A : memref<!tpu.dma_semaphore, #tpu.memory_space<semaphore_mem>>) src(%dma_wait3A_80 : memref<128xi32, #tpu.memory_space<hbm>>) dst(%arg8 : memref<128xi32, #tpu.memory_space<vmem>>)
          tpu.yield
        }) : () -> ()
        %dma_start3A_74 = arith.constant 0 : i32
        %dma_start3A_75 = arith.constant 0 : i32
        %dma_start3A_76 = tpu.memref_slice %arg2[%dma_start3A_74, %dma_start3A_75] : memref<10000x128xf32, #tpu.memory_space<hbm>> -> memref<10000x128xf32, #tpu.memory_space<hbm>>
        tpu.enqueue_indirect_dma source(%dma_start3A_76 : memref<10000x128xf32, #tpu.memory_space<hbm>>) target(%arg9 : memref<128x128xf32, #tpu.memory_space<vmem>>) offsets(%arg7 : memref<128xi32, #tpu.memory_space<vmem>>) semaphore(%arg17 : memref<!tpu.dma_semaphore, #tpu.memory_space<semaphore_mem>>)
      } else {
      }
      %mul3A_54 = arith.constant 2 : i32
      %mul3A_55 = arith.muli %mul3A_54, %scan3A_40 : i32
      %add3A_56 = arith.constant 1 : i32
      %add3A_57 = arith.addi %mul3A_55, %add3A_56 : i32
      %dma_wait3A_58 = arith.constant 0 : i32
      %dma_wait3A_59 = arith.constant 0 : i32
      %dma_wait3A_60 = tpu.memref_slice %arg2[%dma_wait3A_58, %dma_wait3A_59] : memref<10000x128xf32, #tpu.memory_space<hbm>> -> memref<10000x128xf32, #tpu.memory_space<hbm>>
      tpu.wait_indirect_dma semaphore(%arg18 : memref<!tpu.dma_semaphore, #tpu.memory_space<semaphore_mem>>) src(%dma_wait3A_60 : memref<10000x128xf32, #tpu.memory_space<hbm>>) dst(%arg12 : memref<128x128xf32, #tpu.memory_space<vmem>>)
      "tpu.region"() ({
        %run_scoped3A = tpu.sem_alloc : memref<!tpu.dma_semaphore, #tpu.memory_space<semaphore_mem>>
        %dma_start3A_68 = arith.constant 0 : i32
        %dma_start3A_69 = arith.constant 0 : i32
        %dma_start3A_70 = tpu.memref_slice %arg16[%dma_start3A_68, %dma_start3A_69] : memref<10000x128xf32, #tpu.memory_space<vmem_shared>> -> memref<10000x128xf32, #tpu.memory_space<vmem_shared>>
        tpu.enqueue_indirect_dma source(%arg12 : memref<128x128xf32, #tpu.memory_space<vmem>>) target(%dma_start3A_70 : memref<10000x128xf32, #tpu.memory_space<vmem_shared>>) offsets(%arg11 : memref<128xi32, #tpu.memory_space<vmem>>) semaphore(%run_scoped3A : memref<!tpu.dma_semaphore, #tpu.memory_space<semaphore_mem>>) {add = true}
        %dma_wait3A_71 = arith.constant 0 : i32
        %dma_wait3A_72 = arith.constant 0 : i32
        %dma_wait3A_73 = tpu.memref_slice %arg16[%dma_wait3A_71, %dma_wait3A_72] : memref<10000x128xf32, #tpu.memory_space<vmem_shared>> -> memref<10000x128xf32, #tpu.memory_space<vmem_shared>>
        tpu.wait_indirect_dma semaphore(%run_scoped3A : memref<!tpu.dma_semaphore, #tpu.memory_space<semaphore_mem>>) src(%arg12 : memref<128x128xf32, #tpu.memory_space<vmem>>) dst(%dma_wait3A_73 : memref<10000x128xf32, #tpu.memory_space<vmem_shared>>)
        tpu.yield
      }) : () -> ()
      %add3A_61 = arith.constant 2 : i32
      %add3A_62 = arith.addi %add3A_57, %add3A_61 : i32
      %lt3A_63 = arith.constant 78 : i32
      %lt3A_64 = arith.cmpi slt, %add3A_62, %lt3A_63 : i32
      %convert_element_type3A_65 = arith.extui %lt3A_64 : i1 to i32
      %cond3A_66 = arith.constant 0 : i32
      %cond3A_67 = arith.cmpi ne, %convert_element_type3A_65, %cond3A_66 : i32
      scf.if %cond3A_67 {
        %add3A_68 = arith.constant 2 : i32
        %add3A_69 = arith.addi %add3A_57, %add3A_68 : i32
        %mul3A_70 = arith.constant 128 : i32
        %mul3A_71 = arith.muli %add3A_69, %mul3A_70 : i32
        %add3A_72 = arith.addi %mul3A_6, %mul3A_71 : i32
        %multiple_of3A_73 = tpu.assume_multiple %add3A_72, 8 : i32
        "tpu.region"() ({
          %run_scoped3A = tpu.sem_alloc : memref<!tpu.dma_semaphore, #tpu.memory_space<semaphore_mem>>
          %dma_start3A_77 = tpu.memref_slice %arg3[%multiple_of3A_73] : memref<320000xi32, #tpu.memory_space<hbm>> -> memref<128xi32, #tpu.memory_space<hbm>>
          %dma_start3A_78 = tpu.memref_slice %arg3[%multiple_of3A_73] : memref<320000xi32, #tpu.memory_space<hbm>> -> memref<128xi32, #tpu.memory_space<hbm>>
          tpu.enqueue_dma source(%dma_start3A_78 : memref<128xi32, #tpu.memory_space<hbm>>) target(%arg10 : memref<128xi32, #tpu.memory_space<vmem>>) target_semaphore(%run_scoped3A : memref<!tpu.dma_semaphore, #tpu.memory_space<semaphore_mem>>)
          %dma_wait3A_79 = tpu.memref_slice %arg3[%multiple_of3A_73] : memref<320000xi32, #tpu.memory_space<hbm>> -> memref<128xi32, #tpu.memory_space<hbm>>
          %dma_wait3A_80 = tpu.memref_slice %arg3[%multiple_of3A_73] : memref<320000xi32, #tpu.memory_space<hbm>> -> memref<128xi32, #tpu.memory_space<hbm>>
          tpu.wait_dma2 semaphore(%run_scoped3A : memref<!tpu.dma_semaphore, #tpu.memory_space<semaphore_mem>>) src(%dma_wait3A_80 : memref<128xi32, #tpu.memory_space<hbm>>) dst(%arg10 : memref<128xi32, #tpu.memory_space<vmem>>)
          tpu.yield
        }) : () -> ()
        "tpu.region"() ({
          %run_scoped3A = tpu.sem_alloc : memref<!tpu.dma_semaphore, #tpu.memory_space<semaphore_mem>>
          %dma_start3A_77 = tpu.memref_slice %arg4[%multiple_of3A_73] : memref<320000xi32, #tpu.memory_space<hbm>> -> memref<128xi32, #tpu.memory_space<hbm>>
          %dma_start3A_78 = tpu.memref_slice %arg4[%multiple_of3A_73] : memref<320000xi32, #tpu.memory_space<hbm>> -> memref<128xi32, #tpu.memory_space<hbm>>
          tpu.enqueue_dma source(%dma_start3A_78 : memref<128xi32, #tpu.memory_space<hbm>>) target(%arg11 : memref<128xi32, #tpu.memory_space<vmem>>) target_semaphore(%run_scoped3A : memref<!tpu.dma_semaphore, #tpu.memory_space<semaphore_mem>>)
          %dma_wait3A_79 = tpu.memref_slice %arg4[%multiple_of3A_73] : memref<320000xi32, #tpu.memory_space<hbm>> -> memref<128xi32, #tpu.memory_space<hbm>>
          %dma_wait3A_80 = tpu.memref_slice %arg4[%multiple_of3A_73] : memref<320000xi32, #tpu.memory_space<hbm>> -> memref<128xi32, #tpu.memory_space<hbm>>
          tpu.wait_dma2 semaphore(%run_scoped3A : memref<!tpu.dma_semaphore, #tpu.memory_space<semaphore_mem>>) src(%dma_wait3A_80 : memref<128xi32, #tpu.memory_space<hbm>>) dst(%arg11 : memref<128xi32, #tpu.memory_space<vmem>>)
          tpu.yield
        }) : () -> ()
        %dma_start3A_74 = arith.constant 0 : i32
        %dma_start3A_75 = arith.constant 0 : i32
        %dma_start3A_76 = tpu.memref_slice %arg2[%dma_start3A_74, %dma_start3A_75] : memref<10000x128xf32, #tpu.memory_space<hbm>> -> memref<10000x128xf32, #tpu.memory_space<hbm>>
        tpu.enqueue_indirect_dma source(%dma_start3A_76 : memref<10000x128xf32, #tpu.memory_space<hbm>>) target(%arg12 : memref<128x128xf32, #tpu.memory_space<vmem>>) offsets(%arg10 : memref<128xi32, #tpu.memory_space<vmem>>) semaphore(%arg18 : memref<!tpu.dma_semaphore, #tpu.memory_space<semaphore_mem>>)
      } else {
      }
    }
    %scan3A_21 = arith.constant 39 : i32
    %add3A_22 = arith.constant 9984 : i32
    %add3A_23 = arith.addi %mul3A_6, %add3A_22 : i32
    %multiple_of3A_24 = tpu.assume_multiple %add3A_23, 8 : i32
    "tpu.region"() ({
      %run_scoped3A = tpu.sem_alloc : memref<!tpu.dma_semaphore, #tpu.memory_space<semaphore_mem>>
      %dma_start3A_40 = tpu.memref_slice %arg3[%multiple_of3A_24] : memref<320000xi32, #tpu.memory_space<hbm>> -> memref<16xi32, #tpu.memory_space<hbm>>
      %dma_start3A_41 = tpu.memref_slice %arg3[%multiple_of3A_24] : memref<320000xi32, #tpu.memory_space<hbm>> -> memref<16xi32, #tpu.memory_space<hbm>>
      tpu.enqueue_dma source(%dma_start3A_41 : memref<16xi32, #tpu.memory_space<hbm>>) target(%arg13 : memref<16xi32, #tpu.memory_space<vmem>>) target_semaphore(%run_scoped3A : memref<!tpu.dma_semaphore, #tpu.memory_space<semaphore_mem>>)
      %dma_wait3A_42 = tpu.memref_slice %arg3[%multiple_of3A_24] : memref<320000xi32, #tpu.memory_space<hbm>> -> memref<16xi32, #tpu.memory_space<hbm>>
      %dma_wait3A_43 = tpu.memref_slice %arg3[%multiple_of3A_24] : memref<320000xi32, #tpu.memory_space<hbm>> -> memref<16xi32, #tpu.memory_space<hbm>>
      tpu.wait_dma2 semaphore(%run_scoped3A : memref<!tpu.dma_semaphore, #tpu.memory_space<semaphore_mem>>) src(%dma_wait3A_43 : memref<16xi32, #tpu.memory_space<hbm>>) dst(%arg13 : memref<16xi32, #tpu.memory_space<vmem>>)
      tpu.yield
    }) : () -> ()
    "tpu.region"() ({
      %run_scoped3A = tpu.sem_alloc : memref<!tpu.dma_semaphore, #tpu.memory_space<semaphore_mem>>
      %dma_start3A_40 = tpu.memref_slice %arg4[%multiple_of3A_24] : memref<320000xi32, #tpu.memory_space<hbm>> -> memref<16xi32, #tpu.memory_space<hbm>>
      %dma_start3A_41 = tpu.memref_slice %arg4[%multiple_of3A_24] : memref<320000xi32, #tpu.memory_space<hbm>> -> memref<16xi32, #tpu.memory_space<hbm>>
      tpu.enqueue_dma source(%dma_start3A_41 : memref<16xi32, #tpu.memory_space<hbm>>) target(%arg14 : memref<16xi32, #tpu.memory_space<vmem>>) target_semaphore(%run_scoped3A : memref<!tpu.dma_semaphore, #tpu.memory_space<semaphore_mem>>)
      %dma_wait3A_42 = tpu.memref_slice %arg4[%multiple_of3A_24] : memref<320000xi32, #tpu.memory_space<hbm>> -> memref<16xi32, #tpu.memory_space<hbm>>
      %dma_wait3A_43 = tpu.memref_slice %arg4[%multiple_of3A_24] : memref<320000xi32, #tpu.memory_space<hbm>> -> memref<16xi32, #tpu.memory_space<hbm>>
      tpu.wait_dma2 semaphore(%run_scoped3A : memref<!tpu.dma_semaphore, #tpu.memory_space<semaphore_mem>>) src(%dma_wait3A_43 : memref<16xi32, #tpu.memory_space<hbm>>) dst(%arg14 : memref<16xi32, #tpu.memory_space<vmem>>)
      tpu.yield
    }) : () -> ()
    %dma_start3A_25 = arith.constant 0 : i32
    %dma_start3A_26 = arith.constant 0 : i32
    %dma_start3A_27 = tpu.memref_slice %arg2[%dma_start3A_25, %dma_start3A_26] : memref<10000x128xf32, #tpu.memory_space<hbm>> -> memref<10000x128xf32, #tpu.memory_space<hbm>>
    tpu.enqueue_indirect_dma source(%dma_start3A_27 : memref<10000x128xf32, #tpu.memory_space<hbm>>) target(%arg15 : memref<16x128xf32, #tpu.memory_space<vmem>>) offsets(%arg13 : memref<16xi32, #tpu.memory_space<vmem>>) semaphore(%arg19 : memref<!tpu.dma_semaphore, #tpu.memory_space<semaphore_mem>>)
    %dma_wait3A = arith.constant 0 : i32
    %dma_wait3A_28 = arith.constant 0 : i32
    %dma_wait3A_29 = tpu.memref_slice %arg2[%dma_wait3A, %dma_wait3A_28] : memref<10000x128xf32, #tpu.memory_space<hbm>> -> memref<10000x128xf32, #tpu.memory_space<hbm>>
    tpu.wait_indirect_dma semaphore(%arg19 : memref<!tpu.dma_semaphore, #tpu.memory_space<semaphore_mem>>) src(%dma_wait3A_29 : memref<10000x128xf32, #tpu.memory_space<hbm>>) dst(%arg15 : memref<16x128xf32, #tpu.memory_space<vmem>>)
    "tpu.region"() ({
      %run_scoped3A = tpu.sem_alloc : memref<!tpu.dma_semaphore, #tpu.memory_space<semaphore_mem>>
      %dma_start3A_40 = arith.constant 0 : i32
      %dma_start3A_41 = arith.constant 0 : i32
      %dma_start3A_42 = tpu.memref_slice %arg16[%dma_start3A_40, %dma_start3A_41] : memref<10000x128xf32, #tpu.memory_space<vmem_shared>> -> memref<10000x128xf32, #tpu.memory_space<vmem_shared>>
      tpu.enqueue_indirect_dma source(%arg15 : memref<16x128xf32, #tpu.memory_space<vmem>>) target(%dma_start3A_42 : memref<10000x128xf32, #tpu.memory_space<vmem_shared>>) offsets(%arg14 : memref<16xi32, #tpu.memory_space<vmem>>) semaphore(%run_scoped3A : memref<!tpu.dma_semaphore, #tpu.memory_space<semaphore_mem>>) {add = true}
      %dma_wait3A_43 = arith.constant 0 : i32
      %dma_wait3A_44 = arith.constant 0 : i32
      %dma_wait3A_45 = tpu.memref_slice %arg16[%dma_wait3A_43, %dma_wait3A_44] : memref<10000x128xf32, #tpu.memory_space<vmem_shared>> -> memref<10000x128xf32, #tpu.memory_space<vmem_shared>>
      tpu.wait_indirect_dma semaphore(%run_scoped3A : memref<!tpu.dma_semaphore, #tpu.memory_space<semaphore_mem>>) src(%arg15 : memref<16x128xf32, #tpu.memory_space<vmem>>) dst(%dma_wait3A_45 : memref<10000x128xf32, #tpu.memory_space<vmem_shared>>)
      tpu.yield
    }) : () -> ()
    %barrier3A_30 = arith.constant 0 : index
    tpu.barrier barrier_id(%barrier3A_30)
    %mul3A_31 = arith.constant 624 : i32
    %mul3A_32 = arith.muli %arg1, %mul3A_31 : i32
    %mul3A_33 = arith.constant 624 : i32
    %mul3A_34 = arith.muli %arg1, %mul3A_33 : i32
    "tpu.region"() ({
      %run_scoped3A = tpu.sem_alloc : memref<!tpu.dma_semaphore, #tpu.memory_space<semaphore_mem>>
      %dma_start3A_40 = arith.constant 0 : i32
      %dma_start3A_41 = tpu.memref_slice %arg6[%arg0, %mul3A_34, %dma_start3A_40] : memref<2x10000x128xf32, #tpu.memory_space<hbm>> -> memref<1x624x128xf32, #tpu.memory_space<hbm>>
      %dma_start3A_42 = tpu.memref_squeeze %dma_start3A_41 : memref<1x624x128xf32, #tpu.memory_space<hbm>> -> memref<624x128xf32, #tpu.memory_space<hbm>>
      %dma_start3A_43 = arith.constant 0 : i32
      %dma_start3A_44 = tpu.memref_slice %arg16[%mul3A_32, %dma_start3A_43] : memref<10000x128xf32, #tpu.memory_space<vmem_shared>> -> memref<624x128xf32, #tpu.memory_space<vmem_shared>>
      tpu.enqueue_dma source(%dma_start3A_44 : memref<624x128xf32, #tpu.memory_space<vmem_shared>>) target(%dma_start3A_42 : memref<624x128xf32, #tpu.memory_space<hbm>>) target_semaphore(%run_scoped3A : memref<!tpu.dma_semaphore, #tpu.memory_space<semaphore_mem>>)
      %dma_wait3A_45 = arith.constant 0 : i32
      %dma_wait3A_46 = tpu.memref_slice %arg6[%arg0, %mul3A_34, %dma_wait3A_45] : memref<2x10000x128xf32, #tpu.memory_space<hbm>> -> memref<1x624x128xf32, #tpu.memory_space<hbm>>
      %dma_wait3A_47 = tpu.memref_squeeze %dma_wait3A_46 : memref<1x624x128xf32, #tpu.memory_space<hbm>> -> memref<624x128xf32, #tpu.memory_space<hbm>>
      %dma_wait3A_48 = arith.constant 0 : i32
      %dma_wait3A_49 = tpu.memref_slice %arg16[%mul3A_32, %dma_wait3A_48] : memref<10000x128xf32, #tpu.memory_space<vmem_shared>> -> memref<624x128xf32, #tpu.memory_space<vmem_shared>>
      tpu.wait_dma2 semaphore(%run_scoped3A : memref<!tpu.dma_semaphore, #tpu.memory_space<semaphore_mem>>) src(%dma_wait3A_49 : memref<624x128xf32, #tpu.memory_space<vmem_shared>>) dst(%dma_wait3A_47 : memref<624x128xf32, #tpu.memory_space<hbm>>)
      tpu.yield
    }) : () -> ()
    %eq3A_35 = arith.constant 15 : i32
    %eq3A_36 = arith.cmpi eq, %arg1, %eq3A_35 : i32
    %convert_element_type3A_37 = arith.extui %eq3A_36 : i1 to i32
    %cond3A_38 = arith.constant 0 : i32
    %cond3A_39 = arith.cmpi ne, %convert_element_type3A_37, %cond3A_38 : i32
    scf.if %cond3A_39 {
      "tpu.region"() ({
        %run_scoped3A = tpu.sem_alloc : memref<!tpu.dma_semaphore, #tpu.memory_space<semaphore_mem>>
        %dma_start3A_40 = arith.constant 9984 : i32
        %dma_start3A_41 = arith.constant 0 : i32
        %dma_start3A_42 = tpu.memref_slice %arg6[%arg0, %dma_start3A_40, %dma_start3A_41] : memref<2x10000x128xf32, #tpu.memory_space<hbm>> -> memref<1x16x128xf32, #tpu.memory_space<hbm>>
        %dma_start3A_43 = tpu.memref_squeeze %dma_start3A_42 : memref<1x16x128xf32, #tpu.memory_space<hbm>> -> memref<16x128xf32, #tpu.memory_space<hbm>>
        %dma_start3A_44 = arith.constant 9984 : i32
        %dma_start3A_45 = arith.constant 0 : i32
        %dma_start3A_46 = tpu.memref_slice %arg16[%dma_start3A_44, %dma_start3A_45] : memref<10000x128xf32, #tpu.memory_space<vmem_shared>> -> memref<16x128xf32, #tpu.memory_space<vmem_shared>>
        tpu.enqueue_dma source(%dma_start3A_46 : memref<16x128xf32, #tpu.memory_space<vmem_shared>>) target(%dma_start3A_43 : memref<16x128xf32, #tpu.memory_space<hbm>>) target_semaphore(%run_scoped3A : memref<!tpu.dma_semaphore, #tpu.memory_space<semaphore_mem>>)
        %dma_wait3A_47 = arith.constant 9984 : i32
        %dma_wait3A_48 = arith.constant 0 : i32
        %dma_wait3A_49 = tpu.memref_slice %arg6[%arg0, %dma_wait3A_47, %dma_wait3A_48] : memref<2x10000x128xf32, #tpu.memory_space<hbm>> -> memref<1x16x128xf32, #tpu.memory_space<hbm>>
        %dma_wait3A_50 = tpu.memref_squeeze %dma_wait3A_49 : memref<1x16x128xf32, #tpu.memory_space<hbm>> -> memref<16x128xf32, #tpu.memory_space<hbm>>
        %dma_wait3A_51 = arith.constant 9984 : i32
        %dma_wait3A_52 = arith.constant 0 : i32
        %dma_wait3A_53 = tpu.memref_slice %arg16[%dma_wait3A_51, %dma_wait3A_52] : memref<10000x128xf32, #tpu.memory_space<vmem_shared>> -> memref<16x128xf32, #tpu.memory_space<vmem_shared>>
        tpu.wait_dma2 semaphore(%run_scoped3A : memref<!tpu.dma_semaphore, #tpu.memory_space<semaphore_mem>>) src(%dma_wait3A_53 : memref<16x128xf32, #tpu.memory_space<vmem_shared>>) dst(%dma_wait3A_50 : memref<16x128xf32, #tpu.memory_space<hbm>>)
        tpu.yield
      }) : () -> ()
    } else {
    }
    return
  }
}

module attributes {stable_mosaic.version = 14 : i64} {
  func.func @_conv_body(%arg0: i32, %arg1: memref<1x1000x128xf32, #tpu.memory_space<vmem>>, %arg2: memref<1x1000x128xf32, #tpu.memory_space<vmem>>, %arg3: memref<1000x128xf32, #tpu.memory_space<vmem>>, %arg4: memref<128x128xf32, #tpu.memory_space<vmem>>, %arg5: memref<128x128xf32, #tpu.memory_space<vmem>>, %arg6: memref<8x128xf32, #tpu.memory_space<vmem>>, %arg7: memref<1x1x1000xi32, #tpu.memory_space<vmem>>, %arg8: memref<1x1000x1xi32, #tpu.memory_space<vmem>>, %arg9: memref<10x1xi32, #tpu.memory_space<smem>>, %arg10: memref<10x1xi32, #tpu.memory_space<smem>>, %arg11: memref<1000x128xf32, #tpu.memory_space<vmem>>, %arg12: memref<64x128xf32, #tpu.memory_space<vmem>>, %arg13: memref<64x128xf32, #tpu.memory_space<vmem>>, %arg14: memref<64x128xf32, #tpu.memory_space<vmem>>) attributes {dimension_semantics = [#tpu.dimension_semantics<arbitrary>], iteration_bounds = array<i64: 10>, scalar_prefetch = 0 : i64, scratch_operands = 0 : i64, tpu.core_type = #tpu.core_type<tc>, window_params = [{transform_indices = @transform_0, window_bounds = array<i64: 1, 1000, 128>}, {transform_indices = @transform_1, window_bounds = array<i64: 1, 1000, 128>}, {transform_indices = @transform_2, window_bounds = array<i64: 1000, 128>}, {pipeline_mode = #tpu.pipeline_mode<synchronous>, transform_indices = @transform_3, window_bounds = array<i64: 128, 128>}, {pipeline_mode = #tpu.pipeline_mode<synchronous>, transform_indices = @transform_4, window_bounds = array<i64: 128, 128>}, {pipeline_mode = #tpu.pipeline_mode<synchronous>, transform_indices = @transform_5, window_bounds = array<i64: 8, 128>}, {transform_indices = @transform_6, window_bounds = array<i64: 1, 1, 1000>}, {transform_indices = @transform_7, window_bounds = array<i64: 1, 1000, 1>}, {transform_indices = @transform_8, window_bounds = array<i64: 10, 1>}, {transform_indices = @transform_9, window_bounds = array<i64: 10, 1>}, {transform_indices = @transform_10, window_bounds = array<i64: 1000, 128>}, {pipeline_mode = #tpu.pipeline_mode<synchronous>, transform_indices = @transform_11, window_bounds = array<i64: 64, 128>}, {pipeline_mode = #tpu.pipeline_mode<synchronous>, transform_indices = @transform_12, window_bounds = array<i64: 64, 128>}, {pipeline_mode = #tpu.pipeline_mode<synchronous>, transform_indices = @transform_13, window_bounds = array<i64: 64, 128>}]} {
    %eq3A = arith.constant 0 : i32
    %eq3A_0 = arith.cmpi eq, %arg0, %eq3A : i32
    %convert_element_type3A = arith.extui %eq3A_0 : i1 to i32
    %cond3A = arith.constant 0 : i32
    %cond3A_1 = arith.cmpi ne, %convert_element_type3A, %cond3A : i32
    scf.if %cond3A_1 {
      %broadcast_in_dim3A_82 = arith.constant 0.000000e+00 : f32
      %broadcast_in_dim3A_83 = vector.broadcast %broadcast_in_dim3A_82 : f32 to vector<64x128xf32>
      %swap3A_84 = arith.constant 0 : index
      %swap3A_85 = arith.constant 0 : index
      %swap3A_86 = vector.load %arg12[%swap3A_84, %swap3A_85] : memref<64x128xf32, #tpu.memory_space<vmem>>, vector<64x128xf32>
      tpu.vector_store %arg12[%swap3A_84, %swap3A_85], %broadcast_in_dim3A_83 {strides = array<i32>} : memref<64x128xf32, #tpu.memory_space<vmem>>, vector<64x128xf32>,
      %broadcast_in_dim3A_87 = arith.constant 0.000000e+00 : f32
      %broadcast_in_dim3A_88 = vector.broadcast %broadcast_in_dim3A_87 : f32 to vector<64x128xf32>
      %swap3A_89 = arith.constant 0 : index
      %swap3A_90 = arith.constant 0 : index
      %swap3A_91 = vector.load %arg13[%swap3A_89, %swap3A_90] : memref<64x128xf32, #tpu.memory_space<vmem>>, vector<64x128xf32>
      tpu.vector_store %arg13[%swap3A_89, %swap3A_90], %broadcast_in_dim3A_88 {strides = array<i32>} : memref<64x128xf32, #tpu.memory_space<vmem>>, vector<64x128xf32>,
      %broadcast_in_dim3A_92 = arith.constant 0.000000e+00 : f32
      %broadcast_in_dim3A_93 = vector.broadcast %broadcast_in_dim3A_92 : f32 to vector<64x128xf32>
      %swap3A_94 = arith.constant 0 : index
      %swap3A_95 = arith.constant 0 : index
      %swap3A_96 = vector.load %arg14[%swap3A_94, %swap3A_95] : memref<64x128xf32, #tpu.memory_space<vmem>>, vector<64x128xf32>
      tpu.vector_store %arg14[%swap3A_94, %swap3A_95], %broadcast_in_dim3A_93 {strides = array<i32>} : memref<64x128xf32, #tpu.memory_space<vmem>>, vector<64x128xf32>,
    } else {
    }
    %get3A = arith.constant 0 : index
    %get3A_2 = arith.constant 0 : index
    %get3A_3 = arith.constant 0 : index
    %get3A_4 = vector.load %arg1[%get3A, %get3A_2, %get3A_3] : memref<1x1000x128xf32, #tpu.memory_space<vmem>>, vector<1x1000x128xf32>
    %get3A_5 = vector.shape_cast %get3A_4 : vector<1x1000x128xf32> to vector<1000x128xf32>
    %get3A_6 = arith.constant 0 : index
    %get3A_7 = arith.constant 0 : index
    %get3A_8 = arith.constant 0 : index
    %get3A_9 = vector.load %arg2[%get3A_6, %get3A_7, %get3A_8] : memref<1x1000x128xf32, #tpu.memory_space<vmem>>, vector<1x1000x128xf32>
    %get3A_10 = vector.shape_cast %get3A_9 : vector<1x1000x128xf32> to vector<1000x128xf32>
    %add3A = arith.addf %get3A_5, %get3A_10 : vector<1000x128xf32>
    %get3A_11 = arith.constant 0 : index
    %get3A_12 = arith.constant 0 : index
    %get3A_13 = vector.load %arg4[%get3A_11, %get3A_12] : memref<128x128xf32, #tpu.memory_space<vmem>>, vector<128x128xf32>
    %dot_general3A = arith.constant dense<0.000000e+00> : vector<1000x128xf32>
    %dot_general3A_14 = tpu.matmul %add3A, %get3A_13, %dot_general3A {dimension_numbers = #tpu.dot_dimension_numbers<[1], [0], [0], [1], [0, 0, 1, 1], [], []>, transpose_lhs_hint = false} : vector<1000x128xf32>, vector<128x128xf32>, vector<1000x128xf32> -> vector<1000x128xf32>
    %get3A_15 = arith.constant 0 : index
    %get3A_16 = arith.constant 0 : index
    %get3A_17 = vector.load %arg3[%get3A_15, %get3A_16] : memref<1000x128xf32, #tpu.memory_space<vmem>>, vector<1000x128xf32>
    %get3A_18 = arith.constant 0 : index
    %get3A_19 = arith.constant 0 : index
    %get3A_20 = vector.load %arg5[%get3A_18, %get3A_19] : memref<128x128xf32, #tpu.memory_space<vmem>>, vector<128x128xf32>
    %dot_general3A_21 = arith.constant dense<0.000000e+00> : vector<1000x128xf32>
    %dot_general3A_22 = tpu.matmul %get3A_17, %get3A_20, %dot_general3A_21 {dimension_numbers = #tpu.dot_dimension_numbers<[1], [0], [0], [1], [0, 0, 1, 1], [], []>, transpose_lhs_hint = false} : vector<1000x128xf32>, vector<128x128xf32>, vector<1000x128xf32> -> vector<1000x128xf32>
    %add3A_23 = arith.addf %dot_general3A_14, %dot_general3A_22 : vector<1000x128xf32>
    %get3A_24 = arith.constant 0 : index
    %get3A_25 = arith.constant 0 : index
    %get3A_26 = vector.load %arg6[%get3A_24, %get3A_25] : memref<8x128xf32, #tpu.memory_space<vmem>>, vector<1x128xf32>
    %add3A_27 = vector.broadcast %get3A_26 : vector<1x128xf32> to vector<1000x128xf32>
    %add3A_28 = arith.addf %add3A_23, %add3A_27 : vector<1000x128xf32>
    %max3A = arith.constant 0.000000e+00 : f32
    %max3A_29 = vector.broadcast %max3A : f32 to vector<1000x128xf32>
    %max3A_30 = arith.maximumf %add3A_28, %max3A_29 : vector<1000x128xf32>
    %swap3A = arith.constant 0 : index
    %swap3A_31 = arith.constant 0 : index
    %swap3A_32 = vector.load %arg11[%swap3A, %swap3A_31] : memref<1000x128xf32, #tpu.memory_space<vmem>>, vector<1000x128xf32>
    tpu.vector_store %arg11[%swap3A, %swap3A_31], %max3A_30 {strides = array<i32>} : memref<1000x128xf32, #tpu.memory_space<vmem>>, vector<1000x128xf32>,
    %get3A_33 = arith.constant 0 : index
    %get3A_34 = arith.constant 0 : index
    %get3A_35 = arith.constant 0 : index
    %get3A_36 = vector.load %arg7[%get3A_33, %get3A_34, %get3A_35] : memref<1x1x1000xi32, #tpu.memory_space<vmem>>, vector<1x1x1000xi32>
    %get3A_37 = vector.shape_cast %get3A_36 : vector<1x1x1000xi32> to vector<1x1000xi32>
    %iota3A = tpu.iota {dimensions = array<i32: 0>} : vector<64x1000xi32>
    %eq3A_38 = vector.broadcast %get3A_37 : vector<1x1000xi32> to vector<64x1000xi32>
    %eq3A_39 = arith.cmpi eq, %iota3A, %eq3A_38 : vector<64x1000xi32>
    %convert_element_type3A_40 = arith.extui %eq3A_39 : vector<64x1000xi1> to vector<64x1000xi32>
    %convert_element_type3A_41 = arith.sitofp %convert_element_type3A_40 : vector<64x1000xi32> to vector<64x1000xf32>
    %get3A_42 = arith.constant 0 : index
    %get3A_43 = arith.constant 0 : index
    %get3A_44 = vector.load %arg13[%get3A_42, %get3A_43] : memref<64x128xf32, #tpu.memory_space<vmem>>, vector<64x128xf32>
    %dot_general3A_45 = arith.constant dense<0.000000e+00> : vector<64x128xf32>
    %dot_general3A_46 = tpu.matmul %convert_element_type3A_41, %max3A_30, %dot_general3A_45 {dimension_numbers = #tpu.dot_dimension_numbers<[1], [0], [0], [1], [0, 0, 1, 1], [], []>, transpose_lhs_hint = false} : vector<64x1000xf32>, vector<1000x128xf32>, vector<64x128xf32> -> vector<64x128xf32>
    %add3A_47 = arith.addf %get3A_44, %dot_general3A_46 : vector<64x128xf32>
    %swap3A_48 = arith.constant 0 : index
    %swap3A_49 = arith.constant 0 : index
    %swap3A_50 = vector.load %arg13[%swap3A_48, %swap3A_49] : memref<64x128xf32, #tpu.memory_space<vmem>>, vector<64x128xf32>
    tpu.vector_store %arg13[%swap3A_48, %swap3A_49], %add3A_47 {strides = array<i32>} : memref<64x128xf32, #tpu.memory_space<vmem>>, vector<64x128xf32>,
    %get3A_51 = arith.constant 0 : index
    %get3A_52 = arith.constant 0 : index
    %get3A_53 = vector.load %arg14[%get3A_51, %get3A_52] : memref<64x128xf32, #tpu.memory_space<vmem>>, vector<64x128xf32>
    %broadcast_in_dim3A = arith.constant 1.000000e+00 : f32
    %broadcast_in_dim3A_54 = vector.broadcast %broadcast_in_dim3A : f32 to vector<1000x128xf32>
    %dot_general3A_55 = arith.constant dense<0.000000e+00> : vector<64x128xf32>
    %dot_general3A_56 = tpu.matmul %convert_element_type3A_41, %broadcast_in_dim3A_54, %dot_general3A_55 {dimension_numbers = #tpu.dot_dimension_numbers<[1], [0], [0], [1], [0, 0, 1, 1], [], []>, transpose_lhs_hint = false} : vector<64x1000xf32>, vector<1000x128xf32>, vector<64x128xf32> -> vector<64x128xf32>
    %add3A_57 = arith.addf %get3A_53, %dot_general3A_56 : vector<64x128xf32>
    %swap3A_58 = arith.constant 0 : index
    %swap3A_59 = arith.constant 0 : index
    %swap3A_60 = vector.load %arg14[%swap3A_58, %swap3A_59] : memref<64x128xf32, #tpu.memory_space<vmem>>, vector<64x128xf32>
    tpu.vector_store %arg14[%swap3A_58, %swap3A_59], %add3A_57 {strides = array<i32>} : memref<64x128xf32, #tpu.memory_space<vmem>>, vector<64x128xf32>,
    %get3A_61 = arith.constant 0 : index
    %get3A_62 = arith.constant 0 : index
    %get3A_63 = arith.constant 0 : index
    %get3A_64 = vector.load %arg8[%get3A_61, %get3A_62, %get3A_63] : memref<1x1000x1xi32, #tpu.memory_space<vmem>>, vector<1x1000x1xi32>
    %get3A_65 = vector.shape_cast %get3A_64 : vector<1x1000x1xi32> to vector<1000x1xi32>
    %get3A_66 = arith.index_cast %arg0 : i32 to index
    %get3A_67 = arith.constant 0 : index
    %get3A_68 = memref.load %arg9[%get3A_66, %get3A_67] : memref<10x1xi32, #tpu.memory_space<smem>>
    %get3A_69 = arith.index_cast %arg0 : i32 to index
    %get3A_70 = arith.constant 0 : index
    %get3A_71 = memref.load %arg10[%get3A_69, %get3A_70] : memref<10x1xi32, #tpu.memory_space<smem>>
    %add3A_72 = arith.constant 1 : i32
    %add3A_73 = arith.addi %get3A_71, %add3A_72 : i32
    %while3A = arith.constant 0 : i32
    %while3A_74 = arith.subi %add3A_73, %get3A_68 : i32
    %while3A_75 = arith.addi %get3A_68, %while3A_74 : i32
    %while3A_76 = arith.constant 1 : i32
    %while3A_77 = arith.divsi %while3A_74, %while3A_76 : i32
    %while3A_78 = arith.muli %while3A_77, %while3A_76 : i32
    %while3A_79 = arith.addi %get3A_68, %while3A_78 : i32
    %while3A_80 = arith.constant 1 : i32
    scf.for %while3A_82 = %get3A_68 to %while3A_79 step %while3A_80  : i32 {
      %eq3A_83 = vector.broadcast %while3A_82 : i32 to vector<1000x1xi32>
      %eq3A_84 = arith.cmpi eq, %get3A_65, %eq3A_83 : vector<1000x1xi32>
      %jit3A = arith.constant 0.000000e+00 : f32
      %broadcast_in_dim3A_85 = vector.shape_cast %eq3A_84 : vector<1000x1xi1> to vector<1000x1xi1>
      %broadcast_in_dim3A_86 = vector.broadcast %broadcast_in_dim3A_85 : vector<1000x1xi1> to vector<1000x128xi1>
      %broadcast_in_dim3A_87 = vector.broadcast %jit3A : f32 to vector<1000x128xf32>
      %select_n3A = arith.select %broadcast_in_dim3A_86, %max3A_30, %broadcast_in_dim3A_87 : vector<1000x128xi1>, vector<1000x128xf32>
      %reduce_max3A = arith.constant dense<0xFF800000> : vector<128xf32>
      %reduce_max3A_88 = vector.multi_reduction <maximumf>, %select_n3A, %reduce_max3A [0] : vector<1000x128xf32> to vector<128xf32>
      %broadcast_in_dim3A_89 = vector.shape_cast %reduce_max3A_88 : vector<128xf32> to vector<1x128xf32>
      %get3A_90 = arith.index_cast %while3A_82 : i32 to index
      %get3A_91 = arith.constant 0 : index
      %get3A_92 = vector.load %arg12[%get3A_90, %get3A_91] : memref<64x128xf32, #tpu.memory_space<vmem>>, vector<1x128xf32>
      %max3A_93 = arith.maximumf %get3A_92, %broadcast_in_dim3A_89 : vector<1x128xf32>
      %swap3A_94 = arith.index_cast %while3A_82 : i32 to index
      %swap3A_95 = arith.constant 0 : index
      %swap3A_96 = vector.load %arg12[%swap3A_94, %swap3A_95] : memref<64x128xf32, #tpu.memory_space<vmem>>, vector<1x128xf32>
      tpu.vector_store %arg12[%swap3A_94, %swap3A_95], %max3A_93 {strides = array<i32>} : memref<64x128xf32, #tpu.memory_space<vmem>>, vector<1x128xf32>,
    }
    %while3A_81 = arith.constant 1 : i32
    scf.for %while3A_82 = %while3A_79 to %while3A_75 step %while3A_81  : i32 {
      %eq3A_83 = vector.broadcast %while3A_82 : i32 to vector<1000x1xi32>
      %eq3A_84 = arith.cmpi eq, %get3A_65, %eq3A_83 : vector<1000x1xi32>
      %jit3A = arith.constant 0.000000e+00 : f32
      %broadcast_in_dim3A_85 = vector.shape_cast %eq3A_84 : vector<1000x1xi1> to vector<1000x1xi1>
      %broadcast_in_dim3A_86 = vector.broadcast %broadcast_in_dim3A_85 : vector<1000x1xi1> to vector<1000x128xi1>
      %broadcast_in_dim3A_87 = vector.broadcast %jit3A : f32 to vector<1000x128xf32>
      %select_n3A = arith.select %broadcast_in_dim3A_86, %max3A_30, %broadcast_in_dim3A_87 : vector<1000x128xi1>, vector<1000x128xf32>
      %reduce_max3A = arith.constant dense<0xFF800000> : vector<128xf32>
      %reduce_max3A_88 = vector.multi_reduction <maximumf>, %select_n3A, %reduce_max3A [0] : vector<1000x128xf32> to vector<128xf32>
      %broadcast_in_dim3A_89 = vector.shape_cast %reduce_max3A_88 : vector<128xf32> to vector<1x128xf32>
      %get3A_90 = arith.index_cast %while3A_82 : i32 to index
      %get3A_91 = arith.constant 0 : index
      %get3A_92 = vector.load %arg12[%get3A_90, %get3A_91] : memref<64x128xf32, #tpu.memory_space<vmem>>, vector<1x128xf32>
      %max3A_93 = arith.maximumf %get3A_92, %broadcast_in_dim3A_89 : vector<1x128xf32>
      %swap3A_94 = arith.index_cast %while3A_82 : i32 to index
      %swap3A_95 = arith.constant 0 : index
      %swap3A_96 = vector.load %arg12[%swap3A_94, %swap3A_95] : memref<64x128xf32, #tpu.memory_space<vmem>>, vector<1x128xf32>
      tpu.vector_store %arg12[%swap3A_94, %swap3A_95], %max3A_93 {strides = array<i32>} : memref<64x128xf32, #tpu.memory_space<vmem>>, vector<1x128xf32>,
    }
    return
  }
  func.func @transform_0(%arg0: i32) -> (i32, i32, i32) {
    %c0_i32 = arith.constant 0 : i32
    %c0_i32_0 = arith.constant 0 : i32
    %c0_i32_1 = arith.constant 0 : i32
    return %c0_i32, %arg0, %c0_i32_0 : i32, i32, i32
  }
  func.func @transform_1(%arg0: i32) -> (i32, i32, i32) {
    %c1_i32 = arith.constant 1 : i32
    %c0_i32 = arith.constant 0 : i32
    %c0_i32_0 = arith.constant 0 : i32
    return %c1_i32, %arg0, %c0_i32 : i32, i32, i32
  }
  func.func @transform_2(%arg0: i32) -> (i32, i32) {
    %c0_i32 = arith.constant 0 : i32
    %c0_i32_0 = arith.constant 0 : i32
    return %arg0, %c0_i32 : i32, i32
  }
  func.func @transform_3(%arg0: i32) -> (i32, i32) {
    %c0_i32 = arith.constant 0 : i32
    %c0_i32_0 = arith.constant 0 : i32
    %c0_i32_1 = arith.constant 0 : i32
    return %c0_i32, %c0_i32_0 : i32, i32
  }
  func.func @transform_4(%arg0: i32) -> (i32, i32) {
    %c0_i32 = arith.constant 0 : i32
    %c0_i32_0 = arith.constant 0 : i32
    %c0_i32_1 = arith.constant 0 : i32
    return %c0_i32, %c0_i32_0 : i32, i32
  }
  func.func @transform_5(%arg0: i32) -> (i32, i32) {
    %c0_i32 = arith.constant 0 : i32
    %c0_i32_0 = arith.constant 0 : i32
    %c0_i32_1 = arith.constant 0 : i32
    return %c0_i32, %c0_i32_0 : i32, i32
  }
  func.func @transform_6(%arg0: i32) -> (i32, i32, i32) {
    %c0_i32 = arith.constant 0 : i32
    %c0_i32_0 = arith.constant 0 : i32
    %c0_i32_1 = arith.constant 0 : i32
    return %arg0, %c0_i32, %c0_i32_0 : i32, i32, i32
  }
  func.func @transform_7(%arg0: i32) -> (i32, i32, i32) {
    %c0_i32 = arith.constant 0 : i32
    %c0_i32_0 = arith.constant 0 : i32
    %c0_i32_1 = arith.constant 0 : i32
    return %arg0, %c0_i32, %c0_i32_0 : i32, i32, i32
  }
  func.func @transform_8(%arg0: i32) -> (i32, i32) {
    %c0_i32 = arith.constant 0 : i32
    %c0_i32_0 = arith.constant 0 : i32
    %c0_i32_1 = arith.constant 0 : i32
    return %c0_i32, %c0_i32_0 : i32, i32
  }
  func.func @transform_9(%arg0: i32) -> (i32, i32) {
    %c0_i32 = arith.constant 0 : i32
    %c0_i32_0 = arith.constant 0 : i32
    %c0_i32_1 = arith.constant 0 : i32
    return %c0_i32, %c0_i32_0 : i32, i32
  }
  func.func @transform_10(%arg0: i32) -> (i32, i32) {
    %c0_i32 = arith.constant 0 : i32
    %c0_i32_0 = arith.constant 0 : i32
    return %arg0, %c0_i32 : i32, i32
  }
  func.func @transform_11(%arg0: i32) -> (i32, i32) {
    %c0_i32 = arith.constant 0 : i32
    %c0_i32_0 = arith.constant 0 : i32
    %c0_i32_1 = arith.constant 0 : i32
    return %c0_i32, %c0_i32_0 : i32, i32
  }
  func.func @transform_12(%arg0: i32) -> (i32, i32) {
    %c0_i32 = arith.constant 0 : i32
    %c0_i32_0 = arith.constant 0 : i32
    %c0_i32_1 = arith.constant 0 : i32
    return %c0_i32, %c0_i32_0 : i32, i32
  }
  func.func @transform_13(%arg0: i32) -> (i32, i32) {
    %c0_i32 = arith.constant 0 : i32
    %c0_i32_0 = arith.constant 0 : i32
    %c0_i32_1 = arith.constant 0 : i32
    return %c0_i32, %c0_i32_0 : i32, i32
  }
}

module attributes {stable_mosaic.version = 14 : i64} {
  func.func @_conv_body(%arg0: i32, %arg1: memref<1x1000x128xf32, #tpu.memory_space<vmem>>, %arg2: memref<1x1000x128xf32, #tpu.memory_space<vmem>>, %arg3: memref<1000x128xf32, #tpu.memory_space<vmem>>, %arg4: memref<128x128xf32, #tpu.memory_space<vmem>>, %arg5: memref<128x128xf32, #tpu.memory_space<vmem>>, %arg6: memref<8x128xf32, #tpu.memory_space<vmem>>, %arg7: memref<1x1x1000xi32, #tpu.memory_space<vmem>>, %arg8: memref<1x1000x1xi32, #tpu.memory_space<vmem>>, %arg9: memref<10x1xi32, #tpu.memory_space<smem>>, %arg10: memref<10x1xi32, #tpu.memory_space<smem>>, %arg11: memref<1000x128xf32, #tpu.memory_space<vmem>>, %arg12: memref<64x128xf32, #tpu.memory_space<vmem>>, %arg13: memref<64x128xf32, #tpu.memory_space<vmem>>, %arg14: memref<64x128xf32, #tpu.memory_space<vmem>>) attributes {dimension_semantics = [#tpu.dimension_semantics<arbitrary>], iteration_bounds = array<i64: 10>, scalar_prefetch = 0 : i64, scratch_operands = 0 : i64, tpu.core_type = #tpu.core_type<tc>, window_params = [{transform_indices = @transform_0, window_bounds = array<i64: 1, 1000, 128>}, {transform_indices = @transform_1, window_bounds = array<i64: 1, 1000, 128>}, {transform_indices = @transform_2, window_bounds = array<i64: 1000, 128>}, {pipeline_mode = #tpu.pipeline_mode<synchronous>, transform_indices = @transform_3, window_bounds = array<i64: 128, 128>}, {pipeline_mode = #tpu.pipeline_mode<synchronous>, transform_indices = @transform_4, window_bounds = array<i64: 128, 128>}, {pipeline_mode = #tpu.pipeline_mode<synchronous>, transform_indices = @transform_5, window_bounds = array<i64: 8, 128>}, {transform_indices = @transform_6, window_bounds = array<i64: 1, 1, 1000>}, {transform_indices = @transform_7, window_bounds = array<i64: 1, 1000, 1>}, {transform_indices = @transform_8, window_bounds = array<i64: 10, 1>}, {transform_indices = @transform_9, window_bounds = array<i64: 10, 1>}, {transform_indices = @transform_10, window_bounds = array<i64: 1000, 128>}, {pipeline_mode = #tpu.pipeline_mode<synchronous>, transform_indices = @transform_11, window_bounds = array<i64: 64, 128>}, {pipeline_mode = #tpu.pipeline_mode<synchronous>, transform_indices = @transform_12, window_bounds = array<i64: 64, 128>}, {pipeline_mode = #tpu.pipeline_mode<synchronous>, transform_indices = @transform_13, window_bounds = array<i64: 64, 128>}]} {
    %eq3A = arith.constant 0 : i32
    %eq3A_0 = arith.cmpi eq, %arg0, %eq3A : i32
    %convert_element_type3A = arith.extui %eq3A_0 : i1 to i32
    %cond3A = arith.constant 0 : i32
    %cond3A_1 = arith.cmpi ne, %convert_element_type3A, %cond3A : i32
    scf.if %cond3A_1 {
      %broadcast_in_dim3A_82 = arith.constant 0.000000e+00 : f32
      %broadcast_in_dim3A_83 = vector.broadcast %broadcast_in_dim3A_82 : f32 to vector<64x128xf32>
      %swap3A_84 = arith.constant 0 : index
      %swap3A_85 = arith.constant 0 : index
      %swap3A_86 = vector.load %arg12[%swap3A_84, %swap3A_85] : memref<64x128xf32, #tpu.memory_space<vmem>>, vector<64x128xf32>
      tpu.vector_store %arg12[%swap3A_84, %swap3A_85], %broadcast_in_dim3A_83 {strides = array<i32>} : memref<64x128xf32, #tpu.memory_space<vmem>>, vector<64x128xf32>,
      %broadcast_in_dim3A_87 = arith.constant 0.000000e+00 : f32
      %broadcast_in_dim3A_88 = vector.broadcast %broadcast_in_dim3A_87 : f32 to vector<64x128xf32>
      %swap3A_89 = arith.constant 0 : index
      %swap3A_90 = arith.constant 0 : index
      %swap3A_91 = vector.load %arg13[%swap3A_89, %swap3A_90] : memref<64x128xf32, #tpu.memory_space<vmem>>, vector<64x128xf32>
      tpu.vector_store %arg13[%swap3A_89, %swap3A_90], %broadcast_in_dim3A_88 {strides = array<i32>} : memref<64x128xf32, #tpu.memory_space<vmem>>, vector<64x128xf32>,
      %broadcast_in_dim3A_92 = arith.constant 0.000000e+00 : f32
      %broadcast_in_dim3A_93 = vector.broadcast %broadcast_in_dim3A_92 : f32 to vector<64x128xf32>
      %swap3A_94 = arith.constant 0 : index
      %swap3A_95 = arith.constant 0 : index
      %swap3A_96 = vector.load %arg14[%swap3A_94, %swap3A_95] : memref<64x128xf32, #tpu.memory_space<vmem>>, vector<64x128xf32>
      tpu.vector_store %arg14[%swap3A_94, %swap3A_95], %broadcast_in_dim3A_93 {strides = array<i32>} : memref<64x128xf32, #tpu.memory_space<vmem>>, vector<64x128xf32>,
    } else {
    }
    %get3A = arith.constant 0 : index
    %get3A_2 = arith.constant 0 : index
    %get3A_3 = arith.constant 0 : index
    %get3A_4 = vector.load %arg1[%get3A, %get3A_2, %get3A_3] : memref<1x1000x128xf32, #tpu.memory_space<vmem>>, vector<1x1000x128xf32>
    %get3A_5 = vector.shape_cast %get3A_4 : vector<1x1000x128xf32> to vector<1000x128xf32>
    %get3A_6 = arith.constant 0 : index
    %get3A_7 = arith.constant 0 : index
    %get3A_8 = arith.constant 0 : index
    %get3A_9 = vector.load %arg2[%get3A_6, %get3A_7, %get3A_8] : memref<1x1000x128xf32, #tpu.memory_space<vmem>>, vector<1x1000x128xf32>
    %get3A_10 = vector.shape_cast %get3A_9 : vector<1x1000x128xf32> to vector<1000x128xf32>
    %add3A = arith.addf %get3A_5, %get3A_10 : vector<1000x128xf32>
    %get3A_11 = arith.constant 0 : index
    %get3A_12 = arith.constant 0 : index
    %get3A_13 = vector.load %arg4[%get3A_11, %get3A_12] : memref<128x128xf32, #tpu.memory_space<vmem>>, vector<128x128xf32>
    %dot_general3A = arith.constant dense<0.000000e+00> : vector<1000x128xf32>
    %dot_general3A_14 = tpu.matmul %add3A, %get3A_13, %dot_general3A {dimension_numbers = #tpu.dot_dimension_numbers<[1], [0], [0], [1], [0, 0, 1, 1], [], []>, transpose_lhs_hint = false} : vector<1000x128xf32>, vector<128x128xf32>, vector<1000x128xf32> -> vector<1000x128xf32>
    %get3A_15 = arith.constant 0 : index
    %get3A_16 = arith.constant 0 : index
    %get3A_17 = vector.load %arg3[%get3A_15, %get3A_16] : memref<1000x128xf32, #tpu.memory_space<vmem>>, vector<1000x128xf32>
    %get3A_18 = arith.constant 0 : index
    %get3A_19 = arith.constant 0 : index
    %get3A_20 = vector.load %arg5[%get3A_18, %get3A_19] : memref<128x128xf32, #tpu.memory_space<vmem>>, vector<128x128xf32>
    %dot_general3A_21 = arith.constant dense<0.000000e+00> : vector<1000x128xf32>
    %dot_general3A_22 = tpu.matmul %get3A_17, %get3A_20, %dot_general3A_21 {dimension_numbers = #tpu.dot_dimension_numbers<[1], [0], [0], [1], [0, 0, 1, 1], [], []>, transpose_lhs_hint = false} : vector<1000x128xf32>, vector<128x128xf32>, vector<1000x128xf32> -> vector<1000x128xf32>
    %add3A_23 = arith.addf %dot_general3A_14, %dot_general3A_22 : vector<1000x128xf32>
    %get3A_24 = arith.constant 0 : index
    %get3A_25 = arith.constant 0 : index
    %get3A_26 = vector.load %arg6[%get3A_24, %get3A_25] : memref<8x128xf32, #tpu.memory_space<vmem>>, vector<1x128xf32>
    %add3A_27 = vector.broadcast %get3A_26 : vector<1x128xf32> to vector<1000x128xf32>
    %add3A_28 = arith.addf %add3A_23, %add3A_27 : vector<1000x128xf32>
    %max3A = arith.constant 0.000000e+00 : f32
    %max3A_29 = vector.broadcast %max3A : f32 to vector<1000x128xf32>
    %max3A_30 = arith.maximumf %add3A_28, %max3A_29 : vector<1000x128xf32>
    %swap3A = arith.constant 0 : index
    %swap3A_31 = arith.constant 0 : index
    %swap3A_32 = vector.load %arg11[%swap3A, %swap3A_31] : memref<1000x128xf32, #tpu.memory_space<vmem>>, vector<1000x128xf32>
    tpu.vector_store %arg11[%swap3A, %swap3A_31], %max3A_30 {strides = array<i32>} : memref<1000x128xf32, #tpu.memory_space<vmem>>, vector<1000x128xf32>,
    %get3A_33 = arith.constant 0 : index
    %get3A_34 = arith.constant 0 : index
    %get3A_35 = arith.constant 0 : index
    %get3A_36 = vector.load %arg7[%get3A_33, %get3A_34, %get3A_35] : memref<1x1x1000xi32, #tpu.memory_space<vmem>>, vector<1x1x1000xi32>
    %get3A_37 = vector.shape_cast %get3A_36 : vector<1x1x1000xi32> to vector<1x1000xi32>
    %iota3A = tpu.iota {dimensions = array<i32: 0>} : vector<64x1000xi32>
    %eq3A_38 = vector.broadcast %get3A_37 : vector<1x1000xi32> to vector<64x1000xi32>
    %eq3A_39 = arith.cmpi eq, %iota3A, %eq3A_38 : vector<64x1000xi32>
    %convert_element_type3A_40 = arith.extui %eq3A_39 : vector<64x1000xi1> to vector<64x1000xi32>
    %convert_element_type3A_41 = arith.sitofp %convert_element_type3A_40 : vector<64x1000xi32> to vector<64x1000xf32>
    %get3A_42 = arith.constant 0 : index
    %get3A_43 = arith.constant 0 : index
    %get3A_44 = vector.load %arg13[%get3A_42, %get3A_43] : memref<64x128xf32, #tpu.memory_space<vmem>>, vector<64x128xf32>
    %dot_general3A_45 = arith.constant dense<0.000000e+00> : vector<64x128xf32>
    %dot_general3A_46 = tpu.matmul %convert_element_type3A_41, %max3A_30, %dot_general3A_45 {dimension_numbers = #tpu.dot_dimension_numbers<[1], [0], [0], [1], [0, 0, 1, 1], [], []>, transpose_lhs_hint = false} : vector<64x1000xf32>, vector<1000x128xf32>, vector<64x128xf32> -> vector<64x128xf32>
    %add3A_47 = arith.addf %get3A_44, %dot_general3A_46 : vector<64x128xf32>
    %swap3A_48 = arith.constant 0 : index
    %swap3A_49 = arith.constant 0 : index
    %swap3A_50 = vector.load %arg13[%swap3A_48, %swap3A_49] : memref<64x128xf32, #tpu.memory_space<vmem>>, vector<64x128xf32>
    tpu.vector_store %arg13[%swap3A_48, %swap3A_49], %add3A_47 {strides = array<i32>} : memref<64x128xf32, #tpu.memory_space<vmem>>, vector<64x128xf32>,
    %get3A_51 = arith.constant 0 : index
    %get3A_52 = arith.constant 0 : index
    %get3A_53 = vector.load %arg14[%get3A_51, %get3A_52] : memref<64x128xf32, #tpu.memory_space<vmem>>, vector<64x128xf32>
    %broadcast_in_dim3A = arith.constant 1.000000e+00 : f32
    %broadcast_in_dim3A_54 = vector.broadcast %broadcast_in_dim3A : f32 to vector<1000x128xf32>
    %dot_general3A_55 = arith.constant dense<0.000000e+00> : vector<64x128xf32>
    %dot_general3A_56 = tpu.matmul %convert_element_type3A_41, %broadcast_in_dim3A_54, %dot_general3A_55 {dimension_numbers = #tpu.dot_dimension_numbers<[1], [0], [0], [1], [0, 0, 1, 1], [], []>, transpose_lhs_hint = false} : vector<64x1000xf32>, vector<1000x128xf32>, vector<64x128xf32> -> vector<64x128xf32>
    %add3A_57 = arith.addf %get3A_53, %dot_general3A_56 : vector<64x128xf32>
    %swap3A_58 = arith.constant 0 : index
    %swap3A_59 = arith.constant 0 : index
    %swap3A_60 = vector.load %arg14[%swap3A_58, %swap3A_59] : memref<64x128xf32, #tpu.memory_space<vmem>>, vector<64x128xf32>
    tpu.vector_store %arg14[%swap3A_58, %swap3A_59], %add3A_57 {strides = array<i32>} : memref<64x128xf32, #tpu.memory_space<vmem>>, vector<64x128xf32>,
    %get3A_61 = arith.constant 0 : index
    %get3A_62 = arith.constant 0 : index
    %get3A_63 = arith.constant 0 : index
    %get3A_64 = vector.load %arg8[%get3A_61, %get3A_62, %get3A_63] : memref<1x1000x1xi32, #tpu.memory_space<vmem>>, vector<1x1000x1xi32>
    %get3A_65 = vector.shape_cast %get3A_64 : vector<1x1000x1xi32> to vector<1000x1xi32>
    %get3A_66 = arith.index_cast %arg0 : i32 to index
    %get3A_67 = arith.constant 0 : index
    %get3A_68 = memref.load %arg9[%get3A_66, %get3A_67] : memref<10x1xi32, #tpu.memory_space<smem>>
    %get3A_69 = arith.index_cast %arg0 : i32 to index
    %get3A_70 = arith.constant 0 : index
    %get3A_71 = memref.load %arg10[%get3A_69, %get3A_70] : memref<10x1xi32, #tpu.memory_space<smem>>
    %add3A_72 = arith.constant 1 : i32
    %add3A_73 = arith.addi %get3A_71, %add3A_72 : i32
    %while3A = arith.constant 0 : i32
    %while3A_74 = arith.subi %add3A_73, %get3A_68 : i32
    %while3A_75 = arith.addi %get3A_68, %while3A_74 : i32
    %while3A_76 = arith.constant 1 : i32
    %while3A_77 = arith.divsi %while3A_74, %while3A_76 : i32
    %while3A_78 = arith.muli %while3A_77, %while3A_76 : i32
    %while3A_79 = arith.addi %get3A_68, %while3A_78 : i32
    %while3A_80 = arith.constant 1 : i32
    scf.for %while3A_82 = %get3A_68 to %while3A_79 step %while3A_80  : i32 {
      %eq3A_83 = vector.broadcast %while3A_82 : i32 to vector<1000x1xi32>
      %eq3A_84 = arith.cmpi eq, %get3A_65, %eq3A_83 : vector<1000x1xi32>
      %jit3A = arith.constant 0.000000e+00 : f32
      %broadcast_in_dim3A_85 = vector.shape_cast %eq3A_84 : vector<1000x1xi1> to vector<1000x1xi1>
      %broadcast_in_dim3A_86 = vector.broadcast %broadcast_in_dim3A_85 : vector<1000x1xi1> to vector<1000x128xi1>
      %broadcast_in_dim3A_87 = vector.broadcast %jit3A : f32 to vector<1000x128xf32>
      %select_n3A = arith.select %broadcast_in_dim3A_86, %max3A_30, %broadcast_in_dim3A_87 : vector<1000x128xi1>, vector<1000x128xf32>
      %reduce_max3A = arith.constant dense<0xFF800000> : vector<128xf32>
      %reduce_max3A_88 = vector.multi_reduction <maximumf>, %select_n3A, %reduce_max3A [0] : vector<1000x128xf32> to vector<128xf32>
      %broadcast_in_dim3A_89 = vector.shape_cast %reduce_max3A_88 : vector<128xf32> to vector<1x128xf32>
      %get3A_90 = arith.index_cast %while3A_82 : i32 to index
      %get3A_91 = arith.constant 0 : index
      %get3A_92 = vector.load %arg12[%get3A_90, %get3A_91] : memref<64x128xf32, #tpu.memory_space<vmem>>, vector<1x128xf32>
      %max3A_93 = arith.maximumf %get3A_92, %broadcast_in_dim3A_89 : vector<1x128xf32>
      %swap3A_94 = arith.index_cast %while3A_82 : i32 to index
      %swap3A_95 = arith.constant 0 : index
      %swap3A_96 = vector.load %arg12[%swap3A_94, %swap3A_95] : memref<64x128xf32, #tpu.memory_space<vmem>>, vector<1x128xf32>
      tpu.vector_store %arg12[%swap3A_94, %swap3A_95], %max3A_93 {strides = array<i32>} : memref<64x128xf32, #tpu.memory_space<vmem>>, vector<1x128xf32>,
    }
    %while3A_81 = arith.constant 1 : i32
    scf.for %while3A_82 = %while3A_79 to %while3A_75 step %while3A_81  : i32 {
      %eq3A_83 = vector.broadcast %while3A_82 : i32 to vector<1000x1xi32>
      %eq3A_84 = arith.cmpi eq, %get3A_65, %eq3A_83 : vector<1000x1xi32>
      %jit3A = arith.constant 0.000000e+00 : f32
      %broadcast_in_dim3A_85 = vector.shape_cast %eq3A_84 : vector<1000x1xi1> to vector<1000x1xi1>
      %broadcast_in_dim3A_86 = vector.broadcast %broadcast_in_dim3A_85 : vector<1000x1xi1> to vector<1000x128xi1>
      %broadcast_in_dim3A_87 = vector.broadcast %jit3A : f32 to vector<1000x128xf32>
      %select_n3A = arith.select %broadcast_in_dim3A_86, %max3A_30, %broadcast_in_dim3A_87 : vector<1000x128xi1>, vector<1000x128xf32>
      %reduce_max3A = arith.constant dense<0xFF800000> : vector<128xf32>
      %reduce_max3A_88 = vector.multi_reduction <maximumf>, %select_n3A, %reduce_max3A [0] : vector<1000x128xf32> to vector<128xf32>
      %broadcast_in_dim3A_89 = vector.shape_cast %reduce_max3A_88 : vector<128xf32> to vector<1x128xf32>
      %get3A_90 = arith.index_cast %while3A_82 : i32 to index
      %get3A_91 = arith.constant 0 : index
      %get3A_92 = vector.load %arg12[%get3A_90, %get3A_91] : memref<64x128xf32, #tpu.memory_space<vmem>>, vector<1x128xf32>
      %max3A_93 = arith.maximumf %get3A_92, %broadcast_in_dim3A_89 : vector<1x128xf32>
      %swap3A_94 = arith.index_cast %while3A_82 : i32 to index
      %swap3A_95 = arith.constant 0 : index
      %swap3A_96 = vector.load %arg12[%swap3A_94, %swap3A_95] : memref<64x128xf32, #tpu.memory_space<vmem>>, vector<1x128xf32>
      tpu.vector_store %arg12[%swap3A_94, %swap3A_95], %max3A_93 {strides = array<i32>} : memref<64x128xf32, #tpu.memory_space<vmem>>, vector<1x128xf32>,
    }
    return
  }
  func.func @transform_0(%arg0: i32) -> (i32, i32, i32) {
    %c0_i32 = arith.constant 0 : i32
    %c0_i32_0 = arith.constant 0 : i32
    %c0_i32_1 = arith.constant 0 : i32
    return %c0_i32, %arg0, %c0_i32_0 : i32, i32, i32
  }
  func.func @transform_1(%arg0: i32) -> (i32, i32, i32) {
    %c1_i32 = arith.constant 1 : i32
    %c0_i32 = arith.constant 0 : i32
    %c0_i32_0 = arith.constant 0 : i32
    return %c1_i32, %arg0, %c0_i32 : i32, i32, i32
  }
  func.func @transform_2(%arg0: i32) -> (i32, i32) {
    %c0_i32 = arith.constant 0 : i32
    %c0_i32_0 = arith.constant 0 : i32
    return %arg0, %c0_i32 : i32, i32
  }
  func.func @transform_3(%arg0: i32) -> (i32, i32) {
    %c0_i32 = arith.constant 0 : i32
    %c0_i32_0 = arith.constant 0 : i32
    %c0_i32_1 = arith.constant 0 : i32
    return %c0_i32, %c0_i32_0 : i32, i32
  }
  func.func @transform_4(%arg0: i32) -> (i32, i32) {
    %c0_i32 = arith.constant 0 : i32
    %c0_i32_0 = arith.constant 0 : i32
    %c0_i32_1 = arith.constant 0 : i32
    return %c0_i32, %c0_i32_0 : i32, i32
  }
  func.func @transform_5(%arg0: i32) -> (i32, i32) {
    %c0_i32 = arith.constant 0 : i32
    %c0_i32_0 = arith.constant 0 : i32
    %c0_i32_1 = arith.constant 0 : i32
    return %c0_i32, %c0_i32_0 : i32, i32
  }
  func.func @transform_6(%arg0: i32) -> (i32, i32, i32) {
    %c0_i32 = arith.constant 0 : i32
    %c0_i32_0 = arith.constant 0 : i32
    %c0_i32_1 = arith.constant 0 : i32
    return %arg0, %c0_i32, %c0_i32_0 : i32, i32, i32
  }
  func.func @transform_7(%arg0: i32) -> (i32, i32, i32) {
    %c0_i32 = arith.constant 0 : i32
    %c0_i32_0 = arith.constant 0 : i32
    %c0_i32_1 = arith.constant 0 : i32
    return %arg0, %c0_i32, %c0_i32_0 : i32, i32, i32
  }
  func.func @transform_8(%arg0: i32) -> (i32, i32) {
    %c0_i32 = arith.constant 0 : i32
    %c0_i32_0 = arith.constant 0 : i32
    %c0_i32_1 = arith.constant 0 : i32
    return %c0_i32, %c0_i32_0 : i32, i32
  }
  func.func @transform_9(%arg0: i32) -> (i32, i32) {
    %c0_i32 = arith.constant 0 : i32
    %c0_i32_0 = arith.constant 0 : i32
    %c0_i32_1 = arith.constant 0 : i32
    return %c0_i32, %c0_i32_0 : i32, i32
  }
  func.func @transform_10(%arg0: i32) -> (i32, i32) {
    %c0_i32 = arith.constant 0 : i32
    %c0_i32_0 = arith.constant 0 : i32
    return %arg0, %c0_i32 : i32, i32
  }
  func.func @transform_11(%arg0: i32) -> (i32, i32) {
    %c0_i32 = arith.constant 0 : i32
    %c0_i32_0 = arith.constant 0 : i32
    %c0_i32_1 = arith.constant 0 : i32
    return %c0_i32, %c0_i32_0 : i32, i32
  }
  func.func @transform_12(%arg0: i32) -> (i32, i32) {
    %c0_i32 = arith.constant 0 : i32
    %c0_i32_0 = arith.constant 0 : i32
    %c0_i32_1 = arith.constant 0 : i32
    return %c0_i32, %c0_i32_0 : i32, i32
  }
  func.func @transform_13(%arg0: i32) -> (i32, i32) {
    %c0_i32 = arith.constant 0 : i32
    %c0_i32_0 = arith.constant 0 : i32
    %c0_i32_1 = arith.constant 0 : i32
    return %c0_i32, %c0_i32_0 : i32, i32
  }
}

module attributes {stable_mosaic.version = 14 : i64} {
  func.func @_head_body(%arg0: memref<64x128xf32, #tpu.memory_space<vmem>>, %arg1: memref<64x128xf32, #tpu.memory_space<vmem>>, %arg2: memref<64x128xf32, #tpu.memory_space<vmem>>, %arg3: memref<64x128xf32, #tpu.memory_space<vmem>>, %arg4: memref<64x128xf32, #tpu.memory_space<vmem>>, %arg5: memref<64x128xf32, #tpu.memory_space<vmem>>, %arg6: memref<64x128xf32, #tpu.memory_space<vmem>>, %arg7: memref<64x128xf32, #tpu.memory_space<vmem>>, %arg8: memref<64x128xf32, #tpu.memory_space<vmem>>, %arg9: memref<128x128xf32, #tpu.memory_space<vmem>>, %arg10: memref<128x128xf32, #tpu.memory_space<vmem>>, %arg11: memref<128x128xf32, #tpu.memory_space<vmem>>, %arg12: memref<128x128xf32, #tpu.memory_space<vmem>>, %arg13: memref<128x128xf32, #tpu.memory_space<vmem>>, %arg14: memref<128x128xf32, #tpu.memory_space<vmem>>, %arg15: memref<8x128xf32, #tpu.memory_space<vmem>>, %arg16: memref<128x64xf32, #tpu.memory_space<vmem>>, %arg17: memref<8x64xf32, #tpu.memory_space<vmem>>, %arg18: memref<64x10xf32, #tpu.memory_space<vmem>>, %arg19: memref<8x10xf32, #tpu.memory_space<vmem>>, %arg20: memref<64x10xf32, #tpu.memory_space<vmem>>) attributes {dimension_semantics = [], scalar_prefetch = 0 : i64, scratch_operands = 0 : i64, tpu.core_type = #tpu.core_type<tc>} {
    %get3A = arith.constant 0 : index
    %get3A_0 = arith.constant 0 : index
    %get3A_1 = vector.load %arg0[%get3A, %get3A_0] : memref<64x128xf32, #tpu.memory_space<vmem>>, vector<64x128xf32>
    %get3A_2 = arith.constant 0 : index
    %get3A_3 = arith.constant 0 : index
    %get3A_4 = vector.load %arg9[%get3A_2, %get3A_3] : memref<128x128xf32, #tpu.memory_space<vmem>>, vector<128x128xf32>
    %dot_general3A = arith.constant dense<0.000000e+00> : vector<64x128xf32>
    %dot_general3A_5 = tpu.matmul %get3A_1, %get3A_4, %dot_general3A {dimension_numbers = #tpu.dot_dimension_numbers<[1], [0], [0], [1], [0, 0, 1, 1], [], []>, transpose_lhs_hint = false} : vector<64x128xf32>, vector<128x128xf32>, vector<64x128xf32> -> vector<64x128xf32>
    %get3A_6 = arith.constant 0 : index
    %get3A_7 = arith.constant 0 : index
    %get3A_8 = vector.load %arg1[%get3A_6, %get3A_7] : memref<64x128xf32, #tpu.memory_space<vmem>>, vector<64x128xf32>
    %get3A_9 = arith.constant 0 : index
    %get3A_10 = arith.constant 0 : index
    %get3A_11 = vector.load %arg2[%get3A_9, %get3A_10] : memref<64x128xf32, #tpu.memory_space<vmem>>, vector<64x128xf32>
    %max3A = arith.constant 1.000000e+00 : f32
    %max3A_12 = vector.broadcast %max3A : f32 to vector<64x128xf32>
    %max3A_13 = arith.maximumf %get3A_11, %max3A_12 : vector<64x128xf32>
    %div3A = arith.divf %get3A_8, %max3A_13 : vector<64x128xf32>
    %get3A_14 = arith.constant 0 : index
    %get3A_15 = arith.constant 0 : index
    %get3A_16 = vector.load %arg10[%get3A_14, %get3A_15] : memref<128x128xf32, #tpu.memory_space<vmem>>, vector<128x128xf32>
    %dot_general3A_17 = arith.constant dense<0.000000e+00> : vector<64x128xf32>
    %dot_general3A_18 = tpu.matmul %div3A, %get3A_16, %dot_general3A_17 {dimension_numbers = #tpu.dot_dimension_numbers<[1], [0], [0], [1], [0, 0, 1, 1], [], []>, transpose_lhs_hint = false} : vector<64x128xf32>, vector<128x128xf32>, vector<64x128xf32> -> vector<64x128xf32>
    %add3A = arith.addf %dot_general3A_5, %dot_general3A_18 : vector<64x128xf32>
    %get3A_19 = arith.constant 0 : index
    %get3A_20 = arith.constant 0 : index
    %get3A_21 = vector.load %arg3[%get3A_19, %get3A_20] : memref<64x128xf32, #tpu.memory_space<vmem>>, vector<64x128xf32>
    %get3A_22 = arith.constant 0 : index
    %get3A_23 = arith.constant 0 : index
    %get3A_24 = vector.load %arg11[%get3A_22, %get3A_23] : memref<128x128xf32, #tpu.memory_space<vmem>>, vector<128x128xf32>
    %dot_general3A_25 = arith.constant dense<0.000000e+00> : vector<64x128xf32>
    %dot_general3A_26 = tpu.matmul %get3A_21, %get3A_24, %dot_general3A_25 {dimension_numbers = #tpu.dot_dimension_numbers<[1], [0], [0], [1], [0, 0, 1, 1], [], []>, transpose_lhs_hint = false} : vector<64x128xf32>, vector<128x128xf32>, vector<64x128xf32> -> vector<64x128xf32>
    %add3A_27 = arith.addf %add3A, %dot_general3A_26 : vector<64x128xf32>
    %get3A_28 = arith.constant 0 : index
    %get3A_29 = arith.constant 0 : index
    %get3A_30 = vector.load %arg4[%get3A_28, %get3A_29] : memref<64x128xf32, #tpu.memory_space<vmem>>, vector<64x128xf32>
    %get3A_31 = arith.constant 0 : index
    %get3A_32 = arith.constant 0 : index
    %get3A_33 = vector.load %arg5[%get3A_31, %get3A_32] : memref<64x128xf32, #tpu.memory_space<vmem>>, vector<64x128xf32>
    %max3A_34 = arith.constant 1.000000e+00 : f32
    %max3A_35 = vector.broadcast %max3A_34 : f32 to vector<64x128xf32>
    %max3A_36 = arith.maximumf %get3A_33, %max3A_35 : vector<64x128xf32>
    %div3A_37 = arith.divf %get3A_30, %max3A_36 : vector<64x128xf32>
    %get3A_38 = arith.constant 0 : index
    %get3A_39 = arith.constant 0 : index
    %get3A_40 = vector.load %arg12[%get3A_38, %get3A_39] : memref<128x128xf32, #tpu.memory_space<vmem>>, vector<128x128xf32>
    %dot_general3A_41 = arith.constant dense<0.000000e+00> : vector<64x128xf32>
    %dot_general3A_42 = tpu.matmul %div3A_37, %get3A_40, %dot_general3A_41 {dimension_numbers = #tpu.dot_dimension_numbers<[1], [0], [0], [1], [0, 0, 1, 1], [], []>, transpose_lhs_hint = false} : vector<64x128xf32>, vector<128x128xf32>, vector<64x128xf32> -> vector<64x128xf32>
    %add3A_43 = arith.addf %add3A_27, %dot_general3A_42 : vector<64x128xf32>
    %get3A_44 = arith.constant 0 : index
    %get3A_45 = arith.constant 0 : index
    %get3A_46 = vector.load %arg6[%get3A_44, %get3A_45] : memref<64x128xf32, #tpu.memory_space<vmem>>, vector<64x128xf32>
    %get3A_47 = arith.constant 0 : index
    %get3A_48 = arith.constant 0 : index
    %get3A_49 = vector.load %arg13[%get3A_47, %get3A_48] : memref<128x128xf32, #tpu.memory_space<vmem>>, vector<128x128xf32>
    %dot_general3A_50 = arith.constant dense<0.000000e+00> : vector<64x128xf32>
    %dot_general3A_51 = tpu.matmul %get3A_46, %get3A_49, %dot_general3A_50 {dimension_numbers = #tpu.dot_dimension_numbers<[1], [0], [0], [1], [0, 0, 1, 1], [], []>, transpose_lhs_hint = false} : vector<64x128xf32>, vector<128x128xf32>, vector<64x128xf32> -> vector<64x128xf32>
    %add3A_52 = arith.addf %add3A_43, %dot_general3A_51 : vector<64x128xf32>
    %get3A_53 = arith.constant 0 : index
    %get3A_54 = arith.constant 0 : index
    %get3A_55 = vector.load %arg7[%get3A_53, %get3A_54] : memref<64x128xf32, #tpu.memory_space<vmem>>, vector<64x128xf32>
    %get3A_56 = arith.constant 0 : index
    %get3A_57 = arith.constant 0 : index
    %get3A_58 = vector.load %arg8[%get3A_56, %get3A_57] : memref<64x128xf32, #tpu.memory_space<vmem>>, vector<64x128xf32>
    %max3A_59 = arith.constant 1.000000e+00 : f32
    %max3A_60 = vector.broadcast %max3A_59 : f32 to vector<64x128xf32>
    %max3A_61 = arith.maximumf %get3A_58, %max3A_60 : vector<64x128xf32>
    %div3A_62 = arith.divf %get3A_55, %max3A_61 : vector<64x128xf32>
    %get3A_63 = arith.constant 0 : index
    %get3A_64 = arith.constant 0 : index
    %get3A_65 = vector.load %arg14[%get3A_63, %get3A_64] : memref<128x128xf32, #tpu.memory_space<vmem>>, vector<128x128xf32>
    %dot_general3A_66 = arith.constant dense<0.000000e+00> : vector<64x128xf32>
    %dot_general3A_67 = tpu.matmul %div3A_62, %get3A_65, %dot_general3A_66 {dimension_numbers = #tpu.dot_dimension_numbers<[1], [0], [0], [1], [0, 0, 1, 1], [], []>, transpose_lhs_hint = false} : vector<64x128xf32>, vector<128x128xf32>, vector<64x128xf32> -> vector<64x128xf32>
    %add3A_68 = arith.addf %add3A_52, %dot_general3A_67 : vector<64x128xf32>
    %get3A_69 = arith.constant 0 : index
    %get3A_70 = arith.constant 0 : index
    %get3A_71 = vector.load %arg15[%get3A_69, %get3A_70] : memref<8x128xf32, #tpu.memory_space<vmem>>, vector<1x128xf32>
    %add3A_72 = vector.broadcast %get3A_71 : vector<1x128xf32> to vector<64x128xf32>
    %add3A_73 = arith.addf %add3A_68, %add3A_72 : vector<64x128xf32>
    %max3A_74 = arith.constant 0.000000e+00 : f32
    %max3A_75 = vector.broadcast %max3A_74 : f32 to vector<64x128xf32>
    %max3A_76 = arith.maximumf %add3A_73, %max3A_75 : vector<64x128xf32>
    %get3A_77 = arith.constant 0 : index
    %get3A_78 = arith.constant 0 : index
    %get3A_79 = vector.load %arg16[%get3A_77, %get3A_78] : memref<128x64xf32, #tpu.memory_space<vmem>>, vector<128x64xf32>
    %dot_general3A_80 = arith.constant dense<0.000000e+00> : vector<64x64xf32>
    %dot_general3A_81 = tpu.matmul %max3A_76, %get3A_79, %dot_general3A_80 {dimension_numbers = #tpu.dot_dimension_numbers<[1], [0], [0], [1], [0, 0, 1, 1], [], []>, transpose_lhs_hint = false} : vector<64x128xf32>, vector<128x64xf32>, vector<64x64xf32> -> vector<64x64xf32>
    %get3A_82 = arith.constant 0 : index
    %get3A_83 = arith.constant 0 : index
    %get3A_84 = vector.load %arg17[%get3A_82, %get3A_83] : memref<8x64xf32, #tpu.memory_space<vmem>>, vector<1x64xf32>
    %add3A_85 = vector.broadcast %get3A_84 : vector<1x64xf32> to vector<64x64xf32>
    %add3A_86 = arith.addf %dot_general3A_81, %add3A_85 : vector<64x64xf32>
    %max3A_87 = arith.constant 0.000000e+00 : f32
    %max3A_88 = vector.broadcast %max3A_87 : f32 to vector<64x64xf32>
    %max3A_89 = arith.maximumf %add3A_86, %max3A_88 : vector<64x64xf32>
    %get3A_90 = arith.constant 0 : index
    %get3A_91 = arith.constant 0 : index
    %get3A_92 = vector.load %arg18[%get3A_90, %get3A_91] : memref<64x10xf32, #tpu.memory_space<vmem>>, vector<64x10xf32>
    %dot_general3A_93 = arith.constant dense<0.000000e+00> : vector<64x10xf32>
    %dot_general3A_94 = tpu.matmul %max3A_89, %get3A_92, %dot_general3A_93 {dimension_numbers = #tpu.dot_dimension_numbers<[1], [0], [0], [1], [0, 0, 1, 1], [], []>, transpose_lhs_hint = false} : vector<64x64xf32>, vector<64x10xf32>, vector<64x10xf32> -> vector<64x10xf32>
    %get3A_95 = arith.constant 0 : index
    %get3A_96 = arith.constant 0 : index
    %get3A_97 = vector.load %arg19[%get3A_95, %get3A_96] : memref<8x10xf32, #tpu.memory_space<vmem>>, vector<1x10xf32>
    %add3A_98 = vector.broadcast %get3A_97 : vector<1x10xf32> to vector<64x10xf32>
    %add3A_99 = arith.addf %dot_general3A_94, %add3A_98 : vector<64x10xf32>
    %reduce_max3A = arith.constant dense<0xFF800000> : vector<64xf32>
    %reduce_max3A_100 = vector.multi_reduction <maximumf>, %add3A_99, %reduce_max3A [1] : vector<64x10xf32> to vector<64xf32>
    %broadcast_in_dim3A = vector.shape_cast %reduce_max3A_100 : vector<64xf32> to vector<64x1xf32>
    %sub3A = vector.broadcast %broadcast_in_dim3A : vector<64x1xf32> to vector<64x10xf32>
    %sub3A_101 = arith.subf %add3A_99, %sub3A : vector<64x10xf32>
    %exp3A = math.exp %sub3A_101 : vector<64x10xf32>
    %reduce_sum3A = arith.constant dense<0.000000e+00> : vector<64xf32>
    %reduce_sum3A_102 = vector.multi_reduction <add>, %exp3A, %reduce_sum3A [1] : vector<64x10xf32> to vector<64xf32>
    %broadcast_in_dim3A_103 = vector.shape_cast %reduce_sum3A_102 : vector<64xf32> to vector<64x1xf32>
    %log3A = math.log %broadcast_in_dim3A_103 : vector<64x1xf32>
    %add3A_104 = arith.addf %log3A, %broadcast_in_dim3A : vector<64x1xf32>
    %sub3A_105 = vector.broadcast %add3A_104 : vector<64x1xf32> to vector<64x10xf32>
    %sub3A_106 = arith.subf %add3A_99, %sub3A_105 : vector<64x10xf32>
    %swap3A = arith.constant 0 : index
    %swap3A_107 = arith.constant 0 : index
    %swap3A_108 = vector.load %arg20[%swap3A, %swap3A_107] : memref<64x10xf32, #tpu.memory_space<vmem>>, vector<64x10xf32>
    tpu.vector_store %arg20[%swap3A, %swap3A_107], %sub3A_106 {strides = array<i32>} : memref<64x10xf32, #tpu.memory_space<vmem>>, vector<64x10xf32>,
    return
  }
}

</mosaic_0001>

<sc_bundles>
// kernel: kernel.12.cloned.1.call-start
scs
__scs_entry_jumppad:
0x0: {  	(pc) =	sbr.rel $0x88, $3  }
0x1: {  	(tag) =	ssettag $0x0;
	lr =	simm.s32 $0x1  }
0x2: {  	[smem:$0x3F8F] =	sst lr;
	_ =	strace $0xD0000000  }
0x3: {  	_ = 	snop  }
0x4: {  	_ = 	snop  }
0x5: {  	_ = 	snop  }
0x6: {  	_ = 	snop  }
0x7: {  	_ = 	snop  }
__scs_overlays_trampoline_lowered:
0x8: {  	[smem:$0x3F9E] =	sst s0  }
0x9: {  	[smem:$0x3F9F] =	sst s1  }
0xa: {  	[smem:$0x3FA0] =	sst s2  }
0xb: {  	[smem:$0x3FA1] =	sst s3  }
0xc: {  	[smem:$0x3FA2] =	sst s4  }
0xd: {  	[smem:$0x3FA3] =	sst s5  }
0xe: {  	[smem:$0x3FA4] =	sst s6  }
0xf: {  	[smem:$0x3FA5] =	sst s7  }
0x10: {  	[smem:$0x3FA6] =	sst s8  }
0x11: {  	[smem:$0x3FA7] =	sst s9;
	s0 =	simm.s32 @!p0 $0x0  }
0x12: {  	s1 =	sld [smem:$0x3F8D];
	s0 =	simm.s32 @p0 $0x1  }
0x13: {  	[smem:$0x3FA8] =	sst s0;
	s0 =	simm.s32 @!p1 $0x0  }
0x14: {  	s2 =	sld [smem:$0x3F8C];
	s0 =	simm.s32 @p1 $0x1  }
0x15: {  	[smem:$0x3FA9] =	sst s0;
	s0 =	simm.s32 @!p2 $0x0  }
0x16: {  	s3 =	sld [smem:$0x3FDB];
	s0 =	simm.s32 @p2 $0x1  }
0x17: {  	s4 =	simm.s32 $0x1BF5;
	[smem:$0x3FAB] =	sst s0  }
0x18: {  	s0 =	sld [smem:$0x3F8E];
	_ =	swait.ge [sflag:s4], $0x0  }
0x19: {  	s7 =	sld [smem:$0x3F8F]  }
0x1a: {  	s8 =	sadd.s32 $0xFFFFE003, lr  }
0x1b: {  	s9 =	sadd.s32 $0xFFFFFEF7, lr;
	s5 =	simm.s32 $0xFFFFFFFF;
	p2 =	slt.u32 s8, $0xFFFFF086  }
0x1c: {  	p1 =	slt.u32 s9, $0xF7A;
	s5 =	simm.s32 @!p2 $0x0  }
0x1d: {  	s5 =	simm.s32 @p1 $0x1;
	p0 =	seq.s32 s7, s2  }
0x1e: {  	s7 =	smul.u32 @!p0 $0xF7A, s2;
	p2 =	seq.s32 @!p0 s5, $0x0  }
0x1f: {  	s9 =	smul.u32 $0xF7A, s1;
	s8 =	simm.s32 @!p0 $0x1BF5;
	p2 =	por !p2, p0  }
0x20: {  	[sflag:s8] =	ssyncset.s32 @!p0 $0xFFFFF086;
	s6 =	sadd.s32 @!p0 s3, s7;
	s7 =	simm.s32 @!p0 $0x108  }
0x21: {  	s3 =	sadd.s32 s3, s9;
	s6 =	sadd.s32 @!p0 $0x88, s6;
	s7 =	simm.s32 @p2 $0x1082  }
0x22: {  	[simem:s7], [sflag:s8] =	dma.local @!p0 [hbm:s6], $0xF7A  }
0x23: {  	s9 =	sor.u32 $0xD0000000, s2;
	s6 =	simm.s32 $0x108;
	_ =	swait.ge @!p0 [sflag:s8], $0x0  }
0x24: {  	s3 =	sadd.s32 $0x88, s3;
	s6 =	simm.s32 @!p1 $0x1082;
	[sflag:s4] =	ssyncset.s32 $0xFFFFF086  }
0x25: {  	[simem:s6], [sflag:s4] =	dma.local [hbm:s3], $0xF7A  }
0x26: {  	[smem:$0x3F8F] =	sst s1;
	(tag) =	ssettag s2;
	_ =	strace s9  }
0x27: {  	s1 =	sld [smem:$0x3F9F]  }
0x28: {  	s2 =	sld [smem:$0x3FA0]  }
0x29: {  	s4 =	sld [smem:$0x3FA2]  }
0x2a: {  	p0 =	seq.s32 s5, $0x0;
	s5 =	sld [smem:$0x3FA3]  }
0x2b: {  	s6 =	sld [smem:$0x3FA4]  }
0x2c: {  	s7 =	sld [smem:$0x3FA5]  }
0x2d: {  	s3 =	simm.s32 $0x108;
	s8 =	sld [smem:$0x3FA6]  }
0x2e: {  	s3 =	simm.s32 @!p0 $0x1082;
	s9 =	sld [smem:$0x3FA7]  }
0x2f: {  	lr =	sadd.s32 s0, s3;
	s0 =	sld [smem:$0x3F9E]  }
0x30: {  	s3 =	sld [smem:$0x3FA1]  }
0x31: {  	[smem:$0x3FAA] =	sst s10  }
0x32: {  	s10 =	sld [smem:$0x3FA8];
	_ =	sdelay $0x3  }
0x33: {  	p0 =	seq.s32 s10, $0x1;
	s10 =	sld [smem:$0x3FAA];
	_ =	sdelay $0x3  }
0x34: {  	[smem:$0x3FAA] =	sst s10  }
0x35: {  	s10 =	sld [smem:$0x3FA9];
	_ =	sdelay $0x3  }
0x36: {  	p1 =	seq.s32 s10, $0x1;
	s10 =	sld [smem:$0x3FAA];
	_ =	sdelay $0x3  }
0x37: {  	[smem:$0x3FAA] =	sst s10  }
0x38: {  	s10 =	sld [smem:$0x3FAB]  }
0x39: {  	_ = 	snop;
	(pc) =	sbr.ind lr, $3  }
0x3a: {  	_ = 	snop  }
0x3b: {  	_ = 	snop  }
0x3c: {  	p2 =	seq.s32 s10, $0x1;
	s10 =	sld [smem:$0x3FAA]  }
0x3d: {  	_ =	shalt  }
0x3e: {  	_ =	shalt  }
0x3f: {  	_ =	shalt  }
0x40: {  	_ =	shalt  }
0x41: {  	_ =	shalt  }
0x42: {  	_ =	shalt  }
0x43: {  	_ =	shalt  }
0x44: {  	_ =	shalt  }
0x45: {  	_ =	shalt  }
0x46: {  	_ =	shalt  }
0x47: {  	_ =	shalt  }
0x48: {  	_ =	shalt  }
0x49: {  	_ =	shalt  }
0x4a: {  	_ =	shalt  }
0x4b: {  	_ =	shalt  }
0x4c: {  	_ =	shalt  }
0x4d: {  	_ =	shalt  }
0x4e: {  	_ =	shalt  }
0x4f: {  	_ =	shalt  }
0x50: {  	_ =	shalt  }
0x51: {  	_ =	shalt  }
0x52: {  	_ =	shalt  }
0x53: {  	_ =	shalt  }
0x54: {  	_ =	shalt  }
0x55: {  	_ =	shalt  }
0x56: {  	_ =	shalt  }
0x57: {  	_ =	shalt  }
0x58: {  	_ =	shalt  }
0x59: {  	_ =	shalt  }
0x5a: {  	_ =	shalt  }
0x5b: {  	_ =	shalt  }
0x5c: {  	_ =	shalt  }
0x5d: {  	_ =	shalt  }
0x5e: {  	_ =	shalt  }
0x5f: {  	_ =	shalt  }
0x60: {  	_ =	shalt  }
0x61: {  	_ =	shalt  }
0x62: {  	_ =	shalt  }
0x63: {  	_ =	shalt  }
0x64: {  	_ =	shalt  }
0x65: {  	_ =	shalt  }
0x66: {  	_ =	shalt  }
0x67: {  	_ =	shalt  }
0x68: {  	_ =	shalt  }
0x69: {  	_ =	shalt  }
0x6a: {  	_ =	shalt  }
0x6b: {  	_ =	shalt  }
0x6c: {  	_ =	shalt  }
0x6d: {  	_ =	shalt  }
0x6e: {  	_ =	shalt  }
0x6f: {  	_ =	shalt  }
0x70: {  	_ =	shalt  }
0x71: {  	_ =	shalt  }
0x72: {  	_ =	shalt  }
0x73: {  	_ =	shalt  }
0x74: {  	_ =	shalt  }
0x75: {  	_ =	shalt  }
0x76: {  	_ =	shalt  }
0x77: {  	_ =	shalt  }
0x78: {  	_ =	shalt  }
0x79: {  	_ =	shalt  }
0x7a: {  	_ =	shalt  }
0x7b: {  	_ =	shalt  }
0x7c: {  	_ =	shalt  }
0x7d: {  	_ =	shalt  }
0x7e: {  	_ =	shalt  }
0x7f: {  	_ =	shalt  }
0x80: {  	_ =	shalt  }
0x81: {  	_ =	shalt  }
0x82: {  	_ =	shalt  }
0x83: {  	_ =	shalt  }
0x84: {  	_ =	shalt  }
0x85: {  	_ =	shalt  }
0x86: {  	_ =	shalt  }
0x87: {  	_ =	shalt  }
.Lfunc_end0:
.L_simem_size_0:
called_computation.1_lowered:
.L_overlay_start_0:
0x88: {  	s2 =	sld [smem:$0x3FD9]  }
0x89: {  	s3 =	sld [smem:$0x3FFE];
	_ =	sdelay $0x1  }
0x8a: {  	s1 =	srdreg.scid  }
0x8b: {  	s0 =	sand.u32 $0x1, s1  }
0x8c: {  	s16 =	sshll.u32 s0, $0xA;
	s2 =	sadd.s32 s3, s2  }
0x8d: {  	s2 =	sadd.s32 s2, s16  }
0x8e: {  	[smem:$0x3FB6] =	sst s2  }
0x8f: {  	_ = 	snop  }
0x90: {  	(tm) =	ssettm $0x1  }
0x91: {  	s17 =	sld [smem:$0x3FFB];
	_ =	sdelay $0x3  }
0x92: {  	_ =	strace s17  }
0x93: {  	s2 =	sld [smem:$0x3FFC];
	_ =	sdelay $0x3  }
0x94: {  	_ =	strace s2  }
0x95: {  	s2 =	sld [smem:$0x3FFD];
	_ =	sdelay $0x3  }
0x96: {  	_ =	strace s2  }
0x97: {  	_ =	strace $0x8FFFFFFF  }
0x98: {  	s18 =	sld [smem:$0x3FDB];
	_ =	sdelay $0x1  }
0x99: {  	s19 =	simm.s32 $_scs_section_size  }
0x9a: {  	s4 =	simm.s32 $_size__tile_overlayer_lowered;
	s5 =	simm.s32 $_tile_overlayer_lowered  }
0x9b: {  	s22 =	simm.s32 $0x1BFF;
	s21 =	sshll.u32 s5, $0x1;
	s2 =	sadd.s32 s19, s18  }
0x9c: {  	s6 =	simm.s32 $0x0;
	s20 =	sshll.u32 s4, $0x1;
	s4 =	sadd.s32 s21, s2  }
0x9d: {  	[timem:s6], [sflag:s22] =	dma.local [hbm:s4], s20  }
0x9e: {  	_ =	swait.ge [sflag:s22], s20  }
0x9f: {  	s3 =	ssub.s32 $0x0, s20;
	[sflag:s22] =	ssyncset.done $0x0  }
0xa0: {  	[sflag:s22] =	ssyncadd.s32 s3;
	_ =	sdelay $0x1  }
0xa1: {  	s23 =	simm.s32 $0x1B8B  }
0xa2: {  	_ =	swait.ge [sflag:s23], $0x1  }
0xa3: {  	[sflag:s23] =	ssyncset.done $0x0  }
0xa4: {  	s25 =	simm.s32 $0x1B8E;
	s24 =	sld [smem:$0x3FFE];
	[sflag:s23] =	ssyncadd.s32 $0xFFFFFFFF  }
0xa5: {  	s26 =	simm.s32 $execute0_lowered;
	[smem:$0x3FD2] =	sst s25  }
0xa6: {  	s4 =	sshll.u32 s26, $0x1;
	_ =	strace $0x80000049;
	[dreg:$0x1] =	wrdreg $0xFFFFFFFF  }
0xa7: {  	s28 =	simm.s32 $_size_execute0_lowered;
	s2 =	sadd.s32 s2, s4;
	[dreg:$0x0] =	wrdreg $0x0  }
0xa8: {  	s4 =	sshll.u32 s28, $0x1;
	[dreg:$0x2] =	wrdreg s2  }
0xa9: {  	[dreg:$0x3] =	wrdreg s4  }
0xaa: {  	[dreg:$0x4] =	wrdreg $0xC0  }
0xab: {  	_ =	task [dreg:s6], $0x5FFFF  }
0xac: {  	[dreg:$0x1] =	wrdreg $0xFFFFFFFF  }
0xad: {  	[dreg:$0x0] =	wrdreg $0x60  }
0xae: {  	[dreg:$0x2] =	wrdreg s24  }
0xaf: {  	[dreg:$0x3] =	wrdreg $0x8B000  }
0xb0: {  	[dreg:$0x4] =	wrdreg $0x9  }
0xb1: {  	_ =	task.clear_ibuf [dreg:s6], $0x5FFFF;
	_ =	strace $0x90000049  }
0xb2: {  	s29 =	simm.s32 $0x9;
	_ =	strace $0x8000004B  }
0xb3: {  	_ =	swait.ge [sflag:s29], $0x1  }
0xb4: {  	[sflag:s29] =	ssyncadd.s32 $0xFFFFFFFF  }
0xb5: {  	_ =	strace $0x9000004B  }
0xb6: {  	_ =	sfence  }
0xb7: {  	s30 =	sld [smem:$0x0];
	_ =	sdelay $0x2  }
0xb8: {  	s31 =	sshll.u32 s1, $0xD;
	s1 =	sshrl.u32 s1, $0x2  }
0xb9: {  	s3 =	sand.u32 $0x4000, s31;
	s1 =	sadd.s32 s1, s30  }
0xba: {  	s0 =	sor.u32 s3, s0;
	s1 =	sshll.u32 s1, $0x11  }
0xbb: {  	s0 =	sor.u32 s1, s0  }
0xbc: {  	s0 =	sadd.s32 $0x8F2B, s0  }
0xbd: {  	[sflag:s0] =	ssyncadd.remote.s32 $0x1  }
0xbe: {  	_ =	sfence.sel $0xFFFF  }
0xbf: {  	[dreg:$0x0] =	wrdreg $0xFFFFFFFF;
	(pc) =	sbr.abs _section_cstart, $3  }
0xc0: {  	[dreg:$0x1] =	wrdreg $0xFFFFFFFF  }
0xc1: {  	_ =	task.clear_ibuf [dreg:s6], $0x2FFFF;
	_ =	strace $0x9FFFFFFF  }
0xc2: {  	(tm) =	ssettm $0x7FFFFFFF  }
0xc3: {  	_ =	shalt  }
tec
execute0_lowered:
.L_overlay_start_1:
0x0: {  	(tag) =	ssettag $0x1  }
0x1: {  	s0 =	rddreg [dreg:$0x0]  }
0x2: {  	s1 =	rddreg [dreg:$0x1]  }
0x3: {  	s2 =	simm.s32 $0x0;
	s4 =	srdreg.scid;
	s15 =	stileid.u32  }
0x4: {  	s28 =	simm.s32 $0x4180;
	s29 =	simm.s32 $0x4200;
	s30 =	simm.s32 $0x1  }
0x5: {  	s31 =	simm.s32 $0x2;
	[smem:$0x7FF] =	sst s2;
	s3 =	sadd.s32 $0x1A200, s0  }
0x6: {  	s5 =	sadd.s32 $0xDC00, s0;
	s6 =	sadd.s32 $0x3E00, s0;
	s7 =	sadd.s32 $0x17A00, s0  }
0x7: {  	s4 =	sand.u32 $0x1, s4;
	s9 =	sshll.u32 s15, $0x1;
	s10 =	smul.u32 $0x4E000, s15  }
0x8: {  	s0 =	sadd.s32 $0x41400, s0;
	s12 =	sshll.u32 s15, $0x6;
	s19 =	smul.u32 $0x13800, s15  }
0x9: {  	s21 =	smul.u32 $0x4E20, s15;
	p0 =	sne.s32 s15, $0xF;
	_ =	strace $0x8000004A  }
0xa: {  	s8 =	ssub.s32 $0x2, s4;
	s9 =	sor.u32 s4, s9;
	s16 =	smul.u32 $0x138800, s4  }
0xb: {  	s4 =	smul.u32 $0x2710, s4;
	s11 =	sshrl.u32 s8, $0x1;
	s10 =	sshrl.u32 s10, $0x2  }
0xc: {  	s13 =	smul.u32 $0x2710, s9;
	s9 =	sor.u32 $0x1C04, s12;
	s12 =	sadd.s32 $0x138000, s1  }
0xd: {  	s8 =	ssub.s32 s8, s11;
	s11 =	sadd.s32 s10, s1;
	[dreg:$0x4] =	wrdreg s12  }
0xe: {  	s23 =	sadd.s32 s19, s16;
	s4 =	sadd.s32 s4, s21;
	[dreg:$0x3] =	wrdreg s11  }
0xf: {  	s13 =	sshrl.u32 s13, $0x3;
	s11 =	sshrl.u32 s16, $0x3;
	s25 =	smax.u32 s8, $0x1  }
0x10: {  	s24 =	sadd.s32 $0x180, s4;
	s17 =	sadd.s32 s5, s13;
	[dreg:$0xd] =	wrdreg s25  }
0x11: {  	s18 =	sadd.s32 $0x10, s13;
	s14 =	sadd.s32 s6, s13;
	[dreg:$0x5] =	wrdreg s17  }
0x12: {  	s8 =	simm.s32 $0x10;
	[dreg:$0x6] =	wrdreg s14;
	s20 =	sadd.s32 s5, s18  }
0x13: {  	s10 =	sadd.s32 $0x4E0, s13;
	s12 =	sadd.s32 s6, s18;
	[dreg:$0x7] =	wrdreg s20  }
0x14: {  	s26 =	sshrl.u32 s24, $0x3;
	s22 =	sadd.s32 s5, s10;
	[dreg:$0x8] =	wrdreg s12  }
0x15: {  	s24 =	simm.s32 $0x80;
	s10 =	sadd.s32 s6, s10;
	[dreg:$0x9] =	wrdreg s22  }
0x16: {  	s25 =	simm.s32 $0x100;
	s21 =	sadd.s32 s26, s5;
	[dreg:$0xa] =	wrdreg s10  }
0x17: {  	s10 =	sshrl.u32 s23, $0x3;
	s20 =	sadd.s32 s26, s6;
	s22 =	sadd.s32 $0x100, s4  }
0x18: {  	s23 =	simm.s32 $0x4;
	s26 =	simm.s32 $0x4100;
	s4 =	simm.s32 $0x8280  }
0x19: {  	s12 =	simm.s32 $0x0;
	s10 =	sadd.s32 s0, s10;
	s0 =	sadd.s32 s0, s11  }
0x1a: {  	s11 =	simm.s32 $0x3;
	[dreg:$0xb] =	wrdreg s10;
	s0 =	sadd.s32 $0x27000, s0  }
0x1b: {  	s10 =	simm.s32 $0x8300;
	[dreg:$0xc] =	wrdreg s0;
	s0 =	simm.s32 $0x8200  }
.LBB2_1:
0x1c: {  	s13 =	rddreg [dreg:$0x3]  }
0x1d: {  	s13 =	sshrl.u32 s13, $0x3  }
0x1e: {  	[spmem:s13], [sflag:s9] =	dma.local [hbm:s7], $0x2700  }
0x1f: {  	_ =	swait.ge [sflag:s23], $0x2700  }
0x20: {  	[sflag:s23] =	ssyncset.done $0x0;
	s14 =	rddreg [dreg:$0x4]  }
0x21: {  	s15 =	simm.s32 @!p0 $0x4;
	[sflag:s23] =	ssyncadd.s32 $0xFFFFD900;
	s14 =	sshrl.u32 @!p0 s14, $0x3  }
0x22: {  	[spmem:s14], [sflag:s9] =	dma.local @!p0 [hbm:s7], $0x100  }
0x23: {  	_ =	swait.ge @!p0 [sflag:s15], $0x100  }
0x24: {  	[sflag:s15] =	ssyncset.done @!p0 $0x0  }
0x25: {  	[sflag:s15] =	ssyncadd.s32 @!p0 $0xFFFFFF00  }
0x26: {  	[bflag:$0x0] =	sbarrier.arrive $0xFFFF  }
0x27: {  	s17 =	rddreg [dreg:$0x5]  }
0x28: {  	[tilespmem:s2], [sflag:$0x4] =	stream.linear.gather [hbm4b:s17+s2], $0x80, $0x38;
	[tilespmem:$0x1C380] =	vst v63  }
0x29: {  	_ =	swait.ge [sflag:s23], $0x80  }
0x2a: {  	[sflag:s23] =	ssyncset.done $0x0  }
0x2b: {  	s18 =	rddreg [dreg:$0x6];
	[sflag:s23] =	ssyncadd.s32 $0xFFFFFF80  }
0x2c: {  	[tilespmem:s24], [sflag:$0x4] =	stream.linear.gather [hbm4b:s18+s2], $0x80, $0x38;
	[tilespmem:$0x1C380] =	vst v63  }
0x2d: {  	_ =	swait.ge [sflag:s23], $0x80  }
0x2e: {  	[sflag:s23] =	ssyncset.done $0x0  }
0x2f: {  	[sflag:s23] =	ssyncadd.s32 $0xFFFFFF80  }
0x30: {  	[tilespmem:s25], [sflag:$0x1] =	stream.indirect.gather [hbm4b:s3+s24], $0x80, s2, s24, $0xb8;
	[tilespmem:$0x1C380] =	vst v63  }
0x31: {  	s19 =	rddreg [dreg:$0x7]  }
0x32: {  	[tilespmem:s26], [sflag:$0x4] =	stream.linear.gather [hbm4b:s19+s2], $0x80, $0x38;
	[tilespmem:$0x1C380] =	vst v63  }
0x33: {  	_ =	swait.ge [sflag:s23], $0x80  }
0x34: {  	[sflag:s23] =	ssyncset.done $0x0  }
0x35: {  	s16 =	rddreg [dreg:$0x8];
	[sflag:s23] =	ssyncadd.s32 $0xFFFFFF80  }
0x36: {  	[tilespmem:s28], [sflag:$0x4] =	stream.linear.gather [hbm4b:s16+s2], $0x80, $0x38;
	[tilespmem:$0x1C380] =	vst v63  }
0x37: {  	_ =	swait.ge [sflag:s23], $0x80  }
0x38: {  	[sflag:s23] =	ssyncset.done $0x0  }
0x39: {  	[sflag:s23] =	ssyncadd.s32 $0xFFFFFF80  }
0x3a: {  	[tilespmem:s29], [sflag:$0x2] =	stream.indirect.gather [hbm4b:s3+s24], $0x80, s26, s24, $0xb8;
	[tilespmem:$0x1C380] =	vst v63  }
0x3b: {  	_ =	swait.ge [sflag:s30], $0x4000  }
0x3c: {  	[sflag:s30] =	ssyncset.done $0x0  }
0x3d: {  	[sflag:s30] =	ssyncadd.s32 $0xFFFFC000  }
0x3e: {  	[spmem:s1] =	stream.indirect.scatter.add.f32 [tilespmem:s25], [sflag:$0x4], $0x80, s24, s24, $0xb8;
	[tilespmem:$0x1C380] =	vst v63  }
0x3f: {  	_ =	swait.ge [sflag:s23], $0x4000  }
0x40: {  	s17 =	sshrl.u32 s22, $0x3;
	[sflag:s23] =	ssyncset.done $0x0  }
0x41: {  	s16 =	sadd.s32 s5, s17;
	[sflag:s23] =	ssyncadd.s32 $0xFFFFC000  }
0x42: {  	[tilespmem:s2], [sflag:$0x4] =	stream.linear.gather [hbm4b:s16+s2], $0x80, $0x38;
	[tilespmem:$0x1C380] =	vst v63  }
0x43: {  	_ =	swait.ge [sflag:s23], $0x80  }
0x44: {  	[sflag:s23] =	ssyncset.done $0x0  }
0x45: {  	s15 =	sadd.s32 s6, s17;
	[sflag:s23] =	ssyncadd.s32 $0xFFFFFF80  }
0x46: {  	[tilespmem:s24], [sflag:$0x4] =	stream.linear.gather [hbm4b:s15+s2], $0x80, $0x38;
	[tilespmem:$0x1C380] =	vst v63  }
0x47: {  	_ =	swait.ge [sflag:s23], $0x80  }
0x48: {  	[sflag:s23] =	ssyncset.done $0x0  }
0x49: {  	[sflag:s23] =	ssyncadd.s32 $0xFFFFFF80  }
0x4a: {  	[tilespmem:s25], [sflag:$0x1] =	stream.indirect.gather [hbm4b:s3+s24], $0x80, s2, s24, $0xb8;
	[tilespmem:$0x1C380] =	vst v63  }
0x4b: {  	_ =	swait.ge [sflag:s31], $0x4000  }
0x4c: {  	[sflag:s31] =	ssyncset.done $0x0  }
0x4d: {  	[sflag:s31] =	ssyncadd.s32 $0xFFFFC000  }
0x4e: {  	[spmem:s1] =	stream.indirect.scatter.add.f32 [tilespmem:s29], [sflag:$0x4], $0x80, s28, s24, $0xb8;
	[tilespmem:$0x1C380] =	vst v63  }
0x4f: {  	_ =	swait.ge [sflag:s23], $0x4000  }
0x50: {  	[sflag:s23] =	ssyncset.done $0x0  }
0x51: {  	s18 =	sadd.s32 $0x0, s21;
	[sflag:s23] =	ssyncadd.s32 $0xFFFFC000  }
0x52: {  	[tilespmem:s26], [sflag:$0x4] =	stream.linear.gather [hbm4b:s18+s2], $0x80, $0x38;
	[tilespmem:$0x1C380] =	vst v63  }
0x53: {  	_ =	swait.ge [sflag:s23], $0x80  }
0x54: {  	[sflag:s23] =	ssyncset.done $0x0  }
0x55: {  	s19 =	sadd.s32 $0x0, s20;
	[sflag:s23] =	ssyncadd.s32 $0xFFFFFF80  }
0x56: {  	[tilespmem:s28], [sflag:$0x4] =	stream.linear.gather [hbm4b:s19+s2], $0x80, $0x38;
	[tilespmem:$0x1C380] =	vst v63  }
0x57: {  	_ =	swait.ge [sflag:s23], $0x80  }
0x58: {  	[sflag:s23] =	ssyncset.done $0x0  }
0x59: {  	s16 =	sadd.s32 $0x100, s22;
	s15 =	simm.s32 $0x20;
	[sflag:s23] =	ssyncadd.s32 $0xFFFFFF80  }
.LBB2_2:
0x5a: {  	[tilespmem:s29], [sflag:$0x2] =	stream.indirect.gather [hbm4b:s3+s24], $0x80, s26, s24, $0xb8;
	[tilespmem:$0x1C380] =	vst v63  }
0x5b: {  	s17 =	smov.u32 s15  }
0x5c: {  	p1 =	sne.s32 s15, $0x4A0;
	s15 =	sadd.s32 $0x20, s15;
	_ =	swait.ge [sflag:s30], $0x4000  }
0x5d: {  	[sflag:s30] =	ssyncset.done $0x0  }
0x5e: {  	[sflag:s30] =	ssyncadd.s32 $0xFFFFC000  }
0x5f: {  	[spmem:s1] =	stream.indirect.scatter.add.f32 [tilespmem:s25], [sflag:$0x4], $0x80, s24, s24, $0xb8;
	[tilespmem:$0x1C380] =	vst v63  }
0x60: {  	_ =	swait.ge [sflag:s23], $0x4000  }
0x61: {  	s18 =	sshrl.u32 s16, $0x3;
	[sflag:s23] =	ssyncset.done $0x0  }
0x62: {  	s19 =	sadd.s32 s5, s18;
	[sflag:s23] =	ssyncadd.s32 $0xFFFFC000  }
0x63: {  	[tilespmem:s2], [sflag:$0x4] =	stream.linear.gather [hbm4b:s19+s2], $0x80, $0x38;
	[tilespmem:$0x1C380] =	vst v63  }
0x64: {  	_ =	swait.ge [sflag:s23], $0x80  }
0x65: {  	[sflag:s23] =	ssyncset.done $0x0  }
0x66: {  	s18 =	sadd.s32 s6, s18;
	[sflag:s23] =	ssyncadd.s32 $0xFFFFFF80  }
0x67: {  	[tilespmem:s24], [sflag:$0x4] =	stream.linear.gather [hbm4b:s18+s2], $0x80, $0x38;
	[tilespmem:$0x1C380] =	vst v63  }
0x68: {  	_ =	swait.ge [sflag:s23], $0x80  }
0x69: {  	[sflag:s23] =	ssyncset.done $0x0  }
0x6a: {  	[sflag:s23] =	ssyncadd.s32 $0xFFFFFF80  }
0x6b: {  	[tilespmem:s25], [sflag:$0x1] =	stream.indirect.gather [hbm4b:s3+s24], $0x80, s2, s24, $0xb8;
	[tilespmem:$0x1C380] =	vst v63  }
0x6c: {  	_ =	swait.ge [sflag:s31], $0x4000  }
0x6d: {  	[sflag:s31] =	ssyncset.done $0x0  }
0x6e: {  	[sflag:s31] =	ssyncadd.s32 $0xFFFFC000  }
0x6f: {  	[spmem:s1] =	stream.indirect.scatter.add.f32 [tilespmem:s29], [sflag:$0x4], $0x80, s28, s24, $0xb8;
	[tilespmem:$0x1C380] =	vst v63  }
0x70: {  	_ =	swait.ge [sflag:s23], $0x4000  }
0x71: {  	[sflag:s23] =	ssyncset.done $0x0  }
0x72: {  	s18 =	sadd.s32 s17, s21;
	[sflag:s23] =	ssyncadd.s32 $0xFFFFC000  }
0x73: {  	[tilespmem:s26], [sflag:$0x4] =	stream.linear.gather [hbm4b:s18+s2], $0x80, $0x38;
	[tilespmem:$0x1C380] =	vst v63  }
0x74: {  	_ =	swait.ge [sflag:s23], $0x80  }
0x75: {  	[sflag:s23] =	ssyncset.done $0x0  }
.Ltmp0:
0x76: {  	s17 =	sadd.s32 s17, s20;
	[sflag:s23] =	ssyncadd.s32 $0xFFFFFF80;
	(pc) =	sbr.rel @p1 .LBB2_2-.Ltmp0, $4  }
0x77: {  	[tilespmem:s28], [sflag:$0x4] =	stream.linear.gather [hbm4b:s17+s2], $0x80, $0x38;
	[tilespmem:$0x1C380] =	vst v63  }
0x78: {  	_ =	swait.ge [sflag:s23], $0x80  }
0x79: {  	[sflag:s23] =	ssyncset.done $0x0  }
0x7a: {  	s16 =	sadd.s32 $0x100, s16;
	[sflag:s23] =	ssyncadd.s32 $0xFFFFFF80  }
0x7b: {  	[tilespmem:s29], [sflag:$0x2] =	stream.indirect.gather [hbm4b:s3+s24], $0x80, s26, s24, $0xb8;
	[tilespmem:$0x1C380] =	vst v63  }
0x7c: {  	_ =	swait.ge [sflag:s30], $0x4000  }
0x7d: {  	[sflag:s30] =	ssyncset.done $0x0  }
0x7e: {  	[sflag:s30] =	ssyncadd.s32 $0xFFFFC000  }
0x7f: {  	[spmem:s1] =	stream.indirect.scatter.add.f32 [tilespmem:s25], [sflag:$0x4], $0x80, s24, s24, $0xb8;
	[tilespmem:$0x1C380] =	vst v63  }
0x80: {  	_ =	swait.ge [sflag:s23], $0x4000  }
0x81: {  	[sflag:s23] =	ssyncset.done $0x0  }
0x82: {  	[sflag:s23] =	ssyncadd.s32 $0xFFFFC000  }
0x83: {  	_ =	swait.ge [sflag:s31], $0x4000  }
0x84: {  	[sflag:s31] =	ssyncset.done $0x0  }
0x85: {  	[sflag:s31] =	ssyncadd.s32 $0xFFFFC000  }
0x86: {  	[spmem:s1] =	stream.indirect.scatter.add.f32 [tilespmem:s29], [sflag:$0x4], $0x80, s28, s24, $0xb8;
	[tilespmem:$0x1C380] =	vst v63  }
0x87: {  	_ =	swait.ge [sflag:s23], $0x4000  }
0x88: {  	[sflag:s23] =	ssyncset.done $0x0  }
0x89: {  	s15 =	rddreg [dreg:$0x9];
	[sflag:s23] =	ssyncadd.s32 $0xFFFFC000  }
0x8a: {  	[tilespmem:s0], [sflag:$0x4] =	stream.linear.gather [hbm4b:s15+s2], $0x10, $0x38;
	[tilespmem:$0x1C380] =	vst v63  }
0x8b: {  	_ =	swait.ge [sflag:s23], $0x10  }
0x8c: {  	[sflag:s23] =	ssyncset.done $0x0  }
0x8d: {  	s17 =	rddreg [dreg:$0xa];
	[sflag:s23] =	ssyncadd.s32 $0xFFFFFFF0  }
0x8e: {  	[tilespmem:s4], [sflag:$0x4] =	stream.linear.gather [hbm4b:s17+s2], $0x10, $0x38;
	[tilespmem:$0x1C380] =	vst v63  }
0x8f: {  	_ =	swait.ge [sflag:s23], $0x10  }
0x90: {  	[sflag:s23] =	ssyncset.done $0x0  }
0x91: {  	[sflag:s23] =	ssyncadd.s32 $0xFFFFFFF0  }
0x92: {  	[tilespmem:s10], [sflag:$0x3] =	stream.indirect.gather [hbm4b:s3+s8], $0x80, s0, s8, $0xb8;
	[tilespmem:$0x1C380] =	vst v63  }
0x93: {  	_ =	swait.ge [sflag:s11], $0x800  }
0x94: {  	[sflag:s11] =	ssyncset.done $0x0  }
0x95: {  	[sflag:s11] =	ssyncadd.s32 $0xFFFFF800  }
0x96: {  	[spmem:s1] =	stream.indirect.scatter.add.f32 [tilespmem:s10], [sflag:$0x4], $0x80, s4, s8, $0xb8;
	[tilespmem:$0x1C380] =	vst v63  }
0x97: {  	_ =	swait.ge [sflag:s23], $0x800  }
0x98: {  	[sflag:s23] =	ssyncset.done $0x0  }
0x99: {  	[sflag:s23] =	ssyncadd.s32 $0xFFFFF800  }
0x9a: {  	[bflag:$0x0] =	sbarrier.arrive $0xFFFF  }
0x9b: {  	s18 =	rddreg [dreg:$0xb]  }
0x9c: {  	[hbm:s18], [sflag:s9] =	dma.local [spmem:s13], $0x2700  }
0x9d: {  	_ =	swait.ge [sflag:s23], $0x2700  }
0x9e: {  	[sflag:s23] =	ssyncset.done $0x0  }
0x9f: {  	s13 =	rddreg [dreg:$0xc];
	[sflag:s23] =	ssyncadd.s32 $0xFFFFD900  }
0xa0: {  	[hbm:s13], [sflag:s9] =	dma.local @!p0 [spmem:s14], $0x100  }
0xa1: {  	s13 =	simm.s32 @!p0 $0x4  }
0xa2: {  	_ =	swait.ge @!p0 [sflag:s13], $0x100  }
0xa3: {  	s12 =	sadd.s32 $0x1, s12;
	s19 =	rddreg [dreg:$0xd]  }
0xa4: {  	p1 =	sne.s32 s12, s19  }
.Ltmp1:
0xa5: {  	_ = 	snop;
	(pc) =	sbr.rel @p1 .LBB2_1-.Ltmp1, $3  }
0xa6: {  	_ =	sdelay $0x1  }
0xa7: {  	[sflag:s13] =	ssyncset.done @!p0 $0x0  }
0xa8: {  	[sflag:s13] =	ssyncadd.s32 @!p0 $0xFFFFFF00  }
0xa9: {  	_ =	sfence.sel $0x180000  }
0xaa: {  	[bflag:$0x0] =	sbarrier.arrive $0xFFFF  }
0xab: {  	_ =	strace $0x9000004A  }
0xac: {  	s0 =	stileid.u32;
	[bflag:$0x2] =	sbarrier.arrive $0xFFFF  }
0xad: {  	p0 =	sne.s32 s0, $0x0;
	s0 =	rddreg [dreg:$0x2]  }
0xae: {  	s0 =	sadd.s32 @!p0 $0x100000, s0  }
0xaf: {  	[sflag:s0] =	ssyncadd.tile.s32 @!p0 $0x1;
	_ =	shalt  }
.Lfunc_end2:
_tile_overlayer_lowered:
.L_overlay_start_2:
0xb0: {  	(tag) =	ssettag $0x2  }
0xb1: {  	s0 =	rddreg [dreg:$0x0];
	s2 =	stileid.u32  }
0xb2: {  	s1 =	rddreg [dreg:$0x1];
	p0 =	sne.s32 s2, $0x0  }
0xb3: {  	s3 =	rddreg [dreg:$0x2];
	[bflag:$0x3] =	sbarrier.arrive $0xFFFF;
	s2 =	simm.s32 @!p0 $0x1C04  }
0xb4: {  	[timem:s3], [sflag:s2] =	dma.local @!p0 [hbm:s0], s1  }
0xb5: {  	s0 =	simm.s32 @!p0 $0x4  }
0xb6: {  	_ =	swait.ge @!p0 [sflag:s0], s1  }
0xb7: {  	s1 =	ssub.s32 @!p0 $0x0, s1;
	[sflag:s0] =	ssyncset.done @!p0 $0x0  }
0xb8: {  	[sflag:s0] =	ssyncadd.s32 @!p0 s1  }
0xb9: {  	[bflag:$0x3] =	sbarrier.arrive $0xFFFF  }
0xba: {  	_ =	shalt  }

// kernel: kernel.15.cloned.1.call-start
scs
__scs_entry_jumppad:
0x0: {  	(pc) =	sbr.rel $0x88, $3  }
0x1: {  	(tag) =	ssettag $0x0;
	lr =	simm.s32 $0x1  }
0x2: {  	[smem:$0x3F8F] =	sst lr;
	_ =	strace $0xD0000000  }
0x3: {  	_ = 	snop  }
0x4: {  	_ = 	snop  }
0x5: {  	_ = 	snop  }
0x6: {  	_ = 	snop  }
0x7: {  	_ = 	snop  }
__scs_overlays_trampoline_lowered:
0x8: {  	[smem:$0x3F9E] =	sst s0  }
0x9: {  	[smem:$0x3F9F] =	sst s1  }
0xa: {  	[smem:$0x3FA0] =	sst s2  }
0xb: {  	[smem:$0x3FA1] =	sst s3  }
0xc: {  	[smem:$0x3FA2] =	sst s4  }
0xd: {  	[smem:$0x3FA3] =	sst s5  }
0xe: {  	[smem:$0x3FA4] =	sst s6  }
0xf: {  	[smem:$0x3FA5] =	sst s7  }
0x10: {  	[smem:$0x3FA6] =	sst s8  }
0x11: {  	[smem:$0x3FA7] =	sst s9;
	s0 =	simm.s32 @!p0 $0x0  }
0x12: {  	s1 =	sld [smem:$0x3F8D];
	s0 =	simm.s32 @p0 $0x1  }
0x13: {  	[smem:$0x3FA8] =	sst s0;
	s0 =	simm.s32 @!p1 $0x0  }
0x14: {  	s2 =	sld [smem:$0x3F8C];
	s0 =	simm.s32 @p1 $0x1  }
0x15: {  	[smem:$0x3FA9] =	sst s0;
	s0 =	simm.s32 @!p2 $0x0  }
0x16: {  	s3 =	sld [smem:$0x3FDB];
	s0 =	simm.s32 @p2 $0x1  }
0x17: {  	s4 =	simm.s32 $0x1BF5;
	[smem:$0x3FAB] =	sst s0  }
0x18: {  	s0 =	sld [smem:$0x3F8E];
	_ =	swait.ge [sflag:s4], $0x0  }
0x19: {  	s7 =	sld [smem:$0x3F8F]  }
0x1a: {  	s8 =	sadd.s32 $0xFFFFE003, lr  }
0x1b: {  	s9 =	sadd.s32 $0xFFFFFEF7, lr;
	s5 =	simm.s32 $0xFFFFFFFF;
	p2 =	slt.u32 s8, $0xFFFFF086  }
0x1c: {  	p1 =	slt.u32 s9, $0xF7A;
	s5 =	simm.s32 @!p2 $0x0  }
0x1d: {  	s5 =	simm.s32 @p1 $0x1;
	p0 =	seq.s32 s7, s2  }
0x1e: {  	s7 =	smul.u32 @!p0 $0xF7A, s2;
	p2 =	seq.s32 @!p0 s5, $0x0  }
0x1f: {  	s9 =	smul.u32 $0xF7A, s1;
	s8 =	simm.s32 @!p0 $0x1BF5;
	p2 =	por !p2, p0  }
0x20: {  	[sflag:s8] =	ssyncset.s32 @!p0 $0xFFFFF086;
	s6 =	sadd.s32 @!p0 s3, s7;
	s7 =	simm.s32 @!p0 $0x108  }
0x21: {  	s3 =	sadd.s32 s3, s9;
	s6 =	sadd.s32 @!p0 $0x88, s6;
	s7 =	simm.s32 @p2 $0x1082  }
0x22: {  	[simem:s7], [sflag:s8] =	dma.local @!p0 [hbm:s6], $0xF7A  }
0x23: {  	s9 =	sor.u32 $0xD0000000, s2;
	s6 =	simm.s32 $0x108;
	_ =	swait.ge @!p0 [sflag:s8], $0x0  }
0x24: {  	s3 =	sadd.s32 $0x88, s3;
	s6 =	simm.s32 @!p1 $0x1082;
	[sflag:s4] =	ssyncset.s32 $0xFFFFF086  }
0x25: {  	[simem:s6], [sflag:s4] =	dma.local [hbm:s3], $0xF7A  }
0x26: {  	[smem:$0x3F8F] =	sst s1;
	(tag) =	ssettag s2;
	_ =	strace s9  }
0x27: {  	s1 =	sld [smem:$0x3F9F]  }
0x28: {  	s2 =	sld [smem:$0x3FA0]  }
0x29: {  	s4 =	sld [smem:$0x3FA2]  }
0x2a: {  	p0 =	seq.s32 s5, $0x0;
	s5 =	sld [smem:$0x3FA3]  }
0x2b: {  	s6 =	sld [smem:$0x3FA4]  }
0x2c: {  	s7 =	sld [smem:$0x3FA5]  }
0x2d: {  	s3 =	simm.s32 $0x108;
	s8 =	sld [smem:$0x3FA6]  }
0x2e: {  	s3 =	simm.s32 @!p0 $0x1082;
	s9 =	sld [smem:$0x3FA7]  }
0x2f: {  	lr =	sadd.s32 s0, s3;
	s0 =	sld [smem:$0x3F9E]  }
0x30: {  	s3 =	sld [smem:$0x3FA1]  }
0x31: {  	[smem:$0x3FAA] =	sst s10  }
0x32: {  	s10 =	sld [smem:$0x3FA8];
	_ =	sdelay $0x3  }
0x33: {  	p0 =	seq.s32 s10, $0x1;
	s10 =	sld [smem:$0x3FAA];
	_ =	sdelay $0x3  }
0x34: {  	[smem:$0x3FAA] =	sst s10  }
0x35: {  	s10 =	sld [smem:$0x3FA9];
	_ =	sdelay $0x3  }
0x36: {  	p1 =	seq.s32 s10, $0x1;
	s10 =	sld [smem:$0x3FAA];
	_ =	sdelay $0x3  }
0x37: {  	[smem:$0x3FAA] =	sst s10  }
0x38: {  	s10 =	sld [smem:$0x3FAB]  }
0x39: {  	_ = 	snop;
	(pc) =	sbr.ind lr, $3  }
0x3a: {  	_ = 	snop  }
0x3b: {  	_ = 	snop  }
0x3c: {  	p2 =	seq.s32 s10, $0x1;
	s10 =	sld [smem:$0x3FAA]  }
0x3d: {  	_ =	shalt  }
0x3e: {  	_ =	shalt  }
0x3f: {  	_ =	shalt  }
0x40: {  	_ =	shalt  }
0x41: {  	_ =	shalt  }
0x42: {  	_ =	shalt  }
0x43: {  	_ =	shalt  }
0x44: {  	_ =	shalt  }
0x45: {  	_ =	shalt  }
0x46: {  	_ =	shalt  }
0x47: {  	_ =	shalt  }
0x48: {  	_ =	shalt  }
0x49: {  	_ =	shalt  }
0x4a: {  	_ =	shalt  }
0x4b: {  	_ =	shalt  }
0x4c: {  	_ =	shalt  }
0x4d: {  	_ =	shalt  }
0x4e: {  	_ =	shalt  }
0x4f: {  	_ =	shalt  }
0x50: {  	_ =	shalt  }
0x51: {  	_ =	shalt  }
0x52: {  	_ =	shalt  }
0x53: {  	_ =	shalt  }
0x54: {  	_ =	shalt  }
0x55: {  	_ =	shalt  }
0x56: {  	_ =	shalt  }
0x57: {  	_ =	shalt  }
0x58: {  	_ =	shalt  }
0x59: {  	_ =	shalt  }
0x5a: {  	_ =	shalt  }
0x5b: {  	_ =	shalt  }
0x5c: {  	_ =	shalt  }
0x5d: {  	_ =	shalt  }
0x5e: {  	_ =	shalt  }
0x5f: {  	_ =	shalt  }
0x60: {  	_ =	shalt  }
0x61: {  	_ =	shalt  }
0x62: {  	_ =	shalt  }
0x63: {  	_ =	shalt  }
0x64: {  	_ =	shalt  }
0x65: {  	_ =	shalt  }
0x66: {  	_ =	shalt  }
0x67: {  	_ =	shalt  }
0x68: {  	_ =	shalt  }
0x69: {  	_ =	shalt  }
0x6a: {  	_ =	shalt  }
0x6b: {  	_ =	shalt  }
0x6c: {  	_ =	shalt  }
0x6d: {  	_ =	shalt  }
0x6e: {  	_ =	shalt  }
0x6f: {  	_ =	shalt  }
0x70: {  	_ =	shalt  }
0x71: {  	_ =	shalt  }
0x72: {  	_ =	shalt  }
0x73: {  	_ =	shalt  }
0x74: {  	_ =	shalt  }
0x75: {  	_ =	shalt  }
0x76: {  	_ =	shalt  }
0x77: {  	_ =	shalt  }
0x78: {  	_ =	shalt  }
0x79: {  	_ =	shalt  }
0x7a: {  	_ =	shalt  }
0x7b: {  	_ =	shalt  }
0x7c: {  	_ =	shalt  }
0x7d: {  	_ =	shalt  }
0x7e: {  	_ =	shalt  }
0x7f: {  	_ =	shalt  }
0x80: {  	_ =	shalt  }
0x81: {  	_ =	shalt  }
0x82: {  	_ =	shalt  }
0x83: {  	_ =	shalt  }
0x84: {  	_ =	shalt  }
0x85: {  	_ =	shalt  }
0x86: {  	_ =	shalt  }
0x87: {  	_ =	shalt  }
.Lfunc_end0:
.L_simem_size_0:
called_computation.2_lowered:
.L_overlay_start_0:
0x88: {  	s2 =	sld [smem:$0x3FD9]  }
0x89: {  	s3 =	sld [smem:$0x3FFE];
	_ =	sdelay $0x1  }
0x8a: {  	s1 =	srdreg.scid  }
0x8b: {  	s0 =	sand.u32 $0x1, s1  }
0x8c: {  	s16 =	sshll.u32 s0, $0xA;
	s2 =	sadd.s32 s3, s2  }
0x8d: {  	s2 =	sadd.s32 s2, s16  }
0x8e: {  	[smem:$0x3FB6] =	sst s2  }
0x8f: {  	_ = 	snop  }
0x90: {  	(tm) =	ssettm $0x1  }
0x91: {  	s17 =	sld [smem:$0x3FFB];
	_ =	sdelay $0x3  }
0x92: {  	_ =	strace s17  }
0x93: {  	s2 =	sld [smem:$0x3FFC];
	_ =	sdelay $0x3  }
0x94: {  	_ =	strace s2  }
0x95: {  	s2 =	sld [smem:$0x3FFD];
	_ =	sdelay $0x3  }
0x96: {  	_ =	strace s2  }
0x97: {  	_ =	strace $0x8FFFFFFF  }
0x98: {  	s18 =	sld [smem:$0x3FDB];
	_ =	sdelay $0x1  }
0x99: {  	s19 =	simm.s32 $_scs_section_size  }
0x9a: {  	s4 =	simm.s32 $_size__tile_overlayer_lowered;
	s5 =	simm.s32 $_tile_overlayer_lowered  }
0x9b: {  	s22 =	simm.s32 $0x1BFF;
	s21 =	sshll.u32 s5, $0x1;
	s2 =	sadd.s32 s19, s18  }
0x9c: {  	s6 =	simm.s32 $0x0;
	s20 =	sshll.u32 s4, $0x1;
	s4 =	sadd.s32 s21, s2  }
0x9d: {  	[timem:s6], [sflag:s22] =	dma.local [hbm:s4], s20  }
0x9e: {  	_ =	swait.ge [sflag:s22], s20  }
0x9f: {  	s3 =	ssub.s32 $0x0, s20;
	[sflag:s22] =	ssyncset.done $0x0  }
0xa0: {  	[sflag:s22] =	ssyncadd.s32 s3;
	_ =	sdelay $0x1  }
0xa1: {  	s23 =	simm.s32 $0x1B8B  }
0xa2: {  	_ =	swait.ge [sflag:s23], $0x1  }
0xa3: {  	[sflag:s23] =	ssyncset.done $0x0  }
0xa4: {  	s25 =	simm.s32 $0x1B8E;
	s24 =	sld [smem:$0x3FFE];
	[sflag:s23] =	ssyncadd.s32 $0xFFFFFFFF  }
0xa5: {  	s26 =	simm.s32 $execute0_lowered;
	[smem:$0x3FD2] =	sst s25  }
0xa6: {  	s4 =	sshll.u32 s26, $0x1;
	_ =	strace $0x8000004C;
	[dreg:$0x1] =	wrdreg $0xFFFFFFFF  }
0xa7: {  	s28 =	simm.s32 $_size_execute0_lowered;
	s2 =	sadd.s32 s2, s4;
	[dreg:$0x0] =	wrdreg $0x0  }
0xa8: {  	s4 =	sshll.u32 s28, $0x1;
	[dreg:$0x2] =	wrdreg s2  }
0xa9: {  	[dreg:$0x3] =	wrdreg s4  }
0xaa: {  	[dreg:$0x4] =	wrdreg $0xC0  }
0xab: {  	_ =	task [dreg:s6], $0x5FFFF  }
0xac: {  	[dreg:$0x1] =	wrdreg $0xFFFFFFFF  }
0xad: {  	[dreg:$0x0] =	wrdreg $0x60  }
0xae: {  	[dreg:$0x2] =	wrdreg s24  }
0xaf: {  	[dreg:$0x3] =	wrdreg $0x8B000  }
0xb0: {  	[dreg:$0x4] =	wrdreg $0x9  }
0xb1: {  	_ =	task.clear_ibuf [dreg:s6], $0x5FFFF;
	_ =	strace $0x9000004C  }
0xb2: {  	s29 =	simm.s32 $0x9;
	_ =	strace $0x8000004E  }
0xb3: {  	_ =	swait.ge [sflag:s29], $0x1  }
0xb4: {  	[sflag:s29] =	ssyncadd.s32 $0xFFFFFFFF  }
0xb5: {  	_ =	strace $0x9000004E  }
0xb6: {  	_ =	sfence  }
0xb7: {  	s30 =	sld [smem:$0x0];
	_ =	sdelay $0x2  }
0xb8: {  	s31 =	sshll.u32 s1, $0xD;
	s1 =	sshrl.u32 s1, $0x2  }
0xb9: {  	s3 =	sand.u32 $0x4000, s31;
	s1 =	sadd.s32 s1, s30  }
0xba: {  	s0 =	sor.u32 s3, s0;
	s1 =	sshll.u32 s1, $0x11  }
0xbb: {  	s0 =	sor.u32 s1, s0  }
0xbc: {  	s0 =	sadd.s32 $0x8F2B, s0  }
0xbd: {  	[sflag:s0] =	ssyncadd.remote.s32 $0x1  }
0xbe: {  	_ =	sfence.sel $0xFFFF  }
0xbf: {  	[dreg:$0x0] =	wrdreg $0xFFFFFFFF;
	(pc) =	sbr.abs _section_cstart, $3  }
0xc0: {  	[dreg:$0x1] =	wrdreg $0xFFFFFFFF  }
0xc1: {  	_ =	task.clear_ibuf [dreg:s6], $0x2FFFF;
	_ =	strace $0x9FFFFFFF  }
0xc2: {  	(tm) =	ssettm $0x7FFFFFFF  }
0xc3: {  	_ =	shalt  }
tec
execute0_lowered:
.L_overlay_start_1:
0x0: {  	(tag) =	ssettag $0x1  }
0x1: {  	s0 =	rddreg [dreg:$0x0]  }
0x2: {  	s1 =	rddreg [dreg:$0x1]  }
0x3: {  	s2 =	simm.s32 $0x0;
	s4 =	srdreg.scid;
	s15 =	stileid.u32  }
0x4: {  	s28 =	simm.s32 $0x4180;
	s29 =	simm.s32 $0x4200;
	s30 =	simm.s32 $0x1  }
0x5: {  	s31 =	simm.s32 $0x2;
	[smem:$0x7FF] =	sst s2;
	s3 =	sadd.s32 $0x1A200, s0  }
0x6: {  	s5 =	sadd.s32 $0xDC00, s0;
	s6 =	sadd.s32 $0x3E00, s0;
	s7 =	sadd.s32 $0x17A00, s0  }
0x7: {  	s4 =	sand.u32 $0x1, s4;
	s9 =	sshll.u32 s15, $0x1;
	s10 =	smul.u32 $0x4E000, s15  }
0x8: {  	s0 =	sadd.s32 $0x41400, s0;
	s12 =	sshll.u32 s15, $0x6;
	s19 =	smul.u32 $0x13800, s15  }
0x9: {  	s21 =	smul.u32 $0x4E20, s15;
	p0 =	sne.s32 s15, $0xF;
	_ =	strace $0x8000004D  }
0xa: {  	s8 =	ssub.s32 $0x2, s4;
	s9 =	sor.u32 s4, s9;
	s16 =	smul.u32 $0x138800, s4  }
0xb: {  	s4 =	smul.u32 $0x2710, s4;
	s11 =	sshrl.u32 s8, $0x1;
	s10 =	sshrl.u32 s10, $0x2  }
0xc: {  	s13 =	smul.u32 $0x2710, s9;
	s9 =	sor.u32 $0x1C04, s12;
	s12 =	sadd.s32 $0x138000, s1  }
0xd: {  	s8 =	ssub.s32 s8, s11;
	s11 =	sadd.s32 s10, s1;
	[dreg:$0x4] =	wrdreg s12  }
0xe: {  	s23 =	sadd.s32 s19, s16;
	s4 =	sadd.s32 s4, s21;
	[dreg:$0x3] =	wrdreg s11  }
0xf: {  	s13 =	sshrl.u32 s13, $0x3;
	s11 =	sshrl.u32 s16, $0x3;
	s25 =	smax.u32 s8, $0x1  }
0x10: {  	s24 =	sadd.s32 $0x180, s4;
	s17 =	sadd.s32 s5, s13;
	[dreg:$0xd] =	wrdreg s25  }
0x11: {  	s18 =	sadd.s32 $0x10, s13;
	s14 =	sadd.s32 s6, s13;
	[dreg:$0x5] =	wrdreg s17  }
0x12: {  	s8 =	simm.s32 $0x10;
	[dreg:$0x6] =	wrdreg s14;
	s20 =	sadd.s32 s5, s18  }
0x13: {  	s10 =	sadd.s32 $0x4E0, s13;
	s12 =	sadd.s32 s6, s18;
	[dreg:$0x7] =	wrdreg s20  }
0x14: {  	s26 =	sshrl.u32 s24, $0x3;
	s22 =	sadd.s32 s5, s10;
	[dreg:$0x8] =	wrdreg s12  }
0x15: {  	s24 =	simm.s32 $0x80;
	s10 =	sadd.s32 s6, s10;
	[dreg:$0x9] =	wrdreg s22  }
0x16: {  	s25 =	simm.s32 $0x100;
	s21 =	sadd.s32 s26, s5;
	[dreg:$0xa] =	wrdreg s10  }
0x17: {  	s10 =	sshrl.u32 s23, $0x3;
	s20 =	sadd.s32 s26, s6;
	s22 =	sadd.s32 $0x100, s4  }
0x18: {  	s23 =	simm.s32 $0x4;
	s26 =	simm.s32 $0x4100;
	s4 =	simm.s32 $0x8280  }
0x19: {  	s12 =	simm.s32 $0x0;
	s10 =	sadd.s32 s0, s10;
	s0 =	sadd.s32 s0, s11  }
0x1a: {  	s11 =	simm.s32 $0x3;
	[dreg:$0xb] =	wrdreg s10;
	s0 =	sadd.s32 $0x27000, s0  }
0x1b: {  	s10 =	simm.s32 $0x8300;
	[dreg:$0xc] =	wrdreg s0;
	s0 =	simm.s32 $0x8200  }
.LBB2_1:
0x1c: {  	s13 =	rddreg [dreg:$0x3]  }
0x1d: {  	s13 =	sshrl.u32 s13, $0x3  }
0x1e: {  	[spmem:s13], [sflag:s9] =	dma.local [hbm:s7], $0x2700  }
0x1f: {  	_ =	swait.ge [sflag:s23], $0x2700  }
0x20: {  	[sflag:s23] =	ssyncset.done $0x0;
	s14 =	rddreg [dreg:$0x4]  }
0x21: {  	s15 =	simm.s32 @!p0 $0x4;
	[sflag:s23] =	ssyncadd.s32 $0xFFFFD900;
	s14 =	sshrl.u32 @!p0 s14, $0x3  }
0x22: {  	[spmem:s14], [sflag:s9] =	dma.local @!p0 [hbm:s7], $0x100  }
0x23: {  	_ =	swait.ge @!p0 [sflag:s15], $0x100  }
0x24: {  	[sflag:s15] =	ssyncset.done @!p0 $0x0  }
0x25: {  	[sflag:s15] =	ssyncadd.s32 @!p0 $0xFFFFFF00  }
0x26: {  	[bflag:$0x0] =	sbarrier.arrive $0xFFFF  }
0x27: {  	s17 =	rddreg [dreg:$0x5]  }
0x28: {  	[tilespmem:s2], [sflag:$0x4] =	stream.linear.gather [hbm4b:s17+s2], $0x80, $0x38;
	[tilespmem:$0x1C380] =	vst v63  }
0x29: {  	_ =	swait.ge [sflag:s23], $0x80  }
0x2a: {  	[sflag:s23] =	ssyncset.done $0x0  }
0x2b: {  	s18 =	rddreg [dreg:$0x6];
	[sflag:s23] =	ssyncadd.s32 $0xFFFFFF80  }
0x2c: {  	[tilespmem:s24], [sflag:$0x4] =	stream.linear.gather [hbm4b:s18+s2], $0x80, $0x38;
	[tilespmem:$0x1C380] =	vst v63  }
0x2d: {  	_ =	swait.ge [sflag:s23], $0x80  }
0x2e: {  	[sflag:s23] =	ssyncset.done $0x0  }
0x2f: {  	[sflag:s23] =	ssyncadd.s32 $0xFFFFFF80  }
0x30: {  	[tilespmem:s25], [sflag:$0x1] =	stream.indirect.gather [hbm4b:s3+s24], $0x80, s2, s24, $0xb8;
	[tilespmem:$0x1C380] =	vst v63  }
0x31: {  	s19 =	rddreg [dreg:$0x7]  }
0x32: {  	[tilespmem:s26], [sflag:$0x4] =	stream.linear.gather [hbm4b:s19+s2], $0x80, $0x38;
	[tilespmem:$0x1C380] =	vst v63  }
0x33: {  	_ =	swait.ge [sflag:s23], $0x80  }
0x34: {  	[sflag:s23] =	ssyncset.done $0x0  }
0x35: {  	s16 =	rddreg [dreg:$0x8];
	[sflag:s23] =	ssyncadd.s32 $0xFFFFFF80  }
0x36: {  	[tilespmem:s28], [sflag:$0x4] =	stream.linear.gather [hbm4b:s16+s2], $0x80, $0x38;
	[tilespmem:$0x1C380] =	vst v63  }
0x37: {  	_ =	swait.ge [sflag:s23], $0x80  }
0x38: {  	[sflag:s23] =	ssyncset.done $0x0  }
0x39: {  	[sflag:s23] =	ssyncadd.s32 $0xFFFFFF80  }
0x3a: {  	[tilespmem:s29], [sflag:$0x2] =	stream.indirect.gather [hbm4b:s3+s24], $0x80, s26, s24, $0xb8;
	[tilespmem:$0x1C380] =	vst v63  }
0x3b: {  	_ =	swait.ge [sflag:s30], $0x4000  }
0x3c: {  	[sflag:s30] =	ssyncset.done $0x0  }
0x3d: {  	[sflag:s30] =	ssyncadd.s32 $0xFFFFC000  }
0x3e: {  	[spmem:s1] =	stream.indirect.scatter.add.f32 [tilespmem:s25], [sflag:$0x4], $0x80, s24, s24, $0xb8;
	[tilespmem:$0x1C380] =	vst v63  }
0x3f: {  	_ =	swait.ge [sflag:s23], $0x4000  }
0x40: {  	s17 =	sshrl.u32 s22, $0x3;
	[sflag:s23] =	ssyncset.done $0x0  }
0x41: {  	s16 =	sadd.s32 s5, s17;
	[sflag:s23] =	ssyncadd.s32 $0xFFFFC000  }
0x42: {  	[tilespmem:s2], [sflag:$0x4] =	stream.linear.gather [hbm4b:s16+s2], $0x80, $0x38;
	[tilespmem:$0x1C380] =	vst v63  }
0x43: {  	_ =	swait.ge [sflag:s23], $0x80  }
0x44: {  	[sflag:s23] =	ssyncset.done $0x0  }
0x45: {  	s15 =	sadd.s32 s6, s17;
	[sflag:s23] =	ssyncadd.s32 $0xFFFFFF80  }
0x46: {  	[tilespmem:s24], [sflag:$0x4] =	stream.linear.gather [hbm4b:s15+s2], $0x80, $0x38;
	[tilespmem:$0x1C380] =	vst v63  }
0x47: {  	_ =	swait.ge [sflag:s23], $0x80  }
0x48: {  	[sflag:s23] =	ssyncset.done $0x0  }
0x49: {  	[sflag:s23] =	ssyncadd.s32 $0xFFFFFF80  }
0x4a: {  	[tilespmem:s25], [sflag:$0x1] =	stream.indirect.gather [hbm4b:s3+s24], $0x80, s2, s24, $0xb8;
	[tilespmem:$0x1C380] =	vst v63  }
0x4b: {  	_ =	swait.ge [sflag:s31], $0x4000  }
0x4c: {  	[sflag:s31] =	ssyncset.done $0x0  }
0x4d: {  	[sflag:s31] =	ssyncadd.s32 $0xFFFFC000  }
0x4e: {  	[spmem:s1] =	stream.indirect.scatter.add.f32 [tilespmem:s29], [sflag:$0x4], $0x80, s28, s24, $0xb8;
	[tilespmem:$0x1C380] =	vst v63  }
0x4f: {  	_ =	swait.ge [sflag:s23], $0x4000  }
0x50: {  	[sflag:s23] =	ssyncset.done $0x0  }
0x51: {  	s18 =	sadd.s32 $0x0, s21;
	[sflag:s23] =	ssyncadd.s32 $0xFFFFC000  }
0x52: {  	[tilespmem:s26], [sflag:$0x4] =	stream.linear.gather [hbm4b:s18+s2], $0x80, $0x38;
	[tilespmem:$0x1C380] =	vst v63  }
0x53: {  	_ =	swait.ge [sflag:s23], $0x80  }
0x54: {  	[sflag:s23] =	ssyncset.done $0x0  }
0x55: {  	s19 =	sadd.s32 $0x0, s20;
	[sflag:s23] =	ssyncadd.s32 $0xFFFFFF80  }
0x56: {  	[tilespmem:s28], [sflag:$0x4] =	stream.linear.gather [hbm4b:s19+s2], $0x80, $0x38;
	[tilespmem:$0x1C380] =	vst v63  }
0x57: {  	_ =	swait.ge [sflag:s23], $0x80  }
0x58: {  	[sflag:s23] =	ssyncset.done $0x0  }
0x59: {  	s16 =	sadd.s32 $0x100, s22;
	s15 =	simm.s32 $0x20;
	[sflag:s23] =	ssyncadd.s32 $0xFFFFFF80  }
.LBB2_2:
0x5a: {  	[tilespmem:s29], [sflag:$0x2] =	stream.indirect.gather [hbm4b:s3+s24], $0x80, s26, s24, $0xb8;
	[tilespmem:$0x1C380] =	vst v63  }
0x5b: {  	s17 =	smov.u32 s15  }
0x5c: {  	p1 =	sne.s32 s15, $0x4A0;
	s15 =	sadd.s32 $0x20, s15;
	_ =	swait.ge [sflag:s30], $0x4000  }
0x5d: {  	[sflag:s30] =	ssyncset.done $0x0  }
0x5e: {  	[sflag:s30] =	ssyncadd.s32 $0xFFFFC000  }
0x5f: {  	[spmem:s1] =	stream.indirect.scatter.add.f32 [tilespmem:s25], [sflag:$0x4], $0x80, s24, s24, $0xb8;
	[tilespmem:$0x1C380] =	vst v63  }
0x60: {  	_ =	swait.ge [sflag:s23], $0x4000  }
0x61: {  	s18 =	sshrl.u32 s16, $0x3;
	[sflag:s23] =	ssyncset.done $0x0  }
0x62: {  	s19 =	sadd.s32 s5, s18;
	[sflag:s23] =	ssyncadd.s32 $0xFFFFC000  }
0x63: {  	[tilespmem:s2], [sflag:$0x4] =	stream.linear.gather [hbm4b:s19+s2], $0x80, $0x38;
	[tilespmem:$0x1C380] =	vst v63  }
0x64: {  	_ =	swait.ge [sflag:s23], $0x80  }
0x65: {  	[sflag:s23] =	ssyncset.done $0x0  }
0x66: {  	s18 =	sadd.s32 s6, s18;
	[sflag:s23] =	ssyncadd.s32 $0xFFFFFF80  }
0x67: {  	[tilespmem:s24], [sflag:$0x4] =	stream.linear.gather [hbm4b:s18+s2], $0x80, $0x38;
	[tilespmem:$0x1C380] =	vst v63  }
0x68: {  	_ =	swait.ge [sflag:s23], $0x80  }
0x69: {  	[sflag:s23] =	ssyncset.done $0x0  }
0x6a: {  	[sflag:s23] =	ssyncadd.s32 $0xFFFFFF80  }
0x6b: {  	[tilespmem:s25], [sflag:$0x1] =	stream.indirect.gather [hbm4b:s3+s24], $0x80, s2, s24, $0xb8;
	[tilespmem:$0x1C380] =	vst v63  }
0x6c: {  	_ =	swait.ge [sflag:s31], $0x4000  }
0x6d: {  	[sflag:s31] =	ssyncset.done $0x0  }
0x6e: {  	[sflag:s31] =	ssyncadd.s32 $0xFFFFC000  }
0x6f: {  	[spmem:s1] =	stream.indirect.scatter.add.f32 [tilespmem:s29], [sflag:$0x4], $0x80, s28, s24, $0xb8;
	[tilespmem:$0x1C380] =	vst v63  }
0x70: {  	_ =	swait.ge [sflag:s23], $0x4000  }
0x71: {  	[sflag:s23] =	ssyncset.done $0x0  }
0x72: {  	s18 =	sadd.s32 s17, s21;
	[sflag:s23] =	ssyncadd.s32 $0xFFFFC000  }
0x73: {  	[tilespmem:s26], [sflag:$0x4] =	stream.linear.gather [hbm4b:s18+s2], $0x80, $0x38;
	[tilespmem:$0x1C380] =	vst v63  }
0x74: {  	_ =	swait.ge [sflag:s23], $0x80  }
0x75: {  	[sflag:s23] =	ssyncset.done $0x0  }
.Ltmp0:
0x76: {  	s17 =	sadd.s32 s17, s20;
	[sflag:s23] =	ssyncadd.s32 $0xFFFFFF80;
	(pc) =	sbr.rel @p1 .LBB2_2-.Ltmp0, $4  }
0x77: {  	[tilespmem:s28], [sflag:$0x4] =	stream.linear.gather [hbm4b:s17+s2], $0x80, $0x38;
	[tilespmem:$0x1C380] =	vst v63  }
0x78: {  	_ =	swait.ge [sflag:s23], $0x80  }
0x79: {  	[sflag:s23] =	ssyncset.done $0x0  }
0x7a: {  	s16 =	sadd.s32 $0x100, s16;
	[sflag:s23] =	ssyncadd.s32 $0xFFFFFF80  }
0x7b: {  	[tilespmem:s29], [sflag:$0x2] =	stream.indirect.gather [hbm4b:s3+s24], $0x80, s26, s24, $0xb8;
	[tilespmem:$0x1C380] =	vst v63  }
0x7c: {  	_ =	swait.ge [sflag:s30], $0x4000  }
0x7d: {  	[sflag:s30] =	ssyncset.done $0x0  }
0x7e: {  	[sflag:s30] =	ssyncadd.s32 $0xFFFFC000  }
0x7f: {  	[spmem:s1] =	stream.indirect.scatter.add.f32 [tilespmem:s25], [sflag:$0x4], $0x80, s24, s24, $0xb8;
	[tilespmem:$0x1C380] =	vst v63  }
0x80: {  	_ =	swait.ge [sflag:s23], $0x4000  }
0x81: {  	[sflag:s23] =	ssyncset.done $0x0  }
0x82: {  	[sflag:s23] =	ssyncadd.s32 $0xFFFFC000  }
0x83: {  	_ =	swait.ge [sflag:s31], $0x4000  }
0x84: {  	[sflag:s31] =	ssyncset.done $0x0  }
0x85: {  	[sflag:s31] =	ssyncadd.s32 $0xFFFFC000  }
0x86: {  	[spmem:s1] =	stream.indirect.scatter.add.f32 [tilespmem:s29], [sflag:$0x4], $0x80, s28, s24, $0xb8;
	[tilespmem:$0x1C380] =	vst v63  }
0x87: {  	_ =	swait.ge [sflag:s23], $0x4000  }
0x88: {  	[sflag:s23] =	ssyncset.done $0x0  }
0x89: {  	s15 =	rddreg [dreg:$0x9];
	[sflag:s23] =	ssyncadd.s32 $0xFFFFC000  }
0x8a: {  	[tilespmem:s0], [sflag:$0x4] =	stream.linear.gather [hbm4b:s15+s2], $0x10, $0x38;
	[tilespmem:$0x1C380] =	vst v63  }
0x8b: {  	_ =	swait.ge [sflag:s23], $0x10  }
0x8c: {  	[sflag:s23] =	ssyncset.done $0x0  }
0x8d: {  	s17 =	rddreg [dreg:$0xa];
	[sflag:s23] =	ssyncadd.s32 $0xFFFFFFF0  }
0x8e: {  	[tilespmem:s4], [sflag:$0x4] =	stream.linear.gather [hbm4b:s17+s2], $0x10, $0x38;
	[tilespmem:$0x1C380] =	vst v63  }
0x8f: {  	_ =	swait.ge [sflag:s23], $0x10  }
0x90: {  	[sflag:s23] =	ssyncset.done $0x0  }
0x91: {  	[sflag:s23] =	ssyncadd.s32 $0xFFFFFFF0  }
0x92: {  	[tilespmem:s10], [sflag:$0x3] =	stream.indirect.gather [hbm4b:s3+s8], $0x80, s0, s8, $0xb8;
	[tilespmem:$0x1C380] =	vst v63  }
0x93: {  	_ =	swait.ge [sflag:s11], $0x800  }
0x94: {  	[sflag:s11] =	ssyncset.done $0x0  }
0x95: {  	[sflag:s11] =	ssyncadd.s32 $0xFFFFF800  }
0x96: {  	[spmem:s1] =	stream.indirect.scatter.add.f32 [tilespmem:s10], [sflag:$0x4], $0x80, s4, s8, $0xb8;
	[tilespmem:$0x1C380] =	vst v63  }
0x97: {  	_ =	swait.ge [sflag:s23], $0x800  }
0x98: {  	[sflag:s23] =	ssyncset.done $0x0  }
0x99: {  	[sflag:s23] =	ssyncadd.s32 $0xFFFFF800  }
0x9a: {  	[bflag:$0x0] =	sbarrier.arrive $0xFFFF  }
0x9b: {  	s18 =	rddreg [dreg:$0xb]  }
0x9c: {  	[hbm:s18], [sflag:s9] =	dma.local [spmem:s13], $0x2700  }
0x9d: {  	_ =	swait.ge [sflag:s23], $0x2700  }
0x9e: {  	[sflag:s23] =	ssyncset.done $0x0  }
0x9f: {  	s13 =	rddreg [dreg:$0xc];
	[sflag:s23] =	ssyncadd.s32 $0xFFFFD900  }
0xa0: {  	[hbm:s13], [sflag:s9] =	dma.local @!p0 [spmem:s14], $0x100  }
0xa1: {  	s13 =	simm.s32 @!p0 $0x4  }
0xa2: {  	_ =	swait.ge @!p0 [sflag:s13], $0x100  }
0xa3: {  	s12 =	sadd.s32 $0x1, s12;
	s19 =	rddreg [dreg:$0xd]  }
0xa4: {  	p1 =	sne.s32 s12, s19  }
.Ltmp1:
0xa5: {  	_ = 	snop;
	(pc) =	sbr.rel @p1 .LBB2_1-.Ltmp1, $3  }
0xa6: {  	_ =	sdelay $0x1  }
0xa7: {  	[sflag:s13] =	ssyncset.done @!p0 $0x0  }
0xa8: {  	[sflag:s13] =	ssyncadd.s32 @!p0 $0xFFFFFF00  }
0xa9: {  	_ =	sfence.sel $0x180000  }
0xaa: {  	[bflag:$0x0] =	sbarrier.arrive $0xFFFF  }
0xab: {  	_ =	strace $0x9000004D  }
0xac: {  	s0 =	stileid.u32;
	[bflag:$0x2] =	sbarrier.arrive $0xFFFF  }
0xad: {  	p0 =	sne.s32 s0, $0x0;
	s0 =	rddreg [dreg:$0x2]  }
0xae: {  	s0 =	sadd.s32 @!p0 $0x100000, s0  }
0xaf: {  	[sflag:s0] =	ssyncadd.tile.s32 @!p0 $0x1;
	_ =	shalt  }
.Lfunc_end2:
_tile_overlayer_lowered:
.L_overlay_start_2:
0xb0: {  	(tag) =	ssettag $0x2  }
0xb1: {  	s0 =	rddreg [dreg:$0x0];
	s2 =	stileid.u32  }
0xb2: {  	s1 =	rddreg [dreg:$0x1];
	p0 =	sne.s32 s2, $0x0  }
0xb3: {  	s3 =	rddreg [dreg:$0x2];
	[bflag:$0x3] =	sbarrier.arrive $0xFFFF;
	s2 =	simm.s32 @!p0 $0x1C04  }
0xb4: {  	[timem:s3], [sflag:s2] =	dma.local @!p0 [hbm:s0], s1  }
0xb5: {  	s0 =	simm.s32 @!p0 $0x4  }
0xb6: {  	_ =	swait.ge @!p0 [sflag:s0], s1  }
0xb7: {  	s1 =	ssub.s32 @!p0 $0x0, s1;
	[sflag:s0] =	ssyncset.done @!p0 $0x0  }
0xb8: {  	[sflag:s0] =	ssyncadd.s32 @!p0 s1  }
0xb9: {  	[bflag:$0x3] =	sbarrier.arrive $0xFFFF  }
0xba: {  	_ =	shalt  }

// kernel: kernel.9.cloned.1.call-start
scs
__scs_entry_jumppad:
0x0: {  	(pc) =	sbr.rel $0x88, $3  }
0x1: {  	(tag) =	ssettag $0x0;
	lr =	simm.s32 $0x1  }
0x2: {  	[smem:$0x3F8F] =	sst lr;
	_ =	strace $0xD0000000  }
0x3: {  	_ = 	snop  }
0x4: {  	_ = 	snop  }
0x5: {  	_ = 	snop  }
0x6: {  	_ = 	snop  }
0x7: {  	_ = 	snop  }
__scs_overlays_trampoline_lowered:
0x8: {  	[smem:$0x3F9E] =	sst s0  }
0x9: {  	[smem:$0x3F9F] =	sst s1  }
0xa: {  	[smem:$0x3FA0] =	sst s2  }
0xb: {  	[smem:$0x3FA1] =	sst s3  }
0xc: {  	[smem:$0x3FA2] =	sst s4  }
0xd: {  	[smem:$0x3FA3] =	sst s5  }
0xe: {  	[smem:$0x3FA4] =	sst s6  }
0xf: {  	[smem:$0x3FA5] =	sst s7  }
0x10: {  	[smem:$0x3FA6] =	sst s8  }
0x11: {  	[smem:$0x3FA7] =	sst s9;
	s0 =	simm.s32 @!p0 $0x0  }
0x12: {  	s1 =	sld [smem:$0x3F8D];
	s0 =	simm.s32 @p0 $0x1  }
0x13: {  	[smem:$0x3FA8] =	sst s0;
	s0 =	simm.s32 @!p1 $0x0  }
0x14: {  	s2 =	sld [smem:$0x3F8C];
	s0 =	simm.s32 @p1 $0x1  }
0x15: {  	[smem:$0x3FA9] =	sst s0;
	s0 =	simm.s32 @!p2 $0x0  }
0x16: {  	s3 =	sld [smem:$0x3FDB];
	s0 =	simm.s32 @p2 $0x1  }
0x17: {  	s4 =	simm.s32 $0x1BF5;
	[smem:$0x3FAB] =	sst s0  }
0x18: {  	s0 =	sld [smem:$0x3F8E];
	_ =	swait.ge [sflag:s4], $0x0  }
0x19: {  	s7 =	sld [smem:$0x3F8F]  }
0x1a: {  	s8 =	sadd.s32 $0xFFFFE003, lr  }
0x1b: {  	s9 =	sadd.s32 $0xFFFFFEF7, lr;
	s5 =	simm.s32 $0xFFFFFFFF;
	p2 =	slt.u32 s8, $0xFFFFF086  }
0x1c: {  	p1 =	slt.u32 s9, $0xF7A;
	s5 =	simm.s32 @!p2 $0x0  }
0x1d: {  	s5 =	simm.s32 @p1 $0x1;
	p0 =	seq.s32 s7, s2  }
0x1e: {  	s7 =	smul.u32 @!p0 $0xF7A, s2;
	p2 =	seq.s32 @!p0 s5, $0x0  }
0x1f: {  	s9 =	smul.u32 $0xF7A, s1;
	s8 =	simm.s32 @!p0 $0x1BF5;
	p2 =	por !p2, p0  }
0x20: {  	[sflag:s8] =	ssyncset.s32 @!p0 $0xFFFFF086;
	s6 =	sadd.s32 @!p0 s3, s7;
	s7 =	simm.s32 @!p0 $0x108  }
0x21: {  	s3 =	sadd.s32 s3, s9;
	s6 =	sadd.s32 @!p0 $0x88, s6;
	s7 =	simm.s32 @p2 $0x1082  }
0x22: {  	[simem:s7], [sflag:s8] =	dma.local @!p0 [hbm:s6], $0xF7A  }
0x23: {  	s9 =	sor.u32 $0xD0000000, s2;
	s6 =	simm.s32 $0x108;
	_ =	swait.ge @!p0 [sflag:s8], $0x0  }
0x24: {  	s3 =	sadd.s32 $0x88, s3;
	s6 =	simm.s32 @!p1 $0x1082;
	[sflag:s4] =	ssyncset.s32 $0xFFFFF086  }
0x25: {  	[simem:s6], [sflag:s4] =	dma.local [hbm:s3], $0xF7A  }
0x26: {  	[smem:$0x3F8F] =	sst s1;
	(tag) =	ssettag s2;
	_ =	strace s9  }
0x27: {  	s1 =	sld [smem:$0x3F9F]  }
0x28: {  	s2 =	sld [smem:$0x3FA0]  }
0x29: {  	s4 =	sld [smem:$0x3FA2]  }
0x2a: {  	p0 =	seq.s32 s5, $0x0;
	s5 =	sld [smem:$0x3FA3]  }
0x2b: {  	s6 =	sld [smem:$0x3FA4]  }
0x2c: {  	s7 =	sld [smem:$0x3FA5]  }
0x2d: {  	s3 =	simm.s32 $0x108;
	s8 =	sld [smem:$0x3FA6]  }
0x2e: {  	s3 =	simm.s32 @!p0 $0x1082;
	s9 =	sld [smem:$0x3FA7]  }
0x2f: {  	lr =	sadd.s32 s0, s3;
	s0 =	sld [smem:$0x3F9E]  }
0x30: {  	s3 =	sld [smem:$0x3FA1]  }
0x31: {  	[smem:$0x3FAA] =	sst s10  }
0x32: {  	s10 =	sld [smem:$0x3FA8];
	_ =	sdelay $0x3  }
0x33: {  	p0 =	seq.s32 s10, $0x1;
	s10 =	sld [smem:$0x3FAA];
	_ =	sdelay $0x3  }
0x34: {  	[smem:$0x3FAA] =	sst s10  }
0x35: {  	s10 =	sld [smem:$0x3FA9];
	_ =	sdelay $0x3  }
0x36: {  	p1 =	seq.s32 s10, $0x1;
	s10 =	sld [smem:$0x3FAA];
	_ =	sdelay $0x3  }
0x37: {  	[smem:$0x3FAA] =	sst s10  }
0x38: {  	s10 =	sld [smem:$0x3FAB]  }
0x39: {  	_ = 	snop;
	(pc) =	sbr.ind lr, $3  }
0x3a: {  	_ = 	snop  }
0x3b: {  	_ = 	snop  }
0x3c: {  	p2 =	seq.s32 s10, $0x1;
	s10 =	sld [smem:$0x3FAA]  }
0x3d: {  	_ =	shalt  }
0x3e: {  	_ =	shalt  }
0x3f: {  	_ =	shalt  }
0x40: {  	_ =	shalt  }
0x41: {  	_ =	shalt  }
0x42: {  	_ =	shalt  }
0x43: {  	_ =	shalt  }
0x44: {  	_ =	shalt  }
0x45: {  	_ =	shalt  }
0x46: {  	_ =	shalt  }
0x47: {  	_ =	shalt  }
0x48: {  	_ =	shalt  }
0x49: {  	_ =	shalt  }
0x4a: {  	_ =	shalt  }
0x4b: {  	_ =	shalt  }
0x4c: {  	_ =	shalt  }
0x4d: {  	_ =	shalt  }
0x4e: {  	_ =	shalt  }
0x4f: {  	_ =	shalt  }
0x50: {  	_ =	shalt  }
0x51: {  	_ =	shalt  }
0x52: {  	_ =	shalt  }
0x53: {  	_ =	shalt  }
0x54: {  	_ =	shalt  }
0x55: {  	_ =	shalt  }
0x56: {  	_ =	shalt  }
0x57: {  	_ =	shalt  }
0x58: {  	_ =	shalt  }
0x59: {  	_ =	shalt  }
0x5a: {  	_ =	shalt  }
0x5b: {  	_ =	shalt  }
0x5c: {  	_ =	shalt  }
0x5d: {  	_ =	shalt  }
0x5e: {  	_ =	shalt  }
0x5f: {  	_ =	shalt  }
0x60: {  	_ =	shalt  }
0x61: {  	_ =	shalt  }
0x62: {  	_ =	shalt  }
0x63: {  	_ =	shalt  }
0x64: {  	_ =	shalt  }
0x65: {  	_ =	shalt  }
0x66: {  	_ =	shalt  }
0x67: {  	_ =	shalt  }
0x68: {  	_ =	shalt  }
0x69: {  	_ =	shalt  }
0x6a: {  	_ =	shalt  }
0x6b: {  	_ =	shalt  }
0x6c: {  	_ =	shalt  }
0x6d: {  	_ =	shalt  }
0x6e: {  	_ =	shalt  }
0x6f: {  	_ =	shalt  }
0x70: {  	_ =	shalt  }
0x71: {  	_ =	shalt  }
0x72: {  	_ =	shalt  }
0x73: {  	_ =	shalt  }
0x74: {  	_ =	shalt  }
0x75: {  	_ =	shalt  }
0x76: {  	_ =	shalt  }
0x77: {  	_ =	shalt  }
0x78: {  	_ =	shalt  }
0x79: {  	_ =	shalt  }
0x7a: {  	_ =	shalt  }
0x7b: {  	_ =	shalt  }
0x7c: {  	_ =	shalt  }
0x7d: {  	_ =	shalt  }
0x7e: {  	_ =	shalt  }
0x7f: {  	_ =	shalt  }
0x80: {  	_ =	shalt  }
0x81: {  	_ =	shalt  }
0x82: {  	_ =	shalt  }
0x83: {  	_ =	shalt  }
0x84: {  	_ =	shalt  }
0x85: {  	_ =	shalt  }
0x86: {  	_ =	shalt  }
0x87: {  	_ =	shalt  }
.Lfunc_end0:
.L_simem_size_0:
called_computation_lowered:
.L_overlay_start_0:
0x88: {  	s2 =	sld [smem:$0x3FD9]  }
0x89: {  	s3 =	sld [smem:$0x3FFE];
	_ =	sdelay $0x1  }
0x8a: {  	s1 =	srdreg.scid  }
0x8b: {  	s0 =	sand.u32 $0x1, s1  }
0x8c: {  	s17 =	sshll.u32 s0, $0xA;
	s2 =	sadd.s32 s3, s2  }
0x8d: {  	s2 =	sadd.s32 s2, s17  }
0x8e: {  	[smem:$0x3FB6] =	sst s2  }
0x8f: {  	_ = 	snop  }
0x90: {  	s2 =	sld [smem:$0x3FC9];
	(tm) =	ssettm $0x1  }
0x91: {  	s18 =	sld [smem:$0x3FFB];
	_ =	sdelay $0x3  }
0x92: {  	_ =	strace s18  }
0x93: {  	s3 =	sld [smem:$0x3FFC];
	_ =	sdelay $0x3  }
0x94: {  	_ =	strace s3  }
0x95: {  	s3 =	sld [smem:$0x3FFD];
	_ =	sdelay $0x3  }
0x96: {  	_ =	strace s3  }
0x97: {  	_ =	strace $0x8FFFFFFF  }
0x98: {  	s19 =	sld [smem:$0x3FDB];
	_ =	sdelay $0x1  }
0x99: {  	s4 =	simm.s32 $_scs_section_size  }
0x9a: {  	s5 =	simm.s32 $_size__tile_overlayer_lowered;
	s6 =	simm.s32 $_tile_overlayer_lowered  }
0x9b: {  	s22 =	simm.s32 $0x1BFF;
	s21 =	sshll.u32 s6, $0x1;
	s3 =	sadd.s32 s4, s19  }
0x9c: {  	s7 =	simm.s32 $0x0;
	s20 =	sshll.u32 s5, $0x1;
	s5 =	sadd.s32 s21, s3  }
0x9d: {  	[timem:s7], [sflag:s22] =	dma.local [hbm:s5], s20  }
0x9e: {  	_ =	swait.ge [sflag:s22], s20  }
0x9f: {  	s4 =	ssub.s32 $0x0, s20;
	[sflag:s22] =	ssyncset.done $0x0  }
0xa0: {  	[sflag:s22] =	ssyncadd.s32 s4;
	_ =	sdelay $0x1  }
0xa1: {  	s23 =	simm.s32 $0x1B8B  }
0xa2: {  	_ =	swait.ge [sflag:s23], $0x1  }
0xa3: {  	[sflag:s23] =	ssyncset.done $0x0  }
0xa4: {  	s25 =	simm.s32 $0x1B8E;
	s24 =	sld [smem:$0x3FFE];
	[sflag:s23] =	ssyncadd.s32 $0xFFFFFFFF  }
0xa5: {  	s26 =	simm.s32 $execute0_lowered;
	[smem:$0x3FD2] =	sst s25  }
0xa6: {  	s5 =	sshll.u32 s26, $0x1;
	_ =	strace $0x80000046;
	[dreg:$0x1] =	wrdreg $0xFFFFFFFF  }
0xa7: {  	s28 =	simm.s32 $_size_execute0_lowered;
	s3 =	sadd.s32 s3, s5;
	[dreg:$0x0] =	wrdreg $0x0  }
0xa8: {  	s5 =	sshll.u32 s28, $0x1;
	[dreg:$0x2] =	wrdreg s3  }
0xa9: {  	[dreg:$0x3] =	wrdreg s5  }
0xaa: {  	[dreg:$0x4] =	wrdreg $0xC0  }
0xab: {  	_ =	task [dreg:s7], $0x5FFFF  }
0xac: {  	[dreg:$0x1] =	wrdreg $0xFFFFFFFF  }
0xad: {  	[dreg:$0x0] =	wrdreg $0x60  }
0xae: {  	[dreg:$0x2] =	wrdreg s2  }
0xaf: {  	[dreg:$0x3] =	wrdreg s24  }
0xb0: {  	[dreg:$0x4] =	wrdreg $0x8B000  }
0xb1: {  	[dreg:$0x5] =	wrdreg $0x9  }
0xb2: {  	_ =	task.clear_ibuf [dreg:s7], $0x6FFFF;
	_ =	strace $0x90000046  }
0xb3: {  	s29 =	simm.s32 $0x9;
	_ =	strace $0x80000048  }
0xb4: {  	_ =	swait.ge [sflag:s29], $0x1  }
0xb5: {  	[sflag:s29] =	ssyncadd.s32 $0xFFFFFFFF  }
0xb6: {  	_ =	strace $0x90000048  }
0xb7: {  	_ =	sfence  }
0xb8: {  	s30 =	sld [smem:$0x0];
	_ =	sdelay $0x2  }
0xb9: {  	s31 =	sshll.u32 s1, $0xD;
	s1 =	sshrl.u32 s1, $0x2  }
0xba: {  	s3 =	sand.u32 $0x4000, s31;
	s1 =	sadd.s32 s1, s30  }
0xbb: {  	s0 =	sor.u32 s3, s0;
	s1 =	sshll.u32 s1, $0x11  }
0xbc: {  	s0 =	sor.u32 s1, s0  }
0xbd: {  	s0 =	sadd.s32 $0x8F2B, s0  }
0xbe: {  	[sflag:s0] =	ssyncadd.remote.s32 $0x1  }
0xbf: {  	_ =	sfence.sel $0xFFFF  }
0xc0: {  	[dreg:$0x0] =	wrdreg $0xFFFFFFFF;
	(pc) =	sbr.abs _section_cstart, $3  }
0xc1: {  	[dreg:$0x1] =	wrdreg $0xFFFFFFFF  }
0xc2: {  	_ =	task.clear_ibuf [dreg:s7], $0x2FFFF;
	_ =	strace $0x9FFFFFFF  }
0xc3: {  	(tm) =	ssettm $0x7FFFFFFF  }
tec
execute0_lowered:
.L_overlay_start_1:
0x0: {  	(tag) =	ssettag $0x1  }
0x1: {  	s1 =	rddreg [dreg:$0x0]  }
0x2: {  	s0 =	rddreg [dreg:$0x1]  }
0x3: {  	s2 =	rddreg [dreg:$0x2];
	s3 =	simm.s32 $0x0;
	s4 =	srdreg.scid  }
0x4: {  	s15 =	stileid.u32;
	s28 =	simm.s32 $0x4180;
	s29 =	simm.s32 $0x4200  }
0x5: {  	s30 =	simm.s32 $0x1;
	s31 =	simm.s32 $0x2;
	[smem:$0x7FF] =	sst s3  }
0x6: {  	s5 =	sadd.s32 $0xDC00, s0;
	s6 =	sadd.s32 $0x3E00, s0;
	s7 =	sadd.s32 $0x17A00, s0  }
0x7: {  	s4 =	sand.u32 $0x1, s4;
	s9 =	sshll.u32 s15, $0x1;
	s10 =	smul.u32 $0x4E000, s15  }
0x8: {  	s0 =	sadd.s32 $0x1A200, s0;
	s12 =	sshll.u32 s15, $0x6;
	s19 =	smul.u32 $0x13800, s15  }
0x9: {  	s21 =	smul.u32 $0x4E20, s15;
	p0 =	sne.s32 s15, $0xF;
	_ =	strace $0x80000047  }
0xa: {  	s8 =	ssub.s32 $0x2, s4;
	s9 =	sor.u32 s4, s9;
	s16 =	smul.u32 $0x138800, s4  }
0xb: {  	s4 =	smul.u32 $0x2710, s4;
	s11 =	sshrl.u32 s8, $0x1;
	s10 =	sshrl.u32 s10, $0x2  }
0xc: {  	s13 =	smul.u32 $0x2710, s9;
	s9 =	sor.u32 $0x1C04, s12;
	s12 =	sadd.s32 $0x138000, s2  }
0xd: {  	s8 =	ssub.s32 s8, s11;
	s11 =	sadd.s32 s10, s2;
	[dreg:$0x5] =	wrdreg s12  }
0xe: {  	s23 =	sadd.s32 s19, s16;
	s4 =	sadd.s32 s4, s21;
	[dreg:$0x4] =	wrdreg s11  }
0xf: {  	s13 =	sshrl.u32 s13, $0x3;
	s11 =	sshrl.u32 s16, $0x3;
	s25 =	smax.u32 s8, $0x1  }
0x10: {  	s24 =	sadd.s32 $0x180, s4;
	s17 =	sadd.s32 s5, s13;
	[dreg:$0xe] =	wrdreg s25  }
0x11: {  	s18 =	sadd.s32 $0x10, s13;
	s14 =	sadd.s32 s6, s13;
	[dreg:$0x6] =	wrdreg s17  }
0x12: {  	s8 =	simm.s32 $0x10;
	[dreg:$0x7] =	wrdreg s14;
	s20 =	sadd.s32 s5, s18  }
0x13: {  	s10 =	sadd.s32 $0x4E0, s13;
	s12 =	sadd.s32 s6, s18;
	[dreg:$0x8] =	wrdreg s20  }
0x14: {  	s26 =	sshrl.u32 s24, $0x3;
	s22 =	sadd.s32 s5, s10;
	[dreg:$0x9] =	wrdreg s12  }
0x15: {  	s24 =	simm.s32 $0x80;
	s10 =	sadd.s32 s6, s10;
	[dreg:$0xa] =	wrdreg s22  }
0x16: {  	s25 =	simm.s32 $0x100;
	s21 =	sadd.s32 s26, s5;
	[dreg:$0xb] =	wrdreg s10  }
0x17: {  	s10 =	sshrl.u32 s23, $0x3;
	s20 =	sadd.s32 s26, s6;
	s22 =	sadd.s32 $0x100, s4  }
0x18: {  	s23 =	simm.s32 $0x4;
	s26 =	simm.s32 $0x4100;
	s4 =	simm.s32 $0x8280  }
0x19: {  	s12 =	simm.s32 $0x0;
	s10 =	sadd.s32 s0, s10;
	s0 =	sadd.s32 s0, s11  }
0x1a: {  	s11 =	simm.s32 $0x3;
	[dreg:$0xc] =	wrdreg s10;
	s0 =	sadd.s32 $0x27000, s0  }
0x1b: {  	s10 =	simm.s32 $0x8300;
	[dreg:$0xd] =	wrdreg s0;
	s0 =	simm.s32 $0x8200  }
.LBB2_1:
0x1c: {  	s13 =	rddreg [dreg:$0x4]  }
0x1d: {  	s13 =	sshrl.u32 s13, $0x3  }
0x1e: {  	[spmem:s13], [sflag:s9] =	dma.local [hbm:s7], $0x2700  }
0x1f: {  	_ =	swait.ge [sflag:s23], $0x2700  }
0x20: {  	[sflag:s23] =	ssyncset.done $0x0;
	s14 =	rddreg [dreg:$0x5]  }
0x21: {  	s15 =	simm.s32 @!p0 $0x4;
	[sflag:s23] =	ssyncadd.s32 $0xFFFFD900;
	s14 =	sshrl.u32 @!p0 s14, $0x3  }
0x22: {  	[spmem:s14], [sflag:s9] =	dma.local @!p0 [hbm:s7], $0x100  }
0x23: {  	_ =	swait.ge @!p0 [sflag:s15], $0x100  }
0x24: {  	[sflag:s15] =	ssyncset.done @!p0 $0x0  }
0x25: {  	[sflag:s15] =	ssyncadd.s32 @!p0 $0xFFFFFF00  }
0x26: {  	[bflag:$0x0] =	sbarrier.arrive $0xFFFF  }
0x27: {  	s17 =	rddreg [dreg:$0x6]  }
0x28: {  	[tilespmem:s3], [sflag:$0x4] =	stream.linear.gather [hbm4b:s17+s3], $0x80, $0x38;
	[tilespmem:$0x1C380] =	vst v63  }
0x29: {  	_ =	swait.ge [sflag:s23], $0x80  }
0x2a: {  	[sflag:s23] =	ssyncset.done $0x0  }
0x2b: {  	s18 =	rddreg [dreg:$0x7];
	[sflag:s23] =	ssyncadd.s32 $0xFFFFFF80  }
0x2c: {  	[tilespmem:s24], [sflag:$0x4] =	stream.linear.gather [hbm4b:s18+s3], $0x80, $0x38;
	[tilespmem:$0x1C380] =	vst v63  }
0x2d: {  	_ =	swait.ge [sflag:s23], $0x80  }
0x2e: {  	[sflag:s23] =	ssyncset.done $0x0  }
0x2f: {  	[sflag:s23] =	ssyncadd.s32 $0xFFFFFF80  }
0x30: {  	[tilespmem:s25], [sflag:$0x1] =	stream.indirect.gather [hbm4b:s1+s24], $0x80, s3, s24, $0xb8;
	[tilespmem:$0x1C380] =	vst v63  }
0x31: {  	s19 =	rddreg [dreg:$0x8]  }
0x32: {  	[tilespmem:s26], [sflag:$0x4] =	stream.linear.gather [hbm4b:s19+s3], $0x80, $0x38;
	[tilespmem:$0x1C380] =	vst v63  }
0x33: {  	_ =	swait.ge [sflag:s23], $0x80  }
0x34: {  	[sflag:s23] =	ssyncset.done $0x0  }
0x35: {  	s16 =	rddreg [dreg:$0x9];
	[sflag:s23] =	ssyncadd.s32 $0xFFFFFF80  }
0x36: {  	[tilespmem:s28], [sflag:$0x4] =	stream.linear.gather [hbm4b:s16+s3], $0x80, $0x38;
	[tilespmem:$0x1C380] =	vst v63  }
0x37: {  	_ =	swait.ge [sflag:s23], $0x80  }
0x38: {  	[sflag:s23] =	ssyncset.done $0x0  }
0x39: {  	[sflag:s23] =	ssyncadd.s32 $0xFFFFFF80  }
0x3a: {  	[tilespmem:s29], [sflag:$0x2] =	stream.indirect.gather [hbm4b:s1+s24], $0x80, s26, s24, $0xb8;
	[tilespmem:$0x1C380] =	vst v63  }
0x3b: {  	_ =	swait.ge [sflag:s30], $0x4000  }
0x3c: {  	[sflag:s30] =	ssyncset.done $0x0  }
0x3d: {  	[sflag:s30] =	ssyncadd.s32 $0xFFFFC000  }
0x3e: {  	[spmem:s2] =	stream.indirect.scatter.add.f32 [tilespmem:s25], [sflag:$0x4], $0x80, s24, s24, $0xb8;
	[tilespmem:$0x1C380] =	vst v63  }
0x3f: {  	_ =	swait.ge [sflag:s23], $0x4000  }
0x40: {  	s17 =	sshrl.u32 s22, $0x3;
	[sflag:s23] =	ssyncset.done $0x0  }
0x41: {  	s16 =	sadd.s32 s5, s17;
	[sflag:s23] =	ssyncadd.s32 $0xFFFFC000  }
0x42: {  	[tilespmem:s3], [sflag:$0x4] =	stream.linear.gather [hbm4b:s16+s3], $0x80, $0x38;
	[tilespmem:$0x1C380] =	vst v63  }
0x43: {  	_ =	swait.ge [sflag:s23], $0x80  }
0x44: {  	[sflag:s23] =	ssyncset.done $0x0  }
0x45: {  	s15 =	sadd.s32 s6, s17;
	[sflag:s23] =	ssyncadd.s32 $0xFFFFFF80  }
0x46: {  	[tilespmem:s24], [sflag:$0x4] =	stream.linear.gather [hbm4b:s15+s3], $0x80, $0x38;
	[tilespmem:$0x1C380] =	vst v63  }
0x47: {  	_ =	swait.ge [sflag:s23], $0x80  }
0x48: {  	[sflag:s23] =	ssyncset.done $0x0  }
0x49: {  	[sflag:s23] =	ssyncadd.s32 $0xFFFFFF80  }
0x4a: {  	[tilespmem:s25], [sflag:$0x1] =	stream.indirect.gather [hbm4b:s1+s24], $0x80, s3, s24, $0xb8;
	[tilespmem:$0x1C380] =	vst v63  }
0x4b: {  	_ =	swait.ge [sflag:s31], $0x4000  }
0x4c: {  	[sflag:s31] =	ssyncset.done $0x0  }
0x4d: {  	[sflag:s31] =	ssyncadd.s32 $0xFFFFC000  }
0x4e: {  	[spmem:s2] =	stream.indirect.scatter.add.f32 [tilespmem:s29], [sflag:$0x4], $0x80, s28, s24, $0xb8;
	[tilespmem:$0x1C380] =	vst v63  }
0x4f: {  	_ =	swait.ge [sflag:s23], $0x4000  }
0x50: {  	[sflag:s23] =	ssyncset.done $0x0  }
0x51: {  	s18 =	sadd.s32 $0x0, s21;
	[sflag:s23] =	ssyncadd.s32 $0xFFFFC000  }
0x52: {  	[tilespmem:s26], [sflag:$0x4] =	stream.linear.gather [hbm4b:s18+s3], $0x80, $0x38;
	[tilespmem:$0x1C380] =	vst v63  }
0x53: {  	_ =	swait.ge [sflag:s23], $0x80  }
0x54: {  	[sflag:s23] =	ssyncset.done $0x0  }
0x55: {  	s19 =	sadd.s32 $0x0, s20;
	[sflag:s23] =	ssyncadd.s32 $0xFFFFFF80  }
0x56: {  	[tilespmem:s28], [sflag:$0x4] =	stream.linear.gather [hbm4b:s19+s3], $0x80, $0x38;
	[tilespmem:$0x1C380] =	vst v63  }
0x57: {  	_ =	swait.ge [sflag:s23], $0x80  }
0x58: {  	[sflag:s23] =	ssyncset.done $0x0  }
0x59: {  	s16 =	sadd.s32 $0x100, s22;
	s15 =	simm.s32 $0x20;
	[sflag:s23] =	ssyncadd.s32 $0xFFFFFF80  }
.LBB2_2:
0x5a: {  	[tilespmem:s29], [sflag:$0x2] =	stream.indirect.gather [hbm4b:s1+s24], $0x80, s26, s24, $0xb8;
	[tilespmem:$0x1C380] =	vst v63  }
0x5b: {  	s17 =	smov.u32 s15  }
0x5c: {  	p1 =	sne.s32 s15, $0x4A0;
	s15 =	sadd.s32 $0x20, s15;
	_ =	swait.ge [sflag:s30], $0x4000  }
0x5d: {  	[sflag:s30] =	ssyncset.done $0x0  }
0x5e: {  	[sflag:s30] =	ssyncadd.s32 $0xFFFFC000  }
0x5f: {  	[spmem:s2] =	stream.indirect.scatter.add.f32 [tilespmem:s25], [sflag:$0x4], $0x80, s24, s24, $0xb8;
	[tilespmem:$0x1C380] =	vst v63  }
0x60: {  	_ =	swait.ge [sflag:s23], $0x4000  }
0x61: {  	s18 =	sshrl.u32 s16, $0x3;
	[sflag:s23] =	ssyncset.done $0x0  }
0x62: {  	s19 =	sadd.s32 s5, s18;
	[sflag:s23] =	ssyncadd.s32 $0xFFFFC000  }
0x63: {  	[tilespmem:s3], [sflag:$0x4] =	stream.linear.gather [hbm4b:s19+s3], $0x80, $0x38;
	[tilespmem:$0x1C380] =	vst v63  }
0x64: {  	_ =	swait.ge [sflag:s23], $0x80  }
0x65: {  	[sflag:s23] =	ssyncset.done $0x0  }
0x66: {  	s18 =	sadd.s32 s6, s18;
	[sflag:s23] =	ssyncadd.s32 $0xFFFFFF80  }
0x67: {  	[tilespmem:s24], [sflag:$0x4] =	stream.linear.gather [hbm4b:s18+s3], $0x80, $0x38;
	[tilespmem:$0x1C380] =	vst v63  }
0x68: {  	_ =	swait.ge [sflag:s23], $0x80  }
0x69: {  	[sflag:s23] =	ssyncset.done $0x0  }
0x6a: {  	[sflag:s23] =	ssyncadd.s32 $0xFFFFFF80  }
0x6b: {  	[tilespmem:s25], [sflag:$0x1] =	stream.indirect.gather [hbm4b:s1+s24], $0x80, s3, s24, $0xb8;
	[tilespmem:$0x1C380] =	vst v63  }
0x6c: {  	_ =	swait.ge [sflag:s31], $0x4000  }
0x6d: {  	[sflag:s31] =	ssyncset.done $0x0  }
0x6e: {  	[sflag:s31] =	ssyncadd.s32 $0xFFFFC000  }
0x6f: {  	[spmem:s2] =	stream.indirect.scatter.add.f32 [tilespmem:s29], [sflag:$0x4], $0x80, s28, s24, $0xb8;
	[tilespmem:$0x1C380] =	vst v63  }
0x70: {  	_ =	swait.ge [sflag:s23], $0x4000  }
0x71: {  	[sflag:s23] =	ssyncset.done $0x0  }
0x72: {  	s18 =	sadd.s32 s17, s21;
	[sflag:s23] =	ssyncadd.s32 $0xFFFFC000  }
0x73: {  	[tilespmem:s26], [sflag:$0x4] =	stream.linear.gather [hbm4b:s18+s3], $0x80, $0x38;
	[tilespmem:$0x1C380] =	vst v63  }
0x74: {  	_ =	swait.ge [sflag:s23], $0x80  }
0x75: {  	[sflag:s23] =	ssyncset.done $0x0  }
.Ltmp0:
0x76: {  	s17 =	sadd.s32 s17, s20;
	[sflag:s23] =	ssyncadd.s32 $0xFFFFFF80;
	(pc) =	sbr.rel @p1 .LBB2_2-.Ltmp0, $4  }
0x77: {  	[tilespmem:s28], [sflag:$0x4] =	stream.linear.gather [hbm4b:s17+s3], $0x80, $0x38;
	[tilespmem:$0x1C380] =	vst v63  }
0x78: {  	_ =	swait.ge [sflag:s23], $0x80  }
0x79: {  	[sflag:s23] =	ssyncset.done $0x0  }
0x7a: {  	s16 =	sadd.s32 $0x100, s16;
	[sflag:s23] =	ssyncadd.s32 $0xFFFFFF80  }
0x7b: {  	[tilespmem:s29], [sflag:$0x2] =	stream.indirect.gather [hbm4b:s1+s24], $0x80, s26, s24, $0xb8;
	[tilespmem:$0x1C380] =	vst v63  }
0x7c: {  	_ =	swait.ge [sflag:s30], $0x4000  }
0x7d: {  	[sflag:s30] =	ssyncset.done $0x0  }
0x7e: {  	[sflag:s30] =	ssyncadd.s32 $0xFFFFC000  }
0x7f: {  	[spmem:s2] =	stream.indirect.scatter.add.f32 [tilespmem:s25], [sflag:$0x4], $0x80, s24, s24, $0xb8;
	[tilespmem:$0x1C380] =	vst v63  }
0x80: {  	_ =	swait.ge [sflag:s23], $0x4000  }
0x81: {  	[sflag:s23] =	ssyncset.done $0x0  }
0x82: {  	[sflag:s23] =	ssyncadd.s32 $0xFFFFC000  }
0x83: {  	_ =	swait.ge [sflag:s31], $0x4000  }
0x84: {  	[sflag:s31] =	ssyncset.done $0x0  }
0x85: {  	[sflag:s31] =	ssyncadd.s32 $0xFFFFC000  }
0x86: {  	[spmem:s2] =	stream.indirect.scatter.add.f32 [tilespmem:s29], [sflag:$0x4], $0x80, s28, s24, $0xb8;
	[tilespmem:$0x1C380] =	vst v63  }
0x87: {  	_ =	swait.ge [sflag:s23], $0x4000  }
0x88: {  	[sflag:s23] =	ssyncset.done $0x0  }
0x89: {  	s15 =	rddreg [dreg:$0xa];
	[sflag:s23] =	ssyncadd.s32 $0xFFFFC000  }
0x8a: {  	[tilespmem:s0], [sflag:$0x4] =	stream.linear.gather [hbm4b:s15+s3], $0x10, $0x38;
	[tilespmem:$0x1C380] =	vst v63  }
0x8b: {  	_ =	swait.ge [sflag:s23], $0x10  }
0x8c: {  	[sflag:s23] =	ssyncset.done $0x0  }
0x8d: {  	s17 =	rddreg [dreg:$0xb];
	[sflag:s23] =	ssyncadd.s32 $0xFFFFFFF0  }
0x8e: {  	[tilespmem:s4], [sflag:$0x4] =	stream.linear.gather [hbm4b:s17+s3], $0x10, $0x38;
	[tilespmem:$0x1C380] =	vst v63  }
0x8f: {  	_ =	swait.ge [sflag:s23], $0x10  }
0x90: {  	[sflag:s23] =	ssyncset.done $0x0  }
0x91: {  	[sflag:s23] =	ssyncadd.s32 $0xFFFFFFF0  }
0x92: {  	[tilespmem:s10], [sflag:$0x3] =	stream.indirect.gather [hbm4b:s1+s8], $0x80, s0, s8, $0xb8;
	[tilespmem:$0x1C380] =	vst v63  }
0x93: {  	_ =	swait.ge [sflag:s11], $0x800  }
0x94: {  	[sflag:s11] =	ssyncset.done $0x0  }
0x95: {  	[sflag:s11] =	ssyncadd.s32 $0xFFFFF800  }
0x96: {  	[spmem:s2] =	stream.indirect.scatter.add.f32 [tilespmem:s10], [sflag:$0x4], $0x80, s4, s8, $0xb8;
	[tilespmem:$0x1C380] =	vst v63  }
0x97: {  	_ =	swait.ge [sflag:s23], $0x800  }
0x98: {  	[sflag:s23] =	ssyncset.done $0x0  }
0x99: {  	[sflag:s23] =	ssyncadd.s32 $0xFFFFF800  }
0x9a: {  	[bflag:$0x0] =	sbarrier.arrive $0xFFFF  }
0x9b: {  	s18 =	rddreg [dreg:$0xc]  }
0x9c: {  	[hbm:s18], [sflag:s9] =	dma.local [spmem:s13], $0x2700  }
0x9d: {  	_ =	swait.ge [sflag:s23], $0x2700  }
0x9e: {  	[sflag:s23] =	ssyncset.done $0x0  }
0x9f: {  	s13 =	rddreg [dreg:$0xd];
	[sflag:s23] =	ssyncadd.s32 $0xFFFFD900  }
0xa0: {  	[hbm:s13], [sflag:s9] =	dma.local @!p0 [spmem:s14], $0x100  }
0xa1: {  	s13 =	simm.s32 @!p0 $0x4  }
0xa2: {  	_ =	swait.ge @!p0 [sflag:s13], $0x100  }
0xa3: {  	s12 =	sadd.s32 $0x1, s12;
	s19 =	rddreg [dreg:$0xe]  }
0xa4: {  	p1 =	sne.s32 s12, s19  }
.Ltmp1:
0xa5: {  	_ = 	snop;
	(pc) =	sbr.rel @p1 .LBB2_1-.Ltmp1, $3  }
0xa6: {  	_ =	sdelay $0x1  }
0xa7: {  	[sflag:s13] =	ssyncset.done @!p0 $0x0  }
0xa8: {  	[sflag:s13] =	ssyncadd.s32 @!p0 $0xFFFFFF00  }
0xa9: {  	_ =	sfence.sel $0x180000  }
0xaa: {  	[bflag:$0x0] =	sbarrier.arrive $0xFFFF  }
0xab: {  	_ =	strace $0x90000047  }
0xac: {  	s0 =	stileid.u32;
	[bflag:$0x2] =	sbarrier.arrive $0xFFFF  }
0xad: {  	p0 =	sne.s32 s0, $0x0;
	s0 =	rddreg [dreg:$0x3]  }
0xae: {  	s0 =	sadd.s32 @!p0 $0x100000, s0  }
0xaf: {  	[sflag:s0] =	ssyncadd.tile.s32 @!p0 $0x1;
	_ =	shalt  }
.Lfunc_end2:
_tile_overlayer_lowered:
.L_overlay_start_2:
0xb0: {  	(tag) =	ssettag $0x2  }
0xb1: {  	s0 =	rddreg [dreg:$0x0];
	s2 =	stileid.u32  }
0xb2: {  	s1 =	rddreg [dreg:$0x1];
	p0 =	sne.s32 s2, $0x0  }
0xb3: {  	s3 =	rddreg [dreg:$0x2];
	[bflag:$0x3] =	sbarrier.arrive $0xFFFF;
	s2 =	simm.s32 @!p0 $0x1C04  }
0xb4: {  	[timem:s3], [sflag:s2] =	dma.local @!p0 [hbm:s0], s1  }
0xb5: {  	s0 =	simm.s32 @!p0 $0x4  }
0xb6: {  	_ =	swait.ge @!p0 [sflag:s0], s1  }
0xb7: {  	s1 =	ssub.s32 @!p0 $0x0, s1;
	[sflag:s0] =	ssyncset.done @!p0 $0x0  }
0xb8: {  	[sflag:s0] =	ssyncadd.s32 @!p0 s1  }
0xb9: {  	[bflag:$0x3] =	sbarrier.arrive $0xFFFF  }
0xba: {  	_ =	shalt  }

</sc_bundles>
